<compile_context>
chip_gen: v7x
topology: tpu7x:2x2x1
jax: 0.10.2.dev20260603
libtpu: 0.0.44.dev20260713+nightly
codegen_flags: <defaults>
</compile_context>

<pallas_src>
import functools

import jax
import jax.numpy as jnp
from jax import lax
from jax.experimental import pallas as pl
from jax.experimental.pallas import tpu as pltpu
from jax.experimental.pallas import tpu_sc as plsc

N = 10000
M = 10000
E = 320000
D = 4
HID = 32
F = 128
NC, NS, L = 2, 16, 16
NW = NC * NS
CB = 128
NCHUNK = E // CB
RPAD = 10112
RPT = RPAD // NS

_MESH = plsc.VectorSubcoreMesh(
    core_axis_name="c", subcore_axis_name="s", num_cores=NC, num_subcores=NS)



def _prep_body(x_ref, wl_ref, bl_ref, wb_ref, bb_ref, wp_ref, bp_ref,
               wg_ref, bg_ref, xl_ref, pa_ref, ga_ref):
    h = jnp.dot(x_ref[...], wl_ref[...], preferred_element_type=jnp.float32)
    h = h + bl_ref[...]
    xl_ref[...] = jnp.dot(h, wb_ref[...],
                          preferred_element_type=jnp.float32) + bb_ref[...]
    pa_ref[...] = jnp.dot(h, wp_ref[...],
                          preferred_element_type=jnp.float32) + bp_ref[...]
    ga_ref[...] = jnp.dot(h, wg_ref[...],
                          preferred_element_type=jnp.float32) + bg_ref[...]


def _prep(x, W_lin, b_lin, W_big, b_big, Wp, bp, Wg, bg):
    BR = 2000
    grid = (N // BR,)
    row_spec = pl.BlockSpec((BR, F), lambda i: (i, 0))
    w_spec = pl.BlockSpec((F, F), lambda i: (0, 0))
    w16_spec = pl.BlockSpec((F, L), lambda i: (0, 0))
    b_spec = pl.BlockSpec((1, F), lambda i: (0, 0))
    b16_spec = pl.BlockSpec((1, L), lambda i: (0, 0))
    out16_spec = pl.BlockSpec((BR, L), lambda i: (i, 0))
    return pl.pallas_call(
        _prep_body,
        grid=grid,
        in_specs=[row_spec, w_spec, b_spec, w_spec, b_spec, w16_spec,
                  b16_spec, w16_spec, b16_spec],
        out_specs=[row_spec, out16_spec, out16_spec],
        out_shape=[
            jax.ShapeDtypeStruct((N, F), jnp.float32),
            jax.ShapeDtypeStruct((N, L), jnp.float32),
            jax.ShapeDtypeStruct((N, L), jnp.float32),
        ],
    )(x, W_lin, b_lin.reshape(1, F), W_big, b_big.reshape(1, F),
      Wp, bp.reshape(1, L), Wg, bg.reshape(1, L))



def _sc_countsum_body(row_hbm, col_hbm, garr_hbm, qc_out, deg_out,
                      ridx, cidx, gbuf, qc_sh, deg_sh, sem):
    c = lax.axis_index("c")
    s = lax.axis_index("s")
    gwid = c * NS + s
    base = s * RPT

    def z_body(i, _):
        gbuf[i, :] = jnp.zeros((L,), jnp.float32)
        return 0
    lax.fori_loop(0, CB, z_body, 0)
    for t in range(RPT // CB):
        pltpu.sync_copy(gbuf, qc_sh.at[pl.ds(base + t * CB, CB)])
        pltpu.sync_copy(gbuf, deg_sh.at[pl.ds(base + t * CB, CB)])
    rem = RPT % CB
    pltpu.sync_copy(gbuf.at[pl.ds(0, rem)],
                    qc_sh.at[pl.ds(base + (RPT // CB) * CB, rem)])
    pltpu.sync_copy(gbuf.at[pl.ds(0, rem)],
                    deg_sh.at[pl.ds(base + (RPT // CB) * CB, rem)])
    plsc.subcore_barrier()

    nj = (NCHUNK + NW - 1 - gwid) // NW

    def chunk(jj, _):
        off = (gwid + jj * NW) * CB
        pltpu.sync_copy(row_hbm.at[pl.ds(off, CB)], ridx)
        pltpu.sync_copy(col_hbm.at[pl.ds(off, CB)], cidx)
        pltpu.async_copy(garr_hbm.at[ridx], gbuf, sem).wait()
        pltpu.sync_copy(gbuf, qc_sh.at[cidx], add=True)
        pltpu.sync_copy(gbuf, deg_sh.at[ridx], add=True)
        return 0
    lax.fori_loop(0, nj, chunk, 0)
    plsc.subcore_barrier()
    pltpu.sync_copy(qc_sh.at[pl.ds(base, RPT)],
                    qc_out.at[c, pl.ds(base, RPT)])
    pltpu.sync_copy(deg_sh.at[pl.ds(base, RPT)],
                    deg_out.at[c, pl.ds(base, RPT)])


def _sc_countsum(row, col, garr):
    return pl.kernel(
        _sc_countsum_body,
        out_type=[
            jax.ShapeDtypeStruct((NC, RPAD, L), jnp.float32),
            jax.ShapeDtypeStruct((NC, RPAD, L), jnp.float32),
        ],
        mesh=_MESH,
        compiler_params=pltpu.CompilerParams(use_tc_tiling_on_sc=False),
        scratch_types=[
            pltpu.VMEM((CB,), jnp.int32),
            pltpu.VMEM((CB,), jnp.int32),
            pltpu.VMEM((CB, L), jnp.float32),
            pltpu.VMEM_SHARED((RPAD, L), jnp.float32),
            pltpu.VMEM_SHARED((RPAD, L), jnp.float32),
            pltpu.SemaphoreType.DMA,
        ],
    )(row, col, garr)



def _mid1_body(qc_ref, qm_ref):
    qc = qc_ref[0] + qc_ref[1]
    cnt = qc[:, 4:5]
    inv = 1.0 / jnp.maximum(cnt, 1.0)
    binv = jnp.where(cnt > 0, inv, 0.0)
    li = lax.broadcasted_iota(jnp.int32, qc.shape, 1)
    qm_ref[...] = jnp.where(li == 4, binv, qc * inv)


def _mid1(qc_parts):
    BR = 2528
    return pl.pallas_call(
        _mid1_body,
        grid=(RPAD // BR,),
        in_specs=[pl.BlockSpec((NC, BR, L), lambda i: (0, i, 0))],
        out_specs=pl.BlockSpec((BR, L), lambda i: (i, 0)),
        out_shape=jax.ShapeDtypeStruct((RPAD, L), jnp.float32),
    )(qc_parts)



def _sc_alpha_body(row_hbm, col_hbm, parr_hbm, qm_hbm, alpha_out,
                   ridx, cidx, pbuf, qbuf, sem):
    c = lax.axis_index("c")
    s = lax.axis_index("s")
    gwid = c * NS + s
    nj = (NCHUNK + NW - 1 - gwid) // NW

    def chunk(jj, _):
        off = (gwid + jj * NW) * CB
        pltpu.sync_copy(row_hbm.at[pl.ds(off, CB)], ridx)
        pltpu.sync_copy(col_hbm.at[pl.ds(off, CB)], cidx)
        pltpu.async_copy(parr_hbm.at[ridx], pbuf, sem).wait()
        pltpu.async_copy(qm_hbm.at[cidx], qbuf, sem).wait()

        def e_body(i, _):
            t = pbuf[i, :] + qbuf[i, :]
            t = jnp.minimum(jnp.maximum(t, -15.0), 15.0)
            ex = jnp.exp(t + t)
            pbuf[i, :] = (ex - 1.0) / (ex + 1.0)
            return 0
        lax.fori_loop(0, CB, e_body, 0)
        pltpu.sync_copy(pbuf, alpha_out.at[pl.ds(off, CB)])
        return 0
    lax.fori_loop(0, nj, chunk, 0)


def _sc_alpha(row, col, parr, qmean):
    return pl.kernel(
        _sc_alpha_body,
        out_type=jax.ShapeDtypeStruct((E, L), jnp.float32),
        mesh=_MESH,
        compiler_params=pltpu.CompilerParams(use_tc_tiling_on_sc=False),
        scratch_types=[
            pltpu.VMEM((CB,), jnp.int32),
            pltpu.VMEM((CB,), jnp.int32),
            pltpu.VMEM((CB, L), jnp.float32),
            pltpu.VMEM((CB, L), jnp.float32),
            pltpu.SemaphoreType.DMA,
        ],
    )(row, col, parr, qmean)



def _sc_pass_body(gkey_hbm, skey_hbm, alpha_hbm, src_hbm, acc_out,
                  gidx, sidx, xbuf, abuf, acc_sh, sem):
    c = lax.axis_index("c")
    s = lax.axis_index("s")
    gwid = c * NS + s
    base = s * RPT

    def z_body(i, _):
        for jj in range(F // L):
            xbuf[i, pl.ds(jj * L, L)] = jnp.zeros((L,), jnp.float32)
        return 0
    lax.fori_loop(0, CB, z_body, 0)
    for t in range(RPT // CB):
        pltpu.sync_copy(xbuf, acc_sh.at[pl.ds(base + t * CB, CB)])
    rem = RPT % CB
    pltpu.sync_copy(xbuf.at[pl.ds(0, rem)],
                    acc_sh.at[pl.ds(base + (RPT // CB) * CB, rem)])
    plsc.subcore_barrier()

    nj = (NCHUNK + NW - 1 - gwid) // NW

    def chunk(jj, _):
        off = (gwid + jj * NW) * CB
        pltpu.sync_copy(gkey_hbm.at[pl.ds(off, CB)], gidx)
        pltpu.sync_copy(skey_hbm.at[pl.ds(off, CB)], sidx)
        pltpu.async_copy(src_hbm.at[gidx], xbuf, sem).wait()
        pltpu.sync_copy(alpha_hbm.at[pl.ds(off, CB)], abuf)

        def e_body(i, _):
            av = abuf[i, :]
            for k in range(D):
                a = av[k]
                for h2 in range(2):
                    jj2 = 2 * k + h2
                    xbuf[i, pl.ds(jj2 * L, L)] = \
                        xbuf[i, pl.ds(jj2 * L, L)] * a
            return 0
        lax.fori_loop(0, CB, e_body, 0)
        pltpu.sync_copy(xbuf, acc_sh.at[sidx], add=True)
        return 0
    lax.fori_loop(0, nj, chunk, 0)
    plsc.subcore_barrier()
    pltpu.sync_copy(acc_sh.at[pl.ds(base, RPT)],
                    acc_out.at[c, pl.ds(base, RPT)])


def _sc_pass(gather_key, scatter_key, alpha, src):
    return pl.kernel(
        _sc_pass_body,
        out_type=jax.ShapeDtypeStruct((NC, RPAD, F), jnp.float32),
        mesh=_MESH,
        compiler_params=pltpu.CompilerParams(use_tc_tiling_on_sc=False),
        scratch_types=[
            pltpu.VMEM((CB,), jnp.int32),
            pltpu.VMEM((CB,), jnp.int32),
            pltpu.VMEM((CB, F), jnp.float32),
            pltpu.VMEM((CB, L), jnp.float32),
            pltpu.VMEM_SHARED((RPAD, F), jnp.float32),
            pltpu.SemaphoreType.DMA,
        ],
    )(gather_key, scatter_key, alpha, src)



def _mid2_body(m_ref, qm_ref, out_ref):
    binv = qm_ref[...][:, 4:5]
    out_ref[...] = (m_ref[0] + m_ref[1]) * binv


def _mid2(m_parts, qmean):
    BR = 2528
    return pl.pallas_call(
        _mid2_body,
        grid=(RPAD // BR,),
        in_specs=[pl.BlockSpec((NC, BR, F), lambda i: (0, i, 0)),
                  pl.BlockSpec((BR, L), lambda i: (i, 0))],
        out_specs=pl.BlockSpec((BR, F), lambda i: (i, 0)),
        out_shape=jax.ShapeDtypeStruct((RPAD, F), jnp.float32),
    )(m_parts, qmean)



def _final_body(y_ref, deg_ref, bias_ref, out_ref):
    deg = deg_ref[0][:, 4:5] + deg_ref[1][:, 4:5]
    dinv = jnp.where(deg > 0, 1.0 / jnp.maximum(deg, 1.0), 0.0)
    out_ref[...] = (y_ref[0] + y_ref[1]) * dinv + bias_ref[...]


def _final(y_parts, deg_parts, bias128):
    BR = 2528
    return pl.pallas_call(
        _final_body,
        grid=(RPAD // BR,),
        in_specs=[pl.BlockSpec((NC, BR, F), lambda i: (0, i, 0)),
                  pl.BlockSpec((NC, BR, L), lambda i: (0, i, 0)),
                  pl.BlockSpec((1, F), lambda i: (0, 0))],
        out_specs=pl.BlockSpec((BR, F), lambda i: (i, 0)),
        out_shape=jax.ShapeDtypeStruct((RPAD, F), jnp.float32),
    )(y_parts, deg_parts, bias128)



def kernel(x, hyperedge_index, W_lin, b_lin, W_sheaf, b_sheaf,
           W_conv, b_conv, bias):
    hi = hyperedge_index.astype(jnp.int32)
    row = hi[0]
    col = hi[1]

    W_big = jnp.kron(jnp.eye(D, dtype=W_conv.dtype), W_conv)
    b_big = jnp.tile(b_conv, D)
    Wp = jnp.pad(W_sheaf[:F], ((0, 0), (0, L - D)))
    bp = jnp.pad(b_sheaf, (0, L - D))
    Wg = jnp.pad(W_sheaf[F:], ((0, 0), (0, L - D)))
    bg = jnp.zeros((L,), jnp.float32).at[D].set(1.0)
    bias128 = jnp.tile(bias, D).reshape(1, F)

    xl, parr, garr = _prep(x, W_lin, b_lin, W_big, b_big, Wp, bp, Wg, bg)

    qc_parts, deg_parts = _sc_countsum(row, col, garr)
    qmean = _mid1(qc_parts)
    alpha = _sc_alpha(row, col, parr, qmean)

    m_parts = _sc_pass(row, col, alpha, xl)
    m_fin = _mid2(m_parts, qmean)
    y_parts = _sc_pass(col, row, alpha, m_fin)
    y = _final(y_parts, deg_parts, bias128)
    return y[:N]

# --- scband reference (transcript-rebuilt; emitter-appended) ---
"""Pipeline reference for scband-sheaf-hyper-gnn-2241972928552 (READ-ONLY COPY).

The authoritative reference and input builder live on the scoring server;
editing this copy changes nothing except your own understanding.
"""

import jax, jax.numpy as jnp
import numpy as np

N = 10000
M = 10000
E = 320000
D_SHEAF = 4
F_IN = 128
HID = 32  # F_IN // D_SHEAF


def setup_inputs(seed: int = 0) -> dict:
    key = jax.random.key(seed)
    k = jax.random.split(key, 10)
    x = jax.random.normal(k[0], (N, F_IN), dtype=jnp.float32)
    hyperedge_index = jax.random.randint(k[1], (2, E), 0, N, dtype=jnp.int64)
    # learned params
    W_lin = jax.random.normal(k[2], (F_IN, D_SHEAF * HID), dtype=jnp.float32) * (1.0 / np.sqrt(F_IN))
    b_lin = jnp.zeros((D_SHEAF * HID,), dtype=jnp.float32)
    W_sheaf = jax.random.normal(k[3], (2 * D_SHEAF * HID, D_SHEAF), dtype=jnp.float32) * (1.0 / np.sqrt(2 * D_SHEAF * HID))
    b_sheaf = jnp.zeros((D_SHEAF,), dtype=jnp.float32)
    W_conv = jax.random.normal(k[4], (HID, HID), dtype=jnp.float32) * (1.0 / np.sqrt(HID))
    b_conv = jnp.zeros((HID,), dtype=jnp.float32)
    bias = jnp.zeros((HID,), dtype=jnp.float32)
    return {"x": x, "hyperedge_index": hyperedge_index, "W_lin": W_lin, "b_lin": b_lin,
            "W_sheaf": W_sheaf, "b_sheaf": b_sheaf, "W_conv": W_conv, "b_conv": b_conv, "bias": bias}


def reference(x, hyperedge_index, W_lin, b_lin, W_sheaf, b_sheaf, W_conv, b_conv, bias):
    d = D_SHEAF
    hid = HID
    row = hyperedge_index[0]
    col = hyperedge_index[1]
    # node projection to d stalks of size hid
    h = x @ W_lin + b_lin                      # [N, d*hid]
    hs = jnp.take(h, row, axis=0)              # [E, d*hid]
    # predict_blocks_var2: hyperedge features = scatter_mean of node feats
    ones_e = jnp.ones((row.shape[0],), dtype=x.dtype)
    cnt = jax.ops.segment_sum(ones_e, col, num_segments=M)
    e_feat = jax.ops.segment_sum(hs, col, num_segments=M) / jnp.clip(cnt, 1.0)[:, None]
    feat = jnp.concatenate([hs, jnp.take(e_feat, col, axis=0)], axis=-1)  # [E, 2*d*hid]
    alpha = jnp.tanh(feat @ W_sheaf + b_sheaf)  # [E, d] diagonal restriction maps
    # generate_indices_general (diag case): expand to Nd x Md incidence
    dr = jnp.arange(d, dtype=row.dtype)
    big_row = (d * row[:, None] + dr[None, :]).reshape(-1)   # [E*d]
    big_col = (d * col[:, None] + dr[None, :]).reshape(-1)   # [E*d]
    a = alpha.reshape(-1)                                    # [E*d]
    # conv lin on stalk-stacked features
    xs = h.reshape(N * d, hid)
    xl = xs @ W_conv + b_conv
    # degree normalisation matrices
    ones_ed = jnp.ones_like(a)
    Dg = jax.ops.segment_sum(ones_ed, big_row, num_segments=N * d)
    D_inv = jnp.where(Dg > 0, 1.0 / jnp.where(Dg > 0, Dg, 1.0), 0.0)
    Bg = jax.ops.segment_sum(ones_ed, big_col, num_segments=M * d)
    B_inv = jnp.where(Bg > 0, 1.0 / jnp.where(Bg > 0, Bg, 1.0), 0.0)
    # minus_L x = D^-1 H B^-1 H^T x  (sparse diffusion operator)
    m = jax.ops.segment_sum(a[:, None] * jnp.take(xl, big_row, axis=0), big_col, num_segments=M * d)
    m = B_inv[:, None] * m
    y = jax.ops.segment_sum(a[:, None] * jnp.take(m, big_col, axis=0), big_row, num_segments=N * d)
    y = D_inv[:, None] * y + bias
    return y.reshape(N, d * hid)

if __name__ == "__main__":
    import jax
    _d = setup_inputs()
    print(jax.jit(kernel)(*tuple(_d.values())))

</pallas_src>

<mosaic_0001>
#map = affine_map<(d0, d1) -> (0)>
#map1 = affine_map<(d0, d1) -> (0, 0)>
#map2 = affine_map<(d0, d1) -> (0, 0, 0)>
module attributes {stable_mosaic.version = 14 : i64} {
  func.func @_sc_countsum_body(%arg0: i32, %arg1: i32, %arg2: memref<320000xi32, #tpu.memory_space<hbm>>, %arg3: memref<320000xi32, #tpu.memory_space<hbm>>, %arg4: memref<10000x16xf32, #tpu.memory_space<hbm>>, %arg5: memref<2x10112x16xf32, #tpu.memory_space<hbm>>, %arg6: memref<2x10112x16xf32, #tpu.memory_space<hbm>>, %arg7: memref<128xi32, #tpu.memory_space<vmem>>, %arg8: memref<128xi32, #tpu.memory_space<vmem>>, %arg9: memref<128x16xf32, #tpu.memory_space<vmem>>, %arg10: memref<10112x16xf32, #tpu.memory_space<vmem_shared>>, %arg11: memref<10112x16xf32, #tpu.memory_space<vmem_shared>>, %arg12: memref<!tpu.dma_semaphore, #tpu.memory_space<semaphore_mem>>) attributes {dimension_semantics = [#tpu.dimension_semantics<core_parallel>, #tpu.dimension_semantics<subcore_parallel>], iteration_bounds = array<i64: 2, 16>, scalar_prefetch = 0 : i64, scratch_operands = 6 : i64, tpu.core_type = #tpu.core_type<sc_vector_subcore>, window_params = [{transform_indices = #map}, {transform_indices = #map}, {transform_indices = #map1}, {transform_indices = #map2}, {transform_indices = #map2}]} {
    %mul3A = arith.constant 16 : i32
    %mul3A_0 = arith.muli %arg0, %mul3A : i32
    %add3A = arith.addi %mul3A_0, %arg1 : i32
    %mul3A_1 = arith.constant 632 : i32
    %mul3A_2 = arith.muli %arg1, %mul3A_1 : i32
    %scan3A = arith.constant 0 : i32
    %scan3A_3 = arith.constant 0 : i32
    %scan3A_4 = arith.constant 128 : i32
    %scan3A_5 = arith.addi %scan3A_3, %scan3A_4 : i32
    %scan3A_6 = arith.constant 1 : i32
    %scan3A_7 = scf.for %scan3A_59 = %scan3A_3 to %scan3A_5 step %scan3A_6 iter_args(%scan3A_60 = %scan3A) -> (i32)  : i32 {
      %broadcast_in_dim3A = arith.constant 0.000000e+00 : f32
      %broadcast_in_dim3A_61 = vector.broadcast %broadcast_in_dim3A : f32 to vector<16xf32>
      %swap3A = arith.index_cast %scan3A_59 : i32 to index
      %swap3A_62 = arith.constant 0 : index
      %swap3A_63 = tpu.vector_load %arg9[%swap3A, %swap3A_62] {strides = array<i32>} : memref<128x16xf32, #tpu.memory_space<vmem>>, vector<1x16xf32>,
      %swap3A_64 = vector.shape_cast %swap3A_63 : vector<1x16xf32> to vector<16xf32>
      %swap3A_65 = vector.shape_cast %broadcast_in_dim3A_61 : vector<16xf32> to vector<1x16xf32>
      tpu.vector_store %arg9[%swap3A, %swap3A_62], %swap3A_65 {strides = array<i32>} : memref<128x16xf32, #tpu.memory_space<vmem>>, vector<1x16xf32>,
      %scan3A_66 = arith.constant 0 : i32
      scf.yield %scan3A_66 : i32
    }
    %scan3A_8 = arith.constant 128 : i32
    %add3A_9 = arith.constant 0 : i32
    %add3A_10 = arith.addi %mul3A_2, %add3A_9 : i32
    "tpu.region"() ({
      %run_scoped3A = tpu.sem_alloc : memref<!tpu.dma_semaphore, #tpu.memory_space<semaphore_mem>>
      %dma_start3A = arith.constant 0 : i32
      %dma_start3A_59 = tpu.memref_slice %arg10[%add3A_10, %dma_start3A] : memref<10112x16xf32, #tpu.memory_space<vmem_shared>> -> memref<128x16xf32, #tpu.memory_space<vmem_shared>>
      %dma_start3A_60 = arith.constant 0 : i32
      %dma_start3A_61 = tpu.memref_slice %arg10[%add3A_10, %dma_start3A_60] : memref<10112x16xf32, #tpu.memory_space<vmem_shared>> -> memref<128x16xf32, #tpu.memory_space<vmem_shared>>
      tpu.enqueue_dma source(%arg9 : memref<128x16xf32, #tpu.memory_space<vmem>>) target(%dma_start3A_61 : memref<128x16xf32, #tpu.memory_space<vmem_shared>>) target_semaphore(%run_scoped3A : memref<!tpu.dma_semaphore, #tpu.memory_space<semaphore_mem>>)
      %dma_wait3A = arith.constant 0 : i32
      %dma_wait3A_62 = tpu.memref_slice %arg10[%add3A_10, %dma_wait3A] : memref<10112x16xf32, #tpu.memory_space<vmem_shared>> -> memref<128x16xf32, #tpu.memory_space<vmem_shared>>
      %dma_wait3A_63 = arith.constant 0 : i32
      %dma_wait3A_64 = tpu.memref_slice %arg10[%add3A_10, %dma_wait3A_63] : memref<10112x16xf32, #tpu.memory_space<vmem_shared>> -> memref<128x16xf32, #tpu.memory_space<vmem_shared>>
      tpu.wait_dma2 semaphore(%run_scoped3A : memref<!tpu.dma_semaphore, #tpu.memory_space<semaphore_mem>>) src(%arg9 : memref<128x16xf32, #tpu.memory_space<vmem>>) dst(%dma_wait3A_64 : memref<128x16xf32, #tpu.memory_space<vmem_shared>>)
      tpu.yield
    }) : () -> ()
    %add3A_11 = arith.constant 0 : i32
    %add3A_12 = arith.addi %mul3A_2, %add3A_11 : i32
    "tpu.region"() ({
      %run_scoped3A = tpu.sem_alloc : memref<!tpu.dma_semaphore, #tpu.memory_space<semaphore_mem>>
      %dma_start3A = arith.constant 0 : i32
      %dma_start3A_59 = tpu.memref_slice %arg11[%add3A_12, %dma_start3A] : memref<10112x16xf32, #tpu.memory_space<vmem_shared>> -> memref<128x16xf32, #tpu.memory_space<vmem_shared>>
      %dma_start3A_60 = arith.constant 0 : i32
      %dma_start3A_61 = tpu.memref_slice %arg11[%add3A_12, %dma_start3A_60] : memref<10112x16xf32, #tpu.memory_space<vmem_shared>> -> memref<128x16xf32, #tpu.memory_space<vmem_shared>>
      tpu.enqueue_dma source(%arg9 : memref<128x16xf32, #tpu.memory_space<vmem>>) target(%dma_start3A_61 : memref<128x16xf32, #tpu.memory_space<vmem_shared>>) target_semaphore(%run_scoped3A : memref<!tpu.dma_semaphore, #tpu.memory_space<semaphore_mem>>)
      %dma_wait3A = arith.constant 0 : i32
      %dma_wait3A_62 = tpu.memref_slice %arg11[%add3A_12, %dma_wait3A] : memref<10112x16xf32, #tpu.memory_space<vmem_shared>> -> memref<128x16xf32, #tpu.memory_space<vmem_shared>>
      %dma_wait3A_63 = arith.constant 0 : i32
      %dma_wait3A_64 = tpu.memref_slice %arg11[%add3A_12, %dma_wait3A_63] : memref<10112x16xf32, #tpu.memory_space<vmem_shared>> -> memref<128x16xf32, #tpu.memory_space<vmem_shared>>
      tpu.wait_dma2 semaphore(%run_scoped3A : memref<!tpu.dma_semaphore, #tpu.memory_space<semaphore_mem>>) src(%arg9 : memref<128x16xf32, #tpu.memory_space<vmem>>) dst(%dma_wait3A_64 : memref<128x16xf32, #tpu.memory_space<vmem_shared>>)
      tpu.yield
    }) : () -> ()
    %add3A_13 = arith.constant 128 : i32
    %add3A_14 = arith.addi %mul3A_2, %add3A_13 : i32
    "tpu.region"() ({
      %run_scoped3A = tpu.sem_alloc : memref<!tpu.dma_semaphore, #tpu.memory_space<semaphore_mem>>
      %dma_start3A = arith.constant 0 : i32
      %dma_start3A_59 = tpu.memref_slice %arg10[%add3A_14, %dma_start3A] : memref<10112x16xf32, #tpu.memory_space<vmem_shared>> -> memref<128x16xf32, #tpu.memory_space<vmem_shared>>
      %dma_start3A_60 = arith.constant 0 : i32
      %dma_start3A_61 = tpu.memref_slice %arg10[%add3A_14, %dma_start3A_60] : memref<10112x16xf32, #tpu.memory_space<vmem_shared>> -> memref<128x16xf32, #tpu.memory_space<vmem_shared>>
      tpu.enqueue_dma source(%arg9 : memref<128x16xf32, #tpu.memory_space<vmem>>) target(%dma_start3A_61 : memref<128x16xf32, #tpu.memory_space<vmem_shared>>) target_semaphore(%run_scoped3A : memref<!tpu.dma_semaphore, #tpu.memory_space<semaphore_mem>>)
      %dma_wait3A = arith.constant 0 : i32
      %dma_wait3A_62 = tpu.memref_slice %arg10[%add3A_14, %dma_wait3A] : memref<10112x16xf32, #tpu.memory_space<vmem_shared>> -> memref<128x16xf32, #tpu.memory_space<vmem_shared>>
      %dma_wait3A_63 = arith.constant 0 : i32
      %dma_wait3A_64 = tpu.memref_slice %arg10[%add3A_14, %dma_wait3A_63] : memref<10112x16xf32, #tpu.memory_space<vmem_shared>> -> memref<128x16xf32, #tpu.memory_space<vmem_shared>>
      tpu.wait_dma2 semaphore(%run_scoped3A : memref<!tpu.dma_semaphore, #tpu.memory_space<semaphore_mem>>) src(%arg9 : memref<128x16xf32, #tpu.memory_space<vmem>>) dst(%dma_wait3A_64 : memref<128x16xf32, #tpu.memory_space<vmem_shared>>)
      tpu.yield
    }) : () -> ()
    %add3A_15 = arith.constant 128 : i32
    %add3A_16 = arith.addi %mul3A_2, %add3A_15 : i32
    "tpu.region"() ({
      %run_scoped3A = tpu.sem_alloc : memref<!tpu.dma_semaphore, #tpu.memory_space<semaphore_mem>>
      %dma_start3A = arith.constant 0 : i32
      %dma_start3A_59 = tpu.memref_slice %arg11[%add3A_16, %dma_start3A] : memref<10112x16xf32, #tpu.memory_space<vmem_shared>> -> memref<128x16xf32, #tpu.memory_space<vmem_shared>>
      %dma_start3A_60 = arith.constant 0 : i32
      %dma_start3A_61 = tpu.memref_slice %arg11[%add3A_16, %dma_start3A_60] : memref<10112x16xf32, #tpu.memory_space<vmem_shared>> -> memref<128x16xf32, #tpu.memory_space<vmem_shared>>
      tpu.enqueue_dma source(%arg9 : memref<128x16xf32, #tpu.memory_space<vmem>>) target(%dma_start3A_61 : memref<128x16xf32, #tpu.memory_space<vmem_shared>>) target_semaphore(%run_scoped3A : memref<!tpu.dma_semaphore, #tpu.memory_space<semaphore_mem>>)
      %dma_wait3A = arith.constant 0 : i32
      %dma_wait3A_62 = tpu.memref_slice %arg11[%add3A_16, %dma_wait3A] : memref<10112x16xf32, #tpu.memory_space<vmem_shared>> -> memref<128x16xf32, #tpu.memory_space<vmem_shared>>
      %dma_wait3A_63 = arith.constant 0 : i32
      %dma_wait3A_64 = tpu.memref_slice %arg11[%add3A_16, %dma_wait3A_63] : memref<10112x16xf32, #tpu.memory_space<vmem_shared>> -> memref<128x16xf32, #tpu.memory_space<vmem_shared>>
      tpu.wait_dma2 semaphore(%run_scoped3A : memref<!tpu.dma_semaphore, #tpu.memory_space<semaphore_mem>>) src(%arg9 : memref<128x16xf32, #tpu.memory_space<vmem>>) dst(%dma_wait3A_64 : memref<128x16xf32, #tpu.memory_space<vmem_shared>>)
      tpu.yield
    }) : () -> ()
    %add3A_17 = arith.constant 256 : i32
    %add3A_18 = arith.addi %mul3A_2, %add3A_17 : i32
    "tpu.region"() ({
      %run_scoped3A = tpu.sem_alloc : memref<!tpu.dma_semaphore, #tpu.memory_space<semaphore_mem>>
      %dma_start3A = arith.constant 0 : i32
      %dma_start3A_59 = tpu.memref_slice %arg10[%add3A_18, %dma_start3A] : memref<10112x16xf32, #tpu.memory_space<vmem_shared>> -> memref<128x16xf32, #tpu.memory_space<vmem_shared>>
      %dma_start3A_60 = arith.constant 0 : i32
      %dma_start3A_61 = tpu.memref_slice %arg10[%add3A_18, %dma_start3A_60] : memref<10112x16xf32, #tpu.memory_space<vmem_shared>> -> memref<128x16xf32, #tpu.memory_space<vmem_shared>>
      tpu.enqueue_dma source(%arg9 : memref<128x16xf32, #tpu.memory_space<vmem>>) target(%dma_start3A_61 : memref<128x16xf32, #tpu.memory_space<vmem_shared>>) target_semaphore(%run_scoped3A : memref<!tpu.dma_semaphore, #tpu.memory_space<semaphore_mem>>)
      %dma_wait3A = arith.constant 0 : i32
      %dma_wait3A_62 = tpu.memref_slice %arg10[%add3A_18, %dma_wait3A] : memref<10112x16xf32, #tpu.memory_space<vmem_shared>> -> memref<128x16xf32, #tpu.memory_space<vmem_shared>>
      %dma_wait3A_63 = arith.constant 0 : i32
      %dma_wait3A_64 = tpu.memref_slice %arg10[%add3A_18, %dma_wait3A_63] : memref<10112x16xf32, #tpu.memory_space<vmem_shared>> -> memref<128x16xf32, #tpu.memory_space<vmem_shared>>
      tpu.wait_dma2 semaphore(%run_scoped3A : memref<!tpu.dma_semaphore, #tpu.memory_space<semaphore_mem>>) src(%arg9 : memref<128x16xf32, #tpu.memory_space<vmem>>) dst(%dma_wait3A_64 : memref<128x16xf32, #tpu.memory_space<vmem_shared>>)
      tpu.yield
    }) : () -> ()
    %add3A_19 = arith.constant 256 : i32
    %add3A_20 = arith.addi %mul3A_2, %add3A_19 : i32
    "tpu.region"() ({
      %run_scoped3A = tpu.sem_alloc : memref<!tpu.dma_semaphore, #tpu.memory_space<semaphore_mem>>
      %dma_start3A = arith.constant 0 : i32
      %dma_start3A_59 = tpu.memref_slice %arg11[%add3A_20, %dma_start3A] : memref<10112x16xf32, #tpu.memory_space<vmem_shared>> -> memref<128x16xf32, #tpu.memory_space<vmem_shared>>
      %dma_start3A_60 = arith.constant 0 : i32
      %dma_start3A_61 = tpu.memref_slice %arg11[%add3A_20, %dma_start3A_60] : memref<10112x16xf32, #tpu.memory_space<vmem_shared>> -> memref<128x16xf32, #tpu.memory_space<vmem_shared>>
      tpu.enqueue_dma source(%arg9 : memref<128x16xf32, #tpu.memory_space<vmem>>) target(%dma_start3A_61 : memref<128x16xf32, #tpu.memory_space<vmem_shared>>) target_semaphore(%run_scoped3A : memref<!tpu.dma_semaphore, #tpu.memory_space<semaphore_mem>>)
      %dma_wait3A = arith.constant 0 : i32
      %dma_wait3A_62 = tpu.memref_slice %arg11[%add3A_20, %dma_wait3A] : memref<10112x16xf32, #tpu.memory_space<vmem_shared>> -> memref<128x16xf32, #tpu.memory_space<vmem_shared>>
      %dma_wait3A_63 = arith.constant 0 : i32
      %dma_wait3A_64 = tpu.memref_slice %arg11[%add3A_20, %dma_wait3A_63] : memref<10112x16xf32, #tpu.memory_space<vmem_shared>> -> memref<128x16xf32, #tpu.memory_space<vmem_shared>>
      tpu.wait_dma2 semaphore(%run_scoped3A : memref<!tpu.dma_semaphore, #tpu.memory_space<semaphore_mem>>) src(%arg9 : memref<128x16xf32, #tpu.memory_space<vmem>>) dst(%dma_wait3A_64 : memref<128x16xf32, #tpu.memory_space<vmem_shared>>)
      tpu.yield
    }) : () -> ()
    %add3A_21 = arith.constant 384 : i32
    %add3A_22 = arith.addi %mul3A_2, %add3A_21 : i32
    "tpu.region"() ({
      %run_scoped3A = tpu.sem_alloc : memref<!tpu.dma_semaphore, #tpu.memory_space<semaphore_mem>>
      %dma_start3A = arith.constant 0 : i32
      %dma_start3A_59 = tpu.memref_slice %arg10[%add3A_22, %dma_start3A] : memref<10112x16xf32, #tpu.memory_space<vmem_shared>> -> memref<128x16xf32, #tpu.memory_space<vmem_shared>>
      %dma_start3A_60 = arith.constant 0 : i32
      %dma_start3A_61 = tpu.memref_slice %arg10[%add3A_22, %dma_start3A_60] : memref<10112x16xf32, #tpu.memory_space<vmem_shared>> -> memref<128x16xf32, #tpu.memory_space<vmem_shared>>
      tpu.enqueue_dma source(%arg9 : memref<128x16xf32, #tpu.memory_space<vmem>>) target(%dma_start3A_61 : memref<128x16xf32, #tpu.memory_space<vmem_shared>>) target_semaphore(%run_scoped3A : memref<!tpu.dma_semaphore, #tpu.memory_space<semaphore_mem>>)
      %dma_wait3A = arith.constant 0 : i32
      %dma_wait3A_62 = tpu.memref_slice %arg10[%add3A_22, %dma_wait3A] : memref<10112x16xf32, #tpu.memory_space<vmem_shared>> -> memref<128x16xf32, #tpu.memory_space<vmem_shared>>
      %dma_wait3A_63 = arith.constant 0 : i32
      %dma_wait3A_64 = tpu.memref_slice %arg10[%add3A_22, %dma_wait3A_63] : memref<10112x16xf32, #tpu.memory_space<vmem_shared>> -> memref<128x16xf32, #tpu.memory_space<vmem_shared>>
      tpu.wait_dma2 semaphore(%run_scoped3A : memref<!tpu.dma_semaphore, #tpu.memory_space<semaphore_mem>>) src(%arg9 : memref<128x16xf32, #tpu.memory_space<vmem>>) dst(%dma_wait3A_64 : memref<128x16xf32, #tpu.memory_space<vmem_shared>>)
      tpu.yield
    }) : () -> ()
    %add3A_23 = arith.constant 384 : i32
    %add3A_24 = arith.addi %mul3A_2, %add3A_23 : i32
    "tpu.region"() ({
      %run_scoped3A = tpu.sem_alloc : memref<!tpu.dma_semaphore, #tpu.memory_space<semaphore_mem>>
      %dma_start3A = arith.constant 0 : i32
      %dma_start3A_59 = tpu.memref_slice %arg11[%add3A_24, %dma_start3A] : memref<10112x16xf32, #tpu.memory_space<vmem_shared>> -> memref<128x16xf32, #tpu.memory_space<vmem_shared>>
      %dma_start3A_60 = arith.constant 0 : i32
      %dma_start3A_61 = tpu.memref_slice %arg11[%add3A_24, %dma_start3A_60] : memref<10112x16xf32, #tpu.memory_space<vmem_shared>> -> memref<128x16xf32, #tpu.memory_space<vmem_shared>>
      tpu.enqueue_dma source(%arg9 : memref<128x16xf32, #tpu.memory_space<vmem>>) target(%dma_start3A_61 : memref<128x16xf32, #tpu.memory_space<vmem_shared>>) target_semaphore(%run_scoped3A : memref<!tpu.dma_semaphore, #tpu.memory_space<semaphore_mem>>)
      %dma_wait3A = arith.constant 0 : i32
      %dma_wait3A_62 = tpu.memref_slice %arg11[%add3A_24, %dma_wait3A] : memref<10112x16xf32, #tpu.memory_space<vmem_shared>> -> memref<128x16xf32, #tpu.memory_space<vmem_shared>>
      %dma_wait3A_63 = arith.constant 0 : i32
      %dma_wait3A_64 = tpu.memref_slice %arg11[%add3A_24, %dma_wait3A_63] : memref<10112x16xf32, #tpu.memory_space<vmem_shared>> -> memref<128x16xf32, #tpu.memory_space<vmem_shared>>
      tpu.wait_dma2 semaphore(%run_scoped3A : memref<!tpu.dma_semaphore, #tpu.memory_space<semaphore_mem>>) src(%arg9 : memref<128x16xf32, #tpu.memory_space<vmem>>) dst(%dma_wait3A_64 : memref<128x16xf32, #tpu.memory_space<vmem_shared>>)
      tpu.yield
    }) : () -> ()
    %add3A_25 = arith.constant 512 : i32
    %add3A_26 = arith.addi %mul3A_2, %add3A_25 : i32
    "tpu.region"() ({
      %run_scoped3A = tpu.sem_alloc : memref<!tpu.dma_semaphore, #tpu.memory_space<semaphore_mem>>
      %dma_start3A = arith.constant 0 : i32
      %dma_start3A_59 = arith.constant 0 : i32
      %dma_start3A_60 = tpu.memref_slice %arg9[%dma_start3A, %dma_start3A_59] : memref<128x16xf32, #tpu.memory_space<vmem>> -> memref<120x16xf32, #tpu.memory_space<vmem>>
      %dma_start3A_61 = arith.constant 0 : i32
      %dma_start3A_62 = tpu.memref_slice %arg10[%add3A_26, %dma_start3A_61] : memref<10112x16xf32, #tpu.memory_space<vmem_shared>> -> memref<120x16xf32, #tpu.memory_space<vmem_shared>>
      %dma_start3A_63 = arith.constant 0 : i32
      %dma_start3A_64 = tpu.memref_slice %arg10[%add3A_26, %dma_start3A_63] : memref<10112x16xf32, #tpu.memory_space<vmem_shared>> -> memref<120x16xf32, #tpu.memory_space<vmem_shared>>
      %dma_start3A_65 = arith.constant 0 : i32
      %dma_start3A_66 = arith.constant 0 : i32
      %dma_start3A_67 = tpu.memref_slice %arg9[%dma_start3A_65, %dma_start3A_66] : memref<128x16xf32, #tpu.memory_space<vmem>> -> memref<120x16xf32, #tpu.memory_space<vmem>>
      tpu.enqueue_dma source(%dma_start3A_67 : memref<120x16xf32, #tpu.memory_space<vmem>>) target(%dma_start3A_64 : memref<120x16xf32, #tpu.memory_space<vmem_shared>>) target_semaphore(%run_scoped3A : memref<!tpu.dma_semaphore, #tpu.memory_space<semaphore_mem>>)
      %dma_wait3A = arith.constant 0 : i32
      %dma_wait3A_68 = arith.constant 0 : i32
      %dma_wait3A_69 = tpu.memref_slice %arg9[%dma_wait3A, %dma_wait3A_68] : memref<128x16xf32, #tpu.memory_space<vmem>> -> memref<120x16xf32, #tpu.memory_space<vmem>>
      %dma_wait3A_70 = arith.constant 0 : i32
      %dma_wait3A_71 = tpu.memref_slice %arg10[%add3A_26, %dma_wait3A_70] : memref<10112x16xf32, #tpu.memory_space<vmem_shared>> -> memref<120x16xf32, #tpu.memory_space<vmem_shared>>
      %dma_wait3A_72 = arith.constant 0 : i32
      %dma_wait3A_73 = tpu.memref_slice %arg10[%add3A_26, %dma_wait3A_72] : memref<10112x16xf32, #tpu.memory_space<vmem_shared>> -> memref<120x16xf32, #tpu.memory_space<vmem_shared>>
      %dma_wait3A_74 = arith.constant 0 : i32
      %dma_wait3A_75 = arith.constant 0 : i32
      %dma_wait3A_76 = tpu.memref_slice %arg9[%dma_wait3A_74, %dma_wait3A_75] : memref<128x16xf32, #tpu.memory_space<vmem>> -> memref<120x16xf32, #tpu.memory_space<vmem>>
      tpu.wait_dma2 semaphore(%run_scoped3A : memref<!tpu.dma_semaphore, #tpu.memory_space<semaphore_mem>>) src(%dma_wait3A_76 : memref<120x16xf32, #tpu.memory_space<vmem>>) dst(%dma_wait3A_73 : memref<120x16xf32, #tpu.memory_space<vmem_shared>>)
      tpu.yield
    }) : () -> ()
    %add3A_27 = arith.constant 512 : i32
    %add3A_28 = arith.addi %mul3A_2, %add3A_27 : i32
    "tpu.region"() ({
      %run_scoped3A = tpu.sem_alloc : memref<!tpu.dma_semaphore, #tpu.memory_space<semaphore_mem>>
      %dma_start3A = arith.constant 0 : i32
      %dma_start3A_59 = arith.constant 0 : i32
      %dma_start3A_60 = tpu.memref_slice %arg9[%dma_start3A, %dma_start3A_59] : memref<128x16xf32, #tpu.memory_space<vmem>> -> memref<120x16xf32, #tpu.memory_space<vmem>>
      %dma_start3A_61 = arith.constant 0 : i32
      %dma_start3A_62 = tpu.memref_slice %arg11[%add3A_28, %dma_start3A_61] : memref<10112x16xf32, #tpu.memory_space<vmem_shared>> -> memref<120x16xf32, #tpu.memory_space<vmem_shared>>
      %dma_start3A_63 = arith.constant 0 : i32
      %dma_start3A_64 = tpu.memref_slice %arg11[%add3A_28, %dma_start3A_63] : memref<10112x16xf32, #tpu.memory_space<vmem_shared>> -> memref<120x16xf32, #tpu.memory_space<vmem_shared>>
      %dma_start3A_65 = arith.constant 0 : i32
      %dma_start3A_66 = arith.constant 0 : i32
      %dma_start3A_67 = tpu.memref_slice %arg9[%dma_start3A_65, %dma_start3A_66] : memref<128x16xf32, #tpu.memory_space<vmem>> -> memref<120x16xf32, #tpu.memory_space<vmem>>
      tpu.enqueue_dma source(%dma_start3A_67 : memref<120x16xf32, #tpu.memory_space<vmem>>) target(%dma_start3A_64 : memref<120x16xf32, #tpu.memory_space<vmem_shared>>) target_semaphore(%run_scoped3A : memref<!tpu.dma_semaphore, #tpu.memory_space<semaphore_mem>>)
      %dma_wait3A = arith.constant 0 : i32
      %dma_wait3A_68 = arith.constant 0 : i32
      %dma_wait3A_69 = tpu.memref_slice %arg9[%dma_wait3A, %dma_wait3A_68] : memref<128x16xf32, #tpu.memory_space<vmem>> -> memref<120x16xf32, #tpu.memory_space<vmem>>
      %dma_wait3A_70 = arith.constant 0 : i32
      %dma_wait3A_71 = tpu.memref_slice %arg11[%add3A_28, %dma_wait3A_70] : memref<10112x16xf32, #tpu.memory_space<vmem_shared>> -> memref<120x16xf32, #tpu.memory_space<vmem_shared>>
      %dma_wait3A_72 = arith.constant 0 : i32
      %dma_wait3A_73 = tpu.memref_slice %arg11[%add3A_28, %dma_wait3A_72] : memref<10112x16xf32, #tpu.memory_space<vmem_shared>> -> memref<120x16xf32, #tpu.memory_space<vmem_shared>>
      %dma_wait3A_74 = arith.constant 0 : i32
      %dma_wait3A_75 = arith.constant 0 : i32
      %dma_wait3A_76 = tpu.memref_slice %arg9[%dma_wait3A_74, %dma_wait3A_75] : memref<128x16xf32, #tpu.memory_space<vmem>> -> memref<120x16xf32, #tpu.memory_space<vmem>>
      tpu.wait_dma2 semaphore(%run_scoped3A : memref<!tpu.dma_semaphore, #tpu.memory_space<semaphore_mem>>) src(%dma_wait3A_76 : memref<120x16xf32, #tpu.memory_space<vmem>>) dst(%dma_wait3A_73 : memref<120x16xf32, #tpu.memory_space<vmem_shared>>)
      tpu.yield
    }) : () -> ()
    %barrier3A = arith.constant 0 : index
    tpu.barrier barrier_id(%barrier3A)
    %sub3A = arith.constant 2531 : i32
    %sub3A_29 = arith.subi %sub3A, %add3A : i32
    %jit3A = arith.constant 32 : i32
    %div3A = arith.divsi %sub3A_29, %jit3A : i32
    %sign3A = arith.constant 0 : i32
    %sign3A_30 = arith.cmpi sgt, %sub3A_29, %sign3A : i32
    %sign3A_31 = arith.extui %sign3A_30 : i1 to i32
    %sign3A_32 = arith.constant 0 : i32
    %sign3A_33 = arith.cmpi slt, %sub3A_29, %sign3A_32 : i32
    %sign3A_34 = arith.extui %sign3A_33 : i1 to i32
    %sign3A_35 = arith.subi %sign3A_31, %sign3A_34 : i32
    %sign3A_36 = arith.constant 0 : i32
    %sign3A_37 = arith.cmpi sgt, %jit3A, %sign3A_36 : i32
    %sign3A_38 = arith.extui %sign3A_37 : i1 to i32
    %sign3A_39 = arith.constant 0 : i32
    %sign3A_40 = arith.cmpi slt, %jit3A, %sign3A_39 : i32
    %sign3A_41 = arith.extui %sign3A_40 : i1 to i32
    %sign3A_42 = arith.subi %sign3A_38, %sign3A_41 : i32
    %ne3A = arith.cmpi ne, %sign3A_35, %sign3A_42 : i32
    %rem3A = arith.remsi %sub3A_29, %jit3A : i32
    %ne3A_43 = arith.constant 0 : i32
    %ne3A_44 = arith.cmpi ne, %rem3A, %ne3A_43 : i32
    %and3A = arith.andi %ne3A, %ne3A_44 : i1
    %sub3A_45 = arith.constant 1 : i32
    %sub3A_46 = arith.subi %div3A, %sub3A_45 : i32
    %select_n3A = arith.select %and3A, %sub3A_46, %div3A : i32
    %while3A = arith.constant 0 : i32
    %while3A_47 = arith.constant 0 : i32
    %while3A_48 = arith.subi %select_n3A, %while3A : i32
    %while3A_49 = arith.addi %while3A, %while3A_48 : i32
    %while3A_50 = arith.constant 1 : i32
    %while3A_51 = arith.divsi %while3A_48, %while3A_50 : i32
    %while3A_52 = arith.muli %while3A_51, %while3A_50 : i32
    %while3A_53 = arith.addi %while3A, %while3A_52 : i32
    %while3A_54 = arith.constant 1 : i32
    %while3A_55 = scf.for %while3A_59 = %while3A to %while3A_53 step %while3A_54 iter_args(%while3A_60 = %while3A_47) -> (i32)  : i32 {
      %mul3A_61 = arith.constant 32 : i32
      %mul3A_62 = arith.muli %while3A_59, %mul3A_61 : i32
      %add3A_63 = arith.addi %add3A, %mul3A_62 : i32
      %mul3A_64 = arith.constant 128 : i32
      %mul3A_65 = arith.muli %add3A_63, %mul3A_64 : i32
      "tpu.region"() ({
        %run_scoped3A = tpu.sem_alloc : memref<!tpu.dma_semaphore, #tpu.memory_space<semaphore_mem>>
        %dma_start3A_71 = tpu.memref_slice %arg2[%mul3A_65] : memref<320000xi32, #tpu.memory_space<hbm>> -> memref<128xi32, #tpu.memory_space<hbm>>
        %dma_start3A_72 = tpu.memref_slice %arg2[%mul3A_65] : memref<320000xi32, #tpu.memory_space<hbm>> -> memref<128xi32, #tpu.memory_space<hbm>>
        tpu.enqueue_dma source(%dma_start3A_72 : memref<128xi32, #tpu.memory_space<hbm>>) target(%arg7 : memref<128xi32, #tpu.memory_space<vmem>>) target_semaphore(%run_scoped3A : memref<!tpu.dma_semaphore, #tpu.memory_space<semaphore_mem>>)
        %dma_wait3A_73 = tpu.memref_slice %arg2[%mul3A_65] : memref<320000xi32, #tpu.memory_space<hbm>> -> memref<128xi32, #tpu.memory_space<hbm>>
        %dma_wait3A_74 = tpu.memref_slice %arg2[%mul3A_65] : memref<320000xi32, #tpu.memory_space<hbm>> -> memref<128xi32, #tpu.memory_space<hbm>>
        tpu.wait_dma2 semaphore(%run_scoped3A : memref<!tpu.dma_semaphore, #tpu.memory_space<semaphore_mem>>) src(%dma_wait3A_74 : memref<128xi32, #tpu.memory_space<hbm>>) dst(%arg7 : memref<128xi32, #tpu.memory_space<vmem>>)
        tpu.yield
      }) : () -> ()
      "tpu.region"() ({
        %run_scoped3A = tpu.sem_alloc : memref<!tpu.dma_semaphore, #tpu.memory_space<semaphore_mem>>
        %dma_start3A_71 = tpu.memref_slice %arg3[%mul3A_65] : memref<320000xi32, #tpu.memory_space<hbm>> -> memref<128xi32, #tpu.memory_space<hbm>>
        %dma_start3A_72 = tpu.memref_slice %arg3[%mul3A_65] : memref<320000xi32, #tpu.memory_space<hbm>> -> memref<128xi32, #tpu.memory_space<hbm>>
        tpu.enqueue_dma source(%dma_start3A_72 : memref<128xi32, #tpu.memory_space<hbm>>) target(%arg8 : memref<128xi32, #tpu.memory_space<vmem>>) target_semaphore(%run_scoped3A : memref<!tpu.dma_semaphore, #tpu.memory_space<semaphore_mem>>)
        %dma_wait3A_73 = tpu.memref_slice %arg3[%mul3A_65] : memref<320000xi32, #tpu.memory_space<hbm>> -> memref<128xi32, #tpu.memory_space<hbm>>
        %dma_wait3A_74 = tpu.memref_slice %arg3[%mul3A_65] : memref<320000xi32, #tpu.memory_space<hbm>> -> memref<128xi32, #tpu.memory_space<hbm>>
        tpu.wait_dma2 semaphore(%run_scoped3A : memref<!tpu.dma_semaphore, #tpu.memory_space<semaphore_mem>>) src(%dma_wait3A_74 : memref<128xi32, #tpu.memory_space<hbm>>) dst(%arg8 : memref<128xi32, #tpu.memory_space<vmem>>)
        tpu.yield
      }) : () -> ()
      %dma_start3A = arith.constant 0 : i32
      %dma_start3A_66 = arith.constant 0 : i32
      %dma_start3A_67 = tpu.memref_slice %arg4[%dma_start3A, %dma_start3A_66] : memref<10000x16xf32, #tpu.memory_space<hbm>> -> memref<10000x16xf32, #tpu.memory_space<hbm>>
      tpu.enqueue_indirect_dma source(%dma_start3A_67 : memref<10000x16xf32, #tpu.memory_space<hbm>>) target(%arg9 : memref<128x16xf32, #tpu.memory_space<vmem>>) offsets(%arg7 : memref<128xi32, #tpu.memory_space<vmem>>) semaphore(%arg12 : memref<!tpu.dma_semaphore, #tpu.memory_space<semaphore_mem>>)
      %dma_wait3A = arith.constant 0 : i32
      %dma_wait3A_68 = arith.constant 0 : i32
      %dma_wait3A_69 = tpu.memref_slice %arg4[%dma_wait3A, %dma_wait3A_68] : memref<10000x16xf32, #tpu.memory_space<hbm>> -> memref<10000x16xf32, #tpu.memory_space<hbm>>
      tpu.wait_indirect_dma semaphore(%arg12 : memref<!tpu.dma_semaphore, #tpu.memory_space<semaphore_mem>>) src(%dma_wait3A_69 : memref<10000x16xf32, #tpu.memory_space<hbm>>) dst(%arg9 : memref<128x16xf32, #tpu.memory_space<vmem>>)
      "tpu.region"() ({
        %run_scoped3A = tpu.sem_alloc : memref<!tpu.dma_semaphore, #tpu.memory_space<semaphore_mem>>
        %dma_start3A_71 = arith.constant 0 : i32
        %dma_start3A_72 = arith.constant 0 : i32
        %dma_start3A_73 = tpu.memref_slice %arg10[%dma_start3A_71, %dma_start3A_72] : memref<10112x16xf32, #tpu.memory_space<vmem_shared>> -> memref<10112x16xf32, #tpu.memory_space<vmem_shared>>
        tpu.enqueue_indirect_dma source(%arg9 : memref<128x16xf32, #tpu.memory_space<vmem>>) target(%dma_start3A_73 : memref<10112x16xf32, #tpu.memory_space<vmem_shared>>) offsets(%arg8 : memref<128xi32, #tpu.memory_space<vmem>>) semaphore(%run_scoped3A : memref<!tpu.dma_semaphore, #tpu.memory_space<semaphore_mem>>) {add = true}
        %dma_wait3A_74 = arith.constant 0 : i32
        %dma_wait3A_75 = arith.constant 0 : i32
        %dma_wait3A_76 = tpu.memref_slice %arg10[%dma_wait3A_74, %dma_wait3A_75] : memref<10112x16xf32, #tpu.memory_space<vmem_shared>> -> memref<10112x16xf32, #tpu.memory_space<vmem_shared>>
        tpu.wait_indirect_dma semaphore(%run_scoped3A : memref<!tpu.dma_semaphore, #tpu.memory_space<semaphore_mem>>) src(%arg9 : memref<128x16xf32, #tpu.memory_space<vmem>>) dst(%dma_wait3A_76 : memref<10112x16xf32, #tpu.memory_space<vmem_shared>>)
        tpu.yield
      }) : () -> ()
      "tpu.region"() ({
        %run_scoped3A = tpu.sem_alloc : memref<!tpu.dma_semaphore, #tpu.memory_space<semaphore_mem>>
        %dma_start3A_71 = arith.constant 0 : i32
        %dma_start3A_72 = arith.constant 0 : i32
        %dma_start3A_73 = tpu.memref_slice %arg11[%dma_start3A_71, %dma_start3A_72] : memref<10112x16xf32, #tpu.memory_space<vmem_shared>> -> memref<10112x16xf32, #tpu.memory_space<vmem_shared>>
        tpu.enqueue_indirect_dma source(%arg9 : memref<128x16xf32, #tpu.memory_space<vmem>>) target(%dma_start3A_73 : memref<10112x16xf32, #tpu.memory_space<vmem_shared>>) offsets(%arg7 : memref<128xi32, #tpu.memory_space<vmem>>) semaphore(%run_scoped3A : memref<!tpu.dma_semaphore, #tpu.memory_space<semaphore_mem>>) {add = true}
        %dma_wait3A_74 = arith.constant 0 : i32
        %dma_wait3A_75 = arith.constant 0 : i32
        %dma_wait3A_76 = tpu.memref_slice %arg11[%dma_wait3A_74, %dma_wait3A_75] : memref<10112x16xf32, #tpu.memory_space<vmem_shared>> -> memref<10112x16xf32, #tpu.memory_space<vmem_shared>>
        tpu.wait_indirect_dma semaphore(%run_scoped3A : memref<!tpu.dma_semaphore, #tpu.memory_space<semaphore_mem>>) src(%arg9 : memref<128x16xf32, #tpu.memory_space<vmem>>) dst(%dma_wait3A_76 : memref<10112x16xf32, #tpu.memory_space<vmem_shared>>)
        tpu.yield
      }) : () -> ()
      %while3A_70 = arith.constant 0 : i32
      scf.yield %while3A_70 : i32
    }
    %while3A_56 = arith.constant 1 : i32
    %while3A_57 = scf.for %while3A_59 = %while3A_53 to %while3A_49 step %while3A_56 iter_args(%while3A_60 = %while3A_55) -> (i32)  : i32 {
      %mul3A_61 = arith.constant 32 : i32
      %mul3A_62 = arith.muli %while3A_59, %mul3A_61 : i32
      %add3A_63 = arith.addi %add3A, %mul3A_62 : i32
      %mul3A_64 = arith.constant 128 : i32
      %mul3A_65 = arith.muli %add3A_63, %mul3A_64 : i32
      "tpu.region"() ({
        %run_scoped3A = tpu.sem_alloc : memref<!tpu.dma_semaphore, #tpu.memory_space<semaphore_mem>>
        %dma_start3A_71 = tpu.memref_slice %arg2[%mul3A_65] : memref<320000xi32, #tpu.memory_space<hbm>> -> memref<128xi32, #tpu.memory_space<hbm>>
        %dma_start3A_72 = tpu.memref_slice %arg2[%mul3A_65] : memref<320000xi32, #tpu.memory_space<hbm>> -> memref<128xi32, #tpu.memory_space<hbm>>
        tpu.enqueue_dma source(%dma_start3A_72 : memref<128xi32, #tpu.memory_space<hbm>>) target(%arg7 : memref<128xi32, #tpu.memory_space<vmem>>) target_semaphore(%run_scoped3A : memref<!tpu.dma_semaphore, #tpu.memory_space<semaphore_mem>>)
        %dma_wait3A_73 = tpu.memref_slice %arg2[%mul3A_65] : memref<320000xi32, #tpu.memory_space<hbm>> -> memref<128xi32, #tpu.memory_space<hbm>>
        %dma_wait3A_74 = tpu.memref_slice %arg2[%mul3A_65] : memref<320000xi32, #tpu.memory_space<hbm>> -> memref<128xi32, #tpu.memory_space<hbm>>
        tpu.wait_dma2 semaphore(%run_scoped3A : memref<!tpu.dma_semaphore, #tpu.memory_space<semaphore_mem>>) src(%dma_wait3A_74 : memref<128xi32, #tpu.memory_space<hbm>>) dst(%arg7 : memref<128xi32, #tpu.memory_space<vmem>>)
        tpu.yield
      }) : () -> ()
      "tpu.region"() ({
        %run_scoped3A = tpu.sem_alloc : memref<!tpu.dma_semaphore, #tpu.memory_space<semaphore_mem>>
        %dma_start3A_71 = tpu.memref_slice %arg3[%mul3A_65] : memref<320000xi32, #tpu.memory_space<hbm>> -> memref<128xi32, #tpu.memory_space<hbm>>
        %dma_start3A_72 = tpu.memref_slice %arg3[%mul3A_65] : memref<320000xi32, #tpu.memory_space<hbm>> -> memref<128xi32, #tpu.memory_space<hbm>>
        tpu.enqueue_dma source(%dma_start3A_72 : memref<128xi32, #tpu.memory_space<hbm>>) target(%arg8 : memref<128xi32, #tpu.memory_space<vmem>>) target_semaphore(%run_scoped3A : memref<!tpu.dma_semaphore, #tpu.memory_space<semaphore_mem>>)
        %dma_wait3A_73 = tpu.memref_slice %arg3[%mul3A_65] : memref<320000xi32, #tpu.memory_space<hbm>> -> memref<128xi32, #tpu.memory_space<hbm>>
        %dma_wait3A_74 = tpu.memref_slice %arg3[%mul3A_65] : memref<320000xi32, #tpu.memory_space<hbm>> -> memref<128xi32, #tpu.memory_space<hbm>>
        tpu.wait_dma2 semaphore(%run_scoped3A : memref<!tpu.dma_semaphore, #tpu.memory_space<semaphore_mem>>) src(%dma_wait3A_74 : memref<128xi32, #tpu.memory_space<hbm>>) dst(%arg8 : memref<128xi32, #tpu.memory_space<vmem>>)
        tpu.yield
      }) : () -> ()
      %dma_start3A = arith.constant 0 : i32
      %dma_start3A_66 = arith.constant 0 : i32
      %dma_start3A_67 = tpu.memref_slice %arg4[%dma_start3A, %dma_start3A_66] : memref<10000x16xf32, #tpu.memory_space<hbm>> -> memref<10000x16xf32, #tpu.memory_space<hbm>>
      tpu.enqueue_indirect_dma source(%dma_start3A_67 : memref<10000x16xf32, #tpu.memory_space<hbm>>) target(%arg9 : memref<128x16xf32, #tpu.memory_space<vmem>>) offsets(%arg7 : memref<128xi32, #tpu.memory_space<vmem>>) semaphore(%arg12 : memref<!tpu.dma_semaphore, #tpu.memory_space<semaphore_mem>>)
      %dma_wait3A = arith.constant 0 : i32
      %dma_wait3A_68 = arith.constant 0 : i32
      %dma_wait3A_69 = tpu.memref_slice %arg4[%dma_wait3A, %dma_wait3A_68] : memref<10000x16xf32, #tpu.memory_space<hbm>> -> memref<10000x16xf32, #tpu.memory_space<hbm>>
      tpu.wait_indirect_dma semaphore(%arg12 : memref<!tpu.dma_semaphore, #tpu.memory_space<semaphore_mem>>) src(%dma_wait3A_69 : memref<10000x16xf32, #tpu.memory_space<hbm>>) dst(%arg9 : memref<128x16xf32, #tpu.memory_space<vmem>>)
      "tpu.region"() ({
        %run_scoped3A = tpu.sem_alloc : memref<!tpu.dma_semaphore, #tpu.memory_space<semaphore_mem>>
        %dma_start3A_71 = arith.constant 0 : i32
        %dma_start3A_72 = arith.constant 0 : i32
        %dma_start3A_73 = tpu.memref_slice %arg10[%dma_start3A_71, %dma_start3A_72] : memref<10112x16xf32, #tpu.memory_space<vmem_shared>> -> memref<10112x16xf32, #tpu.memory_space<vmem_shared>>
        tpu.enqueue_indirect_dma source(%arg9 : memref<128x16xf32, #tpu.memory_space<vmem>>) target(%dma_start3A_73 : memref<10112x16xf32, #tpu.memory_space<vmem_shared>>) offsets(%arg8 : memref<128xi32, #tpu.memory_space<vmem>>) semaphore(%run_scoped3A : memref<!tpu.dma_semaphore, #tpu.memory_space<semaphore_mem>>) {add = true}
        %dma_wait3A_74 = arith.constant 0 : i32
        %dma_wait3A_75 = arith.constant 0 : i32
        %dma_wait3A_76 = tpu.memref_slice %arg10[%dma_wait3A_74, %dma_wait3A_75] : memref<10112x16xf32, #tpu.memory_space<vmem_shared>> -> memref<10112x16xf32, #tpu.memory_space<vmem_shared>>
        tpu.wait_indirect_dma semaphore(%run_scoped3A : memref<!tpu.dma_semaphore, #tpu.memory_space<semaphore_mem>>) src(%arg9 : memref<128x16xf32, #tpu.memory_space<vmem>>) dst(%dma_wait3A_76 : memref<10112x16xf32, #tpu.memory_space<vmem_shared>>)
        tpu.yield
      }) : () -> ()
      "tpu.region"() ({
        %run_scoped3A = tpu.sem_alloc : memref<!tpu.dma_semaphore, #tpu.memory_space<semaphore_mem>>
        %dma_start3A_71 = arith.constant 0 : i32
        %dma_start3A_72 = arith.constant 0 : i32
        %dma_start3A_73 = tpu.memref_slice %arg11[%dma_start3A_71, %dma_start3A_72] : memref<10112x16xf32, #tpu.memory_space<vmem_shared>> -> memref<10112x16xf32, #tpu.memory_space<vmem_shared>>
        tpu.enqueue_indirect_dma source(%arg9 : memref<128x16xf32, #tpu.memory_space<vmem>>) target(%dma_start3A_73 : memref<10112x16xf32, #tpu.memory_space<vmem_shared>>) offsets(%arg7 : memref<128xi32, #tpu.memory_space<vmem>>) semaphore(%run_scoped3A : memref<!tpu.dma_semaphore, #tpu.memory_space<semaphore_mem>>) {add = true}
        %dma_wait3A_74 = arith.constant 0 : i32
        %dma_wait3A_75 = arith.constant 0 : i32
        %dma_wait3A_76 = tpu.memref_slice %arg11[%dma_wait3A_74, %dma_wait3A_75] : memref<10112x16xf32, #tpu.memory_space<vmem_shared>> -> memref<10112x16xf32, #tpu.memory_space<vmem_shared>>
        tpu.wait_indirect_dma semaphore(%run_scoped3A : memref<!tpu.dma_semaphore, #tpu.memory_space<semaphore_mem>>) src(%arg9 : memref<128x16xf32, #tpu.memory_space<vmem>>) dst(%dma_wait3A_76 : memref<10112x16xf32, #tpu.memory_space<vmem_shared>>)
        tpu.yield
      }) : () -> ()
      %while3A_70 = arith.constant 0 : i32
      scf.yield %while3A_70 : i32
    }
    %barrier3A_58 = arith.constant 0 : index
    tpu.barrier barrier_id(%barrier3A_58)
    "tpu.region"() ({
      %run_scoped3A = tpu.sem_alloc : memref<!tpu.dma_semaphore, #tpu.memory_space<semaphore_mem>>
      %dma_start3A = arith.constant 0 : i32
      %dma_start3A_59 = tpu.memref_slice %arg5[%arg0, %mul3A_2, %dma_start3A] : memref<2x10112x16xf32, #tpu.memory_space<hbm>> -> memref<1x632x16xf32, #tpu.memory_space<hbm>>
      %dma_start3A_60 = tpu.memref_squeeze %dma_start3A_59 : memref<1x632x16xf32, #tpu.memory_space<hbm>> -> memref<632x16xf32, #tpu.memory_space<hbm>>
      %dma_start3A_61 = arith.constant 0 : i32
      %dma_start3A_62 = tpu.memref_slice %arg10[%mul3A_2, %dma_start3A_61] : memref<10112x16xf32, #tpu.memory_space<vmem_shared>> -> memref<632x16xf32, #tpu.memory_space<vmem_shared>>
      tpu.enqueue_dma source(%dma_start3A_62 : memref<632x16xf32, #tpu.memory_space<vmem_shared>>) target(%dma_start3A_60 : memref<632x16xf32, #tpu.memory_space<hbm>>) target_semaphore(%run_scoped3A : memref<!tpu.dma_semaphore, #tpu.memory_space<semaphore_mem>>)
      %dma_wait3A = arith.constant 0 : i32
      %dma_wait3A_63 = tpu.memref_slice %arg5[%arg0, %mul3A_2, %dma_wait3A] : memref<2x10112x16xf32, #tpu.memory_space<hbm>> -> memref<1x632x16xf32, #tpu.memory_space<hbm>>
      %dma_wait3A_64 = tpu.memref_squeeze %dma_wait3A_63 : memref<1x632x16xf32, #tpu.memory_space<hbm>> -> memref<632x16xf32, #tpu.memory_space<hbm>>
      %dma_wait3A_65 = arith.constant 0 : i32
      %dma_wait3A_66 = tpu.memref_slice %arg10[%mul3A_2, %dma_wait3A_65] : memref<10112x16xf32, #tpu.memory_space<vmem_shared>> -> memref<632x16xf32, #tpu.memory_space<vmem_shared>>
      tpu.wait_dma2 semaphore(%run_scoped3A : memref<!tpu.dma_semaphore, #tpu.memory_space<semaphore_mem>>) src(%dma_wait3A_66 : memref<632x16xf32, #tpu.memory_space<vmem_shared>>) dst(%dma_wait3A_64 : memref<632x16xf32, #tpu.memory_space<hbm>>)
      tpu.yield
    }) : () -> ()
    "tpu.region"() ({
      %run_scoped3A = tpu.sem_alloc : memref<!tpu.dma_semaphore, #tpu.memory_space<semaphore_mem>>
      %dma_start3A = arith.constant 0 : i32
      %dma_start3A_59 = tpu.memref_slice %arg6[%arg0, %mul3A_2, %dma_start3A] : memref<2x10112x16xf32, #tpu.memory_space<hbm>> -> memref<1x632x16xf32, #tpu.memory_space<hbm>>
      %dma_start3A_60 = tpu.memref_squeeze %dma_start3A_59 : memref<1x632x16xf32, #tpu.memory_space<hbm>> -> memref<632x16xf32, #tpu.memory_space<hbm>>
      %dma_start3A_61 = arith.constant 0 : i32
      %dma_start3A_62 = tpu.memref_slice %arg11[%mul3A_2, %dma_start3A_61] : memref<10112x16xf32, #tpu.memory_space<vmem_shared>> -> memref<632x16xf32, #tpu.memory_space<vmem_shared>>
      tpu.enqueue_dma source(%dma_start3A_62 : memref<632x16xf32, #tpu.memory_space<vmem_shared>>) target(%dma_start3A_60 : memref<632x16xf32, #tpu.memory_space<hbm>>) target_semaphore(%run_scoped3A : memref<!tpu.dma_semaphore, #tpu.memory_space<semaphore_mem>>)
      %dma_wait3A = arith.constant 0 : i32
      %dma_wait3A_63 = tpu.memref_slice %arg6[%arg0, %mul3A_2, %dma_wait3A] : memref<2x10112x16xf32, #tpu.memory_space<hbm>> -> memref<1x632x16xf32, #tpu.memory_space<hbm>>
      %dma_wait3A_64 = tpu.memref_squeeze %dma_wait3A_63 : memref<1x632x16xf32, #tpu.memory_space<hbm>> -> memref<632x16xf32, #tpu.memory_space<hbm>>
      %dma_wait3A_65 = arith.constant 0 : i32
      %dma_wait3A_66 = tpu.memref_slice %arg11[%mul3A_2, %dma_wait3A_65] : memref<10112x16xf32, #tpu.memory_space<vmem_shared>> -> memref<632x16xf32, #tpu.memory_space<vmem_shared>>
      tpu.wait_dma2 semaphore(%run_scoped3A : memref<!tpu.dma_semaphore, #tpu.memory_space<semaphore_mem>>) src(%dma_wait3A_66 : memref<632x16xf32, #tpu.memory_space<vmem_shared>>) dst(%dma_wait3A_64 : memref<632x16xf32, #tpu.memory_space<hbm>>)
      tpu.yield
    }) : () -> ()
    return
  }
}

#map = affine_map<(d0, d1) -> (0)>
#map1 = affine_map<(d0, d1) -> (0, 0)>
#map2 = affine_map<(d0, d1) -> (0, 0, 0)>
module attributes {stable_mosaic.version = 14 : i64} {
  func.func @_sc_pass_body(%arg0: i32, %arg1: i32, %arg2: memref<320000xi32, #tpu.memory_space<hbm>>, %arg3: memref<320000xi32, #tpu.memory_space<hbm>>, %arg4: memref<320000x16xf32, #tpu.memory_space<hbm>>, %arg5: memref<10112x128xf32, #tpu.memory_space<hbm>>, %arg6: memref<2x10112x128xf32, #tpu.memory_space<hbm>>, %arg7: memref<128xi32, #tpu.memory_space<vmem>>, %arg8: memref<128xi32, #tpu.memory_space<vmem>>, %arg9: memref<128x128xf32, #tpu.memory_space<vmem>>, %arg10: memref<128x16xf32, #tpu.memory_space<vmem>>, %arg11: memref<10112x128xf32, #tpu.memory_space<vmem_shared>>, %arg12: memref<!tpu.dma_semaphore, #tpu.memory_space<semaphore_mem>>) attributes {dimension_semantics = [#tpu.dimension_semantics<core_parallel>, #tpu.dimension_semantics<subcore_parallel>], iteration_bounds = array<i64: 2, 16>, scalar_prefetch = 0 : i64, scratch_operands = 6 : i64, tpu.core_type = #tpu.core_type<sc_vector_subcore>, window_params = [{transform_indices = #map}, {transform_indices = #map}, {transform_indices = #map1}, {transform_indices = #map1}, {transform_indices = #map2}]} {
    %mul3A = arith.constant 16 : i32
    %mul3A_0 = arith.muli %arg0, %mul3A : i32
    %add3A = arith.addi %mul3A_0, %arg1 : i32
    %mul3A_1 = arith.constant 632 : i32
    %mul3A_2 = arith.muli %arg1, %mul3A_1 : i32
    %scan3A = arith.constant 0 : i32
    %scan3A_3 = arith.constant 0 : i32
    %scan3A_4 = arith.constant 128 : i32
    %scan3A_5 = arith.addi %scan3A_3, %scan3A_4 : i32
    %scan3A_6 = arith.constant 1 : i32
    %scan3A_7 = scf.for %scan3A_49 = %scan3A_3 to %scan3A_5 step %scan3A_6 iter_args(%scan3A_50 = %scan3A) -> (i32)  : i32 {
      %broadcast_in_dim3A = arith.constant 0.000000e+00 : f32
      %broadcast_in_dim3A_51 = vector.broadcast %broadcast_in_dim3A : f32 to vector<16xf32>
      %swap3A = arith.index_cast %scan3A_49 : i32 to index
      %swap3A_52 = arith.constant 0 : index
      %swap3A_53 = tpu.vector_load %arg9[%swap3A, %swap3A_52] {strides = array<i32>} : memref<128x128xf32, #tpu.memory_space<vmem>>, vector<1x16xf32>,
      %swap3A_54 = vector.shape_cast %swap3A_53 : vector<1x16xf32> to vector<16xf32>
      %swap3A_55 = vector.shape_cast %broadcast_in_dim3A_51 : vector<16xf32> to vector<1x16xf32>
      tpu.vector_store %arg9[%swap3A, %swap3A_52], %swap3A_55 {strides = array<i32>} : memref<128x128xf32, #tpu.memory_space<vmem>>, vector<1x16xf32>,
      %broadcast_in_dim3A_56 = arith.constant 0.000000e+00 : f32
      %broadcast_in_dim3A_57 = vector.broadcast %broadcast_in_dim3A_56 : f32 to vector<16xf32>
      %swap3A_58 = arith.index_cast %scan3A_49 : i32 to index
      %swap3A_59 = arith.constant 16 : index
      %swap3A_60 = tpu.vector_load %arg9[%swap3A_58, %swap3A_59] {strides = array<i32>} : memref<128x128xf32, #tpu.memory_space<vmem>>, vector<1x16xf32>,
      %swap3A_61 = vector.shape_cast %swap3A_60 : vector<1x16xf32> to vector<16xf32>
      %swap3A_62 = vector.shape_cast %broadcast_in_dim3A_57 : vector<16xf32> to vector<1x16xf32>
      tpu.vector_store %arg9[%swap3A_58, %swap3A_59], %swap3A_62 {strides = array<i32>} : memref<128x128xf32, #tpu.memory_space<vmem>>, vector<1x16xf32>,
      %broadcast_in_dim3A_63 = arith.constant 0.000000e+00 : f32
      %broadcast_in_dim3A_64 = vector.broadcast %broadcast_in_dim3A_63 : f32 to vector<16xf32>
      %swap3A_65 = arith.index_cast %scan3A_49 : i32 to index
      %swap3A_66 = arith.constant 32 : index
      %swap3A_67 = tpu.vector_load %arg9[%swap3A_65, %swap3A_66] {strides = array<i32>} : memref<128x128xf32, #tpu.memory_space<vmem>>, vector<1x16xf32>,
      %swap3A_68 = vector.shape_cast %swap3A_67 : vector<1x16xf32> to vector<16xf32>
      %swap3A_69 = vector.shape_cast %broadcast_in_dim3A_64 : vector<16xf32> to vector<1x16xf32>
      tpu.vector_store %arg9[%swap3A_65, %swap3A_66], %swap3A_69 {strides = array<i32>} : memref<128x128xf32, #tpu.memory_space<vmem>>, vector<1x16xf32>,
      %broadcast_in_dim3A_70 = arith.constant 0.000000e+00 : f32
      %broadcast_in_dim3A_71 = vector.broadcast %broadcast_in_dim3A_70 : f32 to vector<16xf32>
      %swap3A_72 = arith.index_cast %scan3A_49 : i32 to index
      %swap3A_73 = arith.constant 48 : index
      %swap3A_74 = tpu.vector_load %arg9[%swap3A_72, %swap3A_73] {strides = array<i32>} : memref<128x128xf32, #tpu.memory_space<vmem>>, vector<1x16xf32>,
      %swap3A_75 = vector.shape_cast %swap3A_74 : vector<1x16xf32> to vector<16xf32>
      %swap3A_76 = vector.shape_cast %broadcast_in_dim3A_71 : vector<16xf32> to vector<1x16xf32>
      tpu.vector_store %arg9[%swap3A_72, %swap3A_73], %swap3A_76 {strides = array<i32>} : memref<128x128xf32, #tpu.memory_space<vmem>>, vector<1x16xf32>,
      %broadcast_in_dim3A_77 = arith.constant 0.000000e+00 : f32
      %broadcast_in_dim3A_78 = vector.broadcast %broadcast_in_dim3A_77 : f32 to vector<16xf32>
      %swap3A_79 = arith.index_cast %scan3A_49 : i32 to index
      %swap3A_80 = arith.constant 64 : index
      %swap3A_81 = tpu.vector_load %arg9[%swap3A_79, %swap3A_80] {strides = array<i32>} : memref<128x128xf32, #tpu.memory_space<vmem>>, vector<1x16xf32>,
      %swap3A_82 = vector.shape_cast %swap3A_81 : vector<1x16xf32> to vector<16xf32>
      %swap3A_83 = vector.shape_cast %broadcast_in_dim3A_78 : vector<16xf32> to vector<1x16xf32>
      tpu.vector_store %arg9[%swap3A_79, %swap3A_80], %swap3A_83 {strides = array<i32>} : memref<128x128xf32, #tpu.memory_space<vmem>>, vector<1x16xf32>,
      %broadcast_in_dim3A_84 = arith.constant 0.000000e+00 : f32
      %broadcast_in_dim3A_85 = vector.broadcast %broadcast_in_dim3A_84 : f32 to vector<16xf32>
      %swap3A_86 = arith.index_cast %scan3A_49 : i32 to index
      %swap3A_87 = arith.constant 80 : index
      %swap3A_88 = tpu.vector_load %arg9[%swap3A_86, %swap3A_87] {strides = array<i32>} : memref<128x128xf32, #tpu.memory_space<vmem>>, vector<1x16xf32>,
      %swap3A_89 = vector.shape_cast %swap3A_88 : vector<1x16xf32> to vector<16xf32>
      %swap3A_90 = vector.shape_cast %broadcast_in_dim3A_85 : vector<16xf32> to vector<1x16xf32>
      tpu.vector_store %arg9[%swap3A_86, %swap3A_87], %swap3A_90 {strides = array<i32>} : memref<128x128xf32, #tpu.memory_space<vmem>>, vector<1x16xf32>,
      %broadcast_in_dim3A_91 = arith.constant 0.000000e+00 : f32
      %broadcast_in_dim3A_92 = vector.broadcast %broadcast_in_dim3A_91 : f32 to vector<16xf32>
      %swap3A_93 = arith.index_cast %scan3A_49 : i32 to index
      %swap3A_94 = arith.constant 96 : index
      %swap3A_95 = tpu.vector_load %arg9[%swap3A_93, %swap3A_94] {strides = array<i32>} : memref<128x128xf32, #tpu.memory_space<vmem>>, vector<1x16xf32>,
      %swap3A_96 = vector.shape_cast %swap3A_95 : vector<1x16xf32> to vector<16xf32>
      %swap3A_97 = vector.shape_cast %broadcast_in_dim3A_92 : vector<16xf32> to vector<1x16xf32>
      tpu.vector_store %arg9[%swap3A_93, %swap3A_94], %swap3A_97 {strides = array<i32>} : memref<128x128xf32, #tpu.memory_space<vmem>>, vector<1x16xf32>,
      %broadcast_in_dim3A_98 = arith.constant 0.000000e+00 : f32
      %broadcast_in_dim3A_99 = vector.broadcast %broadcast_in_dim3A_98 : f32 to vector<16xf32>
      %swap3A_100 = arith.index_cast %scan3A_49 : i32 to index
      %swap3A_101 = arith.constant 112 : index
      %swap3A_102 = tpu.vector_load %arg9[%swap3A_100, %swap3A_101] {strides = array<i32>} : memref<128x128xf32, #tpu.memory_space<vmem>>, vector<1x16xf32>,
      %swap3A_103 = vector.shape_cast %swap3A_102 : vector<1x16xf32> to vector<16xf32>
      %swap3A_104 = vector.shape_cast %broadcast_in_dim3A_99 : vector<16xf32> to vector<1x16xf32>
      tpu.vector_store %arg9[%swap3A_100, %swap3A_101], %swap3A_104 {strides = array<i32>} : memref<128x128xf32, #tpu.memory_space<vmem>>, vector<1x16xf32>,
      %scan3A_105 = arith.constant 0 : i32
      scf.yield %scan3A_105 : i32
    }
    %scan3A_8 = arith.constant 128 : i32
    %add3A_9 = arith.constant 0 : i32
    %add3A_10 = arith.addi %mul3A_2, %add3A_9 : i32
    "tpu.region"() ({
      %run_scoped3A = tpu.sem_alloc : memref<!tpu.dma_semaphore, #tpu.memory_space<semaphore_mem>>
      %dma_start3A = arith.constant 0 : i32
      %dma_start3A_49 = tpu.memref_slice %arg11[%add3A_10, %dma_start3A] : memref<10112x128xf32, #tpu.memory_space<vmem_shared>> -> memref<128x128xf32, #tpu.memory_space<vmem_shared>>
      %dma_start3A_50 = arith.constant 0 : i32
      %dma_start3A_51 = tpu.memref_slice %arg11[%add3A_10, %dma_start3A_50] : memref<10112x128xf32, #tpu.memory_space<vmem_shared>> -> memref<128x128xf32, #tpu.memory_space<vmem_shared>>
      tpu.enqueue_dma source(%arg9 : memref<128x128xf32, #tpu.memory_space<vmem>>) target(%dma_start3A_51 : memref<128x128xf32, #tpu.memory_space<vmem_shared>>) target_semaphore(%run_scoped3A : memref<!tpu.dma_semaphore, #tpu.memory_space<semaphore_mem>>)
      %dma_wait3A = arith.constant 0 : i32
      %dma_wait3A_52 = tpu.memref_slice %arg11[%add3A_10, %dma_wait3A] : memref<10112x128xf32, #tpu.memory_space<vmem_shared>> -> memref<128x128xf32, #tpu.memory_space<vmem_shared>>
      %dma_wait3A_53 = arith.constant 0 : i32
      %dma_wait3A_54 = tpu.memref_slice %arg11[%add3A_10, %dma_wait3A_53] : memref<10112x128xf32, #tpu.memory_space<vmem_shared>> -> memref<128x128xf32, #tpu.memory_space<vmem_shared>>
      tpu.wait_dma2 semaphore(%run_scoped3A : memref<!tpu.dma_semaphore, #tpu.memory_space<semaphore_mem>>) src(%arg9 : memref<128x128xf32, #tpu.memory_space<vmem>>) dst(%dma_wait3A_54 : memref<128x128xf32, #tpu.memory_space<vmem_shared>>)
      tpu.yield
    }) : () -> ()
    %add3A_11 = arith.constant 128 : i32
    %add3A_12 = arith.addi %mul3A_2, %add3A_11 : i32
    "tpu.region"() ({
      %run_scoped3A = tpu.sem_alloc : memref<!tpu.dma_semaphore, #tpu.memory_space<semaphore_mem>>
      %dma_start3A = arith.constant 0 : i32
      %dma_start3A_49 = tpu.memref_slice %arg11[%add3A_12, %dma_start3A] : memref<10112x128xf32, #tpu.memory_space<vmem_shared>> -> memref<128x128xf32, #tpu.memory_space<vmem_shared>>
      %dma_start3A_50 = arith.constant 0 : i32
      %dma_start3A_51 = tpu.memref_slice %arg11[%add3A_12, %dma_start3A_50] : memref<10112x128xf32, #tpu.memory_space<vmem_shared>> -> memref<128x128xf32, #tpu.memory_space<vmem_shared>>
      tpu.enqueue_dma source(%arg9 : memref<128x128xf32, #tpu.memory_space<vmem>>) target(%dma_start3A_51 : memref<128x128xf32, #tpu.memory_space<vmem_shared>>) target_semaphore(%run_scoped3A : memref<!tpu.dma_semaphore, #tpu.memory_space<semaphore_mem>>)
      %dma_wait3A = arith.constant 0 : i32
      %dma_wait3A_52 = tpu.memref_slice %arg11[%add3A_12, %dma_wait3A] : memref<10112x128xf32, #tpu.memory_space<vmem_shared>> -> memref<128x128xf32, #tpu.memory_space<vmem_shared>>
      %dma_wait3A_53 = arith.constant 0 : i32
      %dma_wait3A_54 = tpu.memref_slice %arg11[%add3A_12, %dma_wait3A_53] : memref<10112x128xf32, #tpu.memory_space<vmem_shared>> -> memref<128x128xf32, #tpu.memory_space<vmem_shared>>
      tpu.wait_dma2 semaphore(%run_scoped3A : memref<!tpu.dma_semaphore, #tpu.memory_space<semaphore_mem>>) src(%arg9 : memref<128x128xf32, #tpu.memory_space<vmem>>) dst(%dma_wait3A_54 : memref<128x128xf32, #tpu.memory_space<vmem_shared>>)
      tpu.yield
    }) : () -> ()
    %add3A_13 = arith.constant 256 : i32
    %add3A_14 = arith.addi %mul3A_2, %add3A_13 : i32
    "tpu.region"() ({
      %run_scoped3A = tpu.sem_alloc : memref<!tpu.dma_semaphore, #tpu.memory_space<semaphore_mem>>
      %dma_start3A = arith.constant 0 : i32
      %dma_start3A_49 = tpu.memref_slice %arg11[%add3A_14, %dma_start3A] : memref<10112x128xf32, #tpu.memory_space<vmem_shared>> -> memref<128x128xf32, #tpu.memory_space<vmem_shared>>
      %dma_start3A_50 = arith.constant 0 : i32
      %dma_start3A_51 = tpu.memref_slice %arg11[%add3A_14, %dma_start3A_50] : memref<10112x128xf32, #tpu.memory_space<vmem_shared>> -> memref<128x128xf32, #tpu.memory_space<vmem_shared>>
      tpu.enqueue_dma source(%arg9 : memref<128x128xf32, #tpu.memory_space<vmem>>) target(%dma_start3A_51 : memref<128x128xf32, #tpu.memory_space<vmem_shared>>) target_semaphore(%run_scoped3A : memref<!tpu.dma_semaphore, #tpu.memory_space<semaphore_mem>>)
      %dma_wait3A = arith.constant 0 : i32
      %dma_wait3A_52 = tpu.memref_slice %arg11[%add3A_14, %dma_wait3A] : memref<10112x128xf32, #tpu.memory_space<vmem_shared>> -> memref<128x128xf32, #tpu.memory_space<vmem_shared>>
      %dma_wait3A_53 = arith.constant 0 : i32
      %dma_wait3A_54 = tpu.memref_slice %arg11[%add3A_14, %dma_wait3A_53] : memref<10112x128xf32, #tpu.memory_space<vmem_shared>> -> memref<128x128xf32, #tpu.memory_space<vmem_shared>>
      tpu.wait_dma2 semaphore(%run_scoped3A : memref<!tpu.dma_semaphore, #tpu.memory_space<semaphore_mem>>) src(%arg9 : memref<128x128xf32, #tpu.memory_space<vmem>>) dst(%dma_wait3A_54 : memref<128x128xf32, #tpu.memory_space<vmem_shared>>)
      tpu.yield
    }) : () -> ()
    %add3A_15 = arith.constant 384 : i32
    %add3A_16 = arith.addi %mul3A_2, %add3A_15 : i32
    "tpu.region"() ({
      %run_scoped3A = tpu.sem_alloc : memref<!tpu.dma_semaphore, #tpu.memory_space<semaphore_mem>>
      %dma_start3A = arith.constant 0 : i32
      %dma_start3A_49 = tpu.memref_slice %arg11[%add3A_16, %dma_start3A] : memref<10112x128xf32, #tpu.memory_space<vmem_shared>> -> memref<128x128xf32, #tpu.memory_space<vmem_shared>>
      %dma_start3A_50 = arith.constant 0 : i32
      %dma_start3A_51 = tpu.memref_slice %arg11[%add3A_16, %dma_start3A_50] : memref<10112x128xf32, #tpu.memory_space<vmem_shared>> -> memref<128x128xf32, #tpu.memory_space<vmem_shared>>
      tpu.enqueue_dma source(%arg9 : memref<128x128xf32, #tpu.memory_space<vmem>>) target(%dma_start3A_51 : memref<128x128xf32, #tpu.memory_space<vmem_shared>>) target_semaphore(%run_scoped3A : memref<!tpu.dma_semaphore, #tpu.memory_space<semaphore_mem>>)
      %dma_wait3A = arith.constant 0 : i32
      %dma_wait3A_52 = tpu.memref_slice %arg11[%add3A_16, %dma_wait3A] : memref<10112x128xf32, #tpu.memory_space<vmem_shared>> -> memref<128x128xf32, #tpu.memory_space<vmem_shared>>
      %dma_wait3A_53 = arith.constant 0 : i32
      %dma_wait3A_54 = tpu.memref_slice %arg11[%add3A_16, %dma_wait3A_53] : memref<10112x128xf32, #tpu.memory_space<vmem_shared>> -> memref<128x128xf32, #tpu.memory_space<vmem_shared>>
      tpu.wait_dma2 semaphore(%run_scoped3A : memref<!tpu.dma_semaphore, #tpu.memory_space<semaphore_mem>>) src(%arg9 : memref<128x128xf32, #tpu.memory_space<vmem>>) dst(%dma_wait3A_54 : memref<128x128xf32, #tpu.memory_space<vmem_shared>>)
      tpu.yield
    }) : () -> ()
    %add3A_17 = arith.constant 512 : i32
    %add3A_18 = arith.addi %mul3A_2, %add3A_17 : i32
    "tpu.region"() ({
      %run_scoped3A = tpu.sem_alloc : memref<!tpu.dma_semaphore, #tpu.memory_space<semaphore_mem>>
      %dma_start3A = arith.constant 0 : i32
      %dma_start3A_49 = arith.constant 0 : i32
      %dma_start3A_50 = tpu.memref_slice %arg9[%dma_start3A, %dma_start3A_49] : memref<128x128xf32, #tpu.memory_space<vmem>> -> memref<120x128xf32, #tpu.memory_space<vmem>>
      %dma_start3A_51 = arith.constant 0 : i32
      %dma_start3A_52 = tpu.memref_slice %arg11[%add3A_18, %dma_start3A_51] : memref<10112x128xf32, #tpu.memory_space<vmem_shared>> -> memref<120x128xf32, #tpu.memory_space<vmem_shared>>
      %dma_start3A_53 = arith.constant 0 : i32
      %dma_start3A_54 = tpu.memref_slice %arg11[%add3A_18, %dma_start3A_53] : memref<10112x128xf32, #tpu.memory_space<vmem_shared>> -> memref<120x128xf32, #tpu.memory_space<vmem_shared>>
      %dma_start3A_55 = arith.constant 0 : i32
      %dma_start3A_56 = arith.constant 0 : i32
      %dma_start3A_57 = tpu.memref_slice %arg9[%dma_start3A_55, %dma_start3A_56] : memref<128x128xf32, #tpu.memory_space<vmem>> -> memref<120x128xf32, #tpu.memory_space<vmem>>
      tpu.enqueue_dma source(%dma_start3A_57 : memref<120x128xf32, #tpu.memory_space<vmem>>) target(%dma_start3A_54 : memref<120x128xf32, #tpu.memory_space<vmem_shared>>) target_semaphore(%run_scoped3A : memref<!tpu.dma_semaphore, #tpu.memory_space<semaphore_mem>>)
      %dma_wait3A = arith.constant 0 : i32
      %dma_wait3A_58 = arith.constant 0 : i32
      %dma_wait3A_59 = tpu.memref_slice %arg9[%dma_wait3A, %dma_wait3A_58] : memref<128x128xf32, #tpu.memory_space<vmem>> -> memref<120x128xf32, #tpu.memory_space<vmem>>
      %dma_wait3A_60 = arith.constant 0 : i32
      %dma_wait3A_61 = tpu.memref_slice %arg11[%add3A_18, %dma_wait3A_60] : memref<10112x128xf32, #tpu.memory_space<vmem_shared>> -> memref<120x128xf32, #tpu.memory_space<vmem_shared>>
      %dma_wait3A_62 = arith.constant 0 : i32
      %dma_wait3A_63 = tpu.memref_slice %arg11[%add3A_18, %dma_wait3A_62] : memref<10112x128xf32, #tpu.memory_space<vmem_shared>> -> memref<120x128xf32, #tpu.memory_space<vmem_shared>>
      %dma_wait3A_64 = arith.constant 0 : i32
      %dma_wait3A_65 = arith.constant 0 : i32
      %dma_wait3A_66 = tpu.memref_slice %arg9[%dma_wait3A_64, %dma_wait3A_65] : memref<128x128xf32, #tpu.memory_space<vmem>> -> memref<120x128xf32, #tpu.memory_space<vmem>>
      tpu.wait_dma2 semaphore(%run_scoped3A : memref<!tpu.dma_semaphore, #tpu.memory_space<semaphore_mem>>) src(%dma_wait3A_66 : memref<120x128xf32, #tpu.memory_space<vmem>>) dst(%dma_wait3A_63 : memref<120x128xf32, #tpu.memory_space<vmem_shared>>)
      tpu.yield
    }) : () -> ()
    %barrier3A = arith.constant 0 : index
    tpu.barrier barrier_id(%barrier3A)
    %sub3A = arith.constant 2531 : i32
    %sub3A_19 = arith.subi %sub3A, %add3A : i32
    %jit3A = arith.constant 32 : i32
    %div3A = arith.divsi %sub3A_19, %jit3A : i32
    %sign3A = arith.constant 0 : i32
    %sign3A_20 = arith.cmpi sgt, %sub3A_19, %sign3A : i32
    %sign3A_21 = arith.extui %sign3A_20 : i1 to i32
    %sign3A_22 = arith.constant 0 : i32
    %sign3A_23 = arith.cmpi slt, %sub3A_19, %sign3A_22 : i32
    %sign3A_24 = arith.extui %sign3A_23 : i1 to i32
    %sign3A_25 = arith.subi %sign3A_21, %sign3A_24 : i32
    %sign3A_26 = arith.constant 0 : i32
    %sign3A_27 = arith.cmpi sgt, %jit3A, %sign3A_26 : i32
    %sign3A_28 = arith.extui %sign3A_27 : i1 to i32
    %sign3A_29 = arith.constant 0 : i32
    %sign3A_30 = arith.cmpi slt, %jit3A, %sign3A_29 : i32
    %sign3A_31 = arith.extui %sign3A_30 : i1 to i32
    %sign3A_32 = arith.subi %sign3A_28, %sign3A_31 : i32
    %ne3A = arith.cmpi ne, %sign3A_25, %sign3A_32 : i32
    %rem3A = arith.remsi %sub3A_19, %jit3A : i32
    %ne3A_33 = arith.constant 0 : i32
    %ne3A_34 = arith.cmpi ne, %rem3A, %ne3A_33 : i32
    %and3A = arith.andi %ne3A, %ne3A_34 : i1
    %sub3A_35 = arith.constant 1 : i32
    %sub3A_36 = arith.subi %div3A, %sub3A_35 : i32
    %select_n3A = arith.select %and3A, %sub3A_36, %div3A : i32
    %while3A = arith.constant 0 : i32
    %while3A_37 = arith.constant 0 : i32
    %while3A_38 = arith.subi %select_n3A, %while3A : i32
    %while3A_39 = arith.addi %while3A, %while3A_38 : i32
    %while3A_40 = arith.constant 1 : i32
    %while3A_41 = arith.divsi %while3A_38, %while3A_40 : i32
    %while3A_42 = arith.muli %while3A_41, %while3A_40 : i32
    %while3A_43 = arith.addi %while3A, %while3A_42 : i32
    %while3A_44 = arith.constant 1 : i32
    %while3A_45 = scf.for %while3A_49 = %while3A to %while3A_43 step %while3A_44 iter_args(%while3A_50 = %while3A_37) -> (i32)  : i32 {
      %mul3A_51 = arith.constant 32 : i32
      %mul3A_52 = arith.muli %while3A_49, %mul3A_51 : i32
      %add3A_53 = arith.addi %add3A, %mul3A_52 : i32
      %mul3A_54 = arith.constant 128 : i32
      %mul3A_55 = arith.muli %add3A_53, %mul3A_54 : i32
      "tpu.region"() ({
        %run_scoped3A = tpu.sem_alloc : memref<!tpu.dma_semaphore, #tpu.memory_space<semaphore_mem>>
        %dma_start3A_68 = tpu.memref_slice %arg2[%mul3A_55] : memref<320000xi32, #tpu.memory_space<hbm>> -> memref<128xi32, #tpu.memory_space<hbm>>
        %dma_start3A_69 = tpu.memref_slice %arg2[%mul3A_55] : memref<320000xi32, #tpu.memory_space<hbm>> -> memref<128xi32, #tpu.memory_space<hbm>>
        tpu.enqueue_dma source(%dma_start3A_69 : memref<128xi32, #tpu.memory_space<hbm>>) target(%arg7 : memref<128xi32, #tpu.memory_space<vmem>>) target_semaphore(%run_scoped3A : memref<!tpu.dma_semaphore, #tpu.memory_space<semaphore_mem>>)
        %dma_wait3A_70 = tpu.memref_slice %arg2[%mul3A_55] : memref<320000xi32, #tpu.memory_space<hbm>> -> memref<128xi32, #tpu.memory_space<hbm>>
        %dma_wait3A_71 = tpu.memref_slice %arg2[%mul3A_55] : memref<320000xi32, #tpu.memory_space<hbm>> -> memref<128xi32, #tpu.memory_space<hbm>>
        tpu.wait_dma2 semaphore(%run_scoped3A : memref<!tpu.dma_semaphore, #tpu.memory_space<semaphore_mem>>) src(%dma_wait3A_71 : memref<128xi32, #tpu.memory_space<hbm>>) dst(%arg7 : memref<128xi32, #tpu.memory_space<vmem>>)
        tpu.yield
      }) : () -> ()
      "tpu.region"() ({
        %run_scoped3A = tpu.sem_alloc : memref<!tpu.dma_semaphore, #tpu.memory_space<semaphore_mem>>
        %dma_start3A_68 = tpu.memref_slice %arg3[%mul3A_55] : memref<320000xi32, #tpu.memory_space<hbm>> -> memref<128xi32, #tpu.memory_space<hbm>>
        %dma_start3A_69 = tpu.memref_slice %arg3[%mul3A_55] : memref<320000xi32, #tpu.memory_space<hbm>> -> memref<128xi32, #tpu.memory_space<hbm>>
        tpu.enqueue_dma source(%dma_start3A_69 : memref<128xi32, #tpu.memory_space<hbm>>) target(%arg8 : memref<128xi32, #tpu.memory_space<vmem>>) target_semaphore(%run_scoped3A : memref<!tpu.dma_semaphore, #tpu.memory_space<semaphore_mem>>)
        %dma_wait3A_70 = tpu.memref_slice %arg3[%mul3A_55] : memref<320000xi32, #tpu.memory_space<hbm>> -> memref<128xi32, #tpu.memory_space<hbm>>
        %dma_wait3A_71 = tpu.memref_slice %arg3[%mul3A_55] : memref<320000xi32, #tpu.memory_space<hbm>> -> memref<128xi32, #tpu.memory_space<hbm>>
        tpu.wait_dma2 semaphore(%run_scoped3A : memref<!tpu.dma_semaphore, #tpu.memory_space<semaphore_mem>>) src(%dma_wait3A_71 : memref<128xi32, #tpu.memory_space<hbm>>) dst(%arg8 : memref<128xi32, #tpu.memory_space<vmem>>)
        tpu.yield
      }) : () -> ()
      %dma_start3A = arith.constant 0 : i32
      %dma_start3A_56 = arith.constant 0 : i32
      %dma_start3A_57 = tpu.memref_slice %arg5[%dma_start3A, %dma_start3A_56] : memref<10112x128xf32, #tpu.memory_space<hbm>> -> memref<10112x128xf32, #tpu.memory_space<hbm>>
      tpu.enqueue_indirect_dma source(%dma_start3A_57 : memref<10112x128xf32, #tpu.memory_space<hbm>>) target(%arg9 : memref<128x128xf32, #tpu.memory_space<vmem>>) offsets(%arg7 : memref<128xi32, #tpu.memory_space<vmem>>) semaphore(%arg12 : memref<!tpu.dma_semaphore, #tpu.memory_space<semaphore_mem>>)
      %dma_wait3A = arith.constant 0 : i32
      %dma_wait3A_58 = arith.constant 0 : i32
      %dma_wait3A_59 = tpu.memref_slice %arg5[%dma_wait3A, %dma_wait3A_58] : memref<10112x128xf32, #tpu.memory_space<hbm>> -> memref<10112x128xf32, #tpu.memory_space<hbm>>
      tpu.wait_indirect_dma semaphore(%arg12 : memref<!tpu.dma_semaphore, #tpu.memory_space<semaphore_mem>>) src(%dma_wait3A_59 : memref<10112x128xf32, #tpu.memory_space<hbm>>) dst(%arg9 : memref<128x128xf32, #tpu.memory_space<vmem>>)
      "tpu.region"() ({
        %run_scoped3A = tpu.sem_alloc : memref<!tpu.dma_semaphore, #tpu.memory_space<semaphore_mem>>
        %dma_start3A_68 = arith.constant 0 : i32
        %dma_start3A_69 = tpu.memref_slice %arg4[%mul3A_55, %dma_start3A_68] : memref<320000x16xf32, #tpu.memory_space<hbm>> -> memref<128x16xf32, #tpu.memory_space<hbm>>
        %dma_start3A_70 = arith.constant 0 : i32
        %dma_start3A_71 = tpu.memref_slice %arg4[%mul3A_55, %dma_start3A_70] : memref<320000x16xf32, #tpu.memory_space<hbm>> -> memref<128x16xf32, #tpu.memory_space<hbm>>
        tpu.enqueue_dma source(%dma_start3A_71 : memref<128x16xf32, #tpu.memory_space<hbm>>) target(%arg10 : memref<128x16xf32, #tpu.memory_space<vmem>>) target_semaphore(%run_scoped3A : memref<!tpu.dma_semaphore, #tpu.memory_space<semaphore_mem>>)
        %dma_wait3A_72 = arith.constant 0 : i32
        %dma_wait3A_73 = tpu.memref_slice %arg4[%mul3A_55, %dma_wait3A_72] : memref<320000x16xf32, #tpu.memory_space<hbm>> -> memref<128x16xf32, #tpu.memory_space<hbm>>
        %dma_wait3A_74 = arith.constant 0 : i32
        %dma_wait3A_75 = tpu.memref_slice %arg4[%mul3A_55, %dma_wait3A_74] : memref<320000x16xf32, #tpu.memory_space<hbm>> -> memref<128x16xf32, #tpu.memory_space<hbm>>
        tpu.wait_dma2 semaphore(%run_scoped3A : memref<!tpu.dma_semaphore, #tpu.memory_space<semaphore_mem>>) src(%dma_wait3A_75 : memref<128x16xf32, #tpu.memory_space<hbm>>) dst(%arg10 : memref<128x16xf32, #tpu.memory_space<vmem>>)
        tpu.yield
      }) : () -> ()
      %scan3A_60 = arith.constant 0 : i32
      %scan3A_61 = arith.constant 0 : i32
      %scan3A_62 = arith.constant 128 : i32
      %scan3A_63 = arith.addi %scan3A_61, %scan3A_62 : i32
      %scan3A_64 = arith.constant 1 : i32
      %scan3A_65 = scf.for %scan3A_68 = %scan3A_61 to %scan3A_63 step %scan3A_64 iter_args(%scan3A_69 = %scan3A_60) -> (i32)  : i32 {
        %get3A = arith.index_cast %scan3A_68 : i32 to index
        %get3A_70 = arith.constant 0 : index
        %get3A_71 = tpu.vector_load %arg10[%get3A, %get3A_70] {strides = array<i32>} : memref<128x16xf32, #tpu.memory_space<vmem>>, vector<1x16xf32>,
        %get3A_72 = vector.shape_cast %get3A_71 : vector<1x16xf32> to vector<16xf32>
        %slice3A = vector.extract_strided_slice %get3A_72 {offsets = [0], sizes = [1], strides = [1]} : vector<16xf32> to vector<1xf32>
        %squeeze3A = vector.extract %slice3A[0] : f32 from vector<1xf32>
        %get3A_73 = arith.index_cast %scan3A_68 : i32 to index
        %get3A_74 = arith.constant 0 : index
        %get3A_75 = tpu.vector_load %arg9[%get3A_73, %get3A_74] {strides = array<i32>} : memref<128x128xf32, #tpu.memory_space<vmem>>, vector<1x16xf32>,
        %get3A_76 = vector.shape_cast %get3A_75 : vector<1x16xf32> to vector<16xf32>
        %mul3A_77 = vector.broadcast %squeeze3A : f32 to vector<16xf32>
        %mul3A_78 = arith.mulf %get3A_76, %mul3A_77 : vector<16xf32>
        %swap3A = arith.index_cast %scan3A_68 : i32 to index
        %swap3A_79 = arith.constant 0 : index
        %swap3A_80 = tpu.vector_load %arg9[%swap3A, %swap3A_79] {strides = array<i32>} : memref<128x128xf32, #tpu.memory_space<vmem>>, vector<1x16xf32>,
        %swap3A_81 = vector.shape_cast %swap3A_80 : vector<1x16xf32> to vector<16xf32>
        %swap3A_82 = vector.shape_cast %mul3A_78 : vector<16xf32> to vector<1x16xf32>
        tpu.vector_store %arg9[%swap3A, %swap3A_79], %swap3A_82 {strides = array<i32>} : memref<128x128xf32, #tpu.memory_space<vmem>>, vector<1x16xf32>,
        %get3A_83 = arith.index_cast %scan3A_68 : i32 to index
        %get3A_84 = arith.constant 16 : index
        %get3A_85 = tpu.vector_load %arg9[%get3A_83, %get3A_84] {strides = array<i32>} : memref<128x128xf32, #tpu.memory_space<vmem>>, vector<1x16xf32>,
        %get3A_86 = vector.shape_cast %get3A_85 : vector<1x16xf32> to vector<16xf32>
        %mul3A_87 = vector.broadcast %squeeze3A : f32 to vector<16xf32>
        %mul3A_88 = arith.mulf %get3A_86, %mul3A_87 : vector<16xf32>
        %swap3A_89 = arith.index_cast %scan3A_68 : i32 to index
        %swap3A_90 = arith.constant 16 : index
        %swap3A_91 = tpu.vector_load %arg9[%swap3A_89, %swap3A_90] {strides = array<i32>} : memref<128x128xf32, #tpu.memory_space<vmem>>, vector<1x16xf32>,
        %swap3A_92 = vector.shape_cast %swap3A_91 : vector<1x16xf32> to vector<16xf32>
        %swap3A_93 = vector.shape_cast %mul3A_88 : vector<16xf32> to vector<1x16xf32>
        tpu.vector_store %arg9[%swap3A_89, %swap3A_90], %swap3A_93 {strides = array<i32>} : memref<128x128xf32, #tpu.memory_space<vmem>>, vector<1x16xf32>,
        %slice3A_94 = vector.extract_strided_slice %get3A_72 {offsets = [1], sizes = [1], strides = [1]} : vector<16xf32> to vector<1xf32>
        %squeeze3A_95 = vector.extract %slice3A_94[0] : f32 from vector<1xf32>
        %get3A_96 = arith.index_cast %scan3A_68 : i32 to index
        %get3A_97 = arith.constant 32 : index
        %get3A_98 = tpu.vector_load %arg9[%get3A_96, %get3A_97] {strides = array<i32>} : memref<128x128xf32, #tpu.memory_space<vmem>>, vector<1x16xf32>,
        %get3A_99 = vector.shape_cast %get3A_98 : vector<1x16xf32> to vector<16xf32>
        %mul3A_100 = vector.broadcast %squeeze3A_95 : f32 to vector<16xf32>
        %mul3A_101 = arith.mulf %get3A_99, %mul3A_100 : vector<16xf32>
        %swap3A_102 = arith.index_cast %scan3A_68 : i32 to index
        %swap3A_103 = arith.constant 32 : index
        %swap3A_104 = tpu.vector_load %arg9[%swap3A_102, %swap3A_103] {strides = array<i32>} : memref<128x128xf32, #tpu.memory_space<vmem>>, vector<1x16xf32>,
        %swap3A_105 = vector.shape_cast %swap3A_104 : vector<1x16xf32> to vector<16xf32>
        %swap3A_106 = vector.shape_cast %mul3A_101 : vector<16xf32> to vector<1x16xf32>
        tpu.vector_store %arg9[%swap3A_102, %swap3A_103], %swap3A_106 {strides = array<i32>} : memref<128x128xf32, #tpu.memory_space<vmem>>, vector<1x16xf32>,
        %get3A_107 = arith.index_cast %scan3A_68 : i32 to index
        %get3A_108 = arith.constant 48 : index
        %get3A_109 = tpu.vector_load %arg9[%get3A_107, %get3A_108] {strides = array<i32>} : memref<128x128xf32, #tpu.memory_space<vmem>>, vector<1x16xf32>,
        %get3A_110 = vector.shape_cast %get3A_109 : vector<1x16xf32> to vector<16xf32>
        %mul3A_111 = vector.broadcast %squeeze3A_95 : f32 to vector<16xf32>
        %mul3A_112 = arith.mulf %get3A_110, %mul3A_111 : vector<16xf32>
        %swap3A_113 = arith.index_cast %scan3A_68 : i32 to index
        %swap3A_114 = arith.constant 48 : index
        %swap3A_115 = tpu.vector_load %arg9[%swap3A_113, %swap3A_114] {strides = array<i32>} : memref<128x128xf32, #tpu.memory_space<vmem>>, vector<1x16xf32>,
        %swap3A_116 = vector.shape_cast %swap3A_115 : vector<1x16xf32> to vector<16xf32>
        %swap3A_117 = vector.shape_cast %mul3A_112 : vector<16xf32> to vector<1x16xf32>
        tpu.vector_store %arg9[%swap3A_113, %swap3A_114], %swap3A_117 {strides = array<i32>} : memref<128x128xf32, #tpu.memory_space<vmem>>, vector<1x16xf32>,
        %slice3A_118 = vector.extract_strided_slice %get3A_72 {offsets = [2], sizes = [1], strides = [1]} : vector<16xf32> to vector<1xf32>
        %squeeze3A_119 = vector.extract %slice3A_118[0] : f32 from vector<1xf32>
        %get3A_120 = arith.index_cast %scan3A_68 : i32 to index
        %get3A_121 = arith.constant 64 : index
        %get3A_122 = tpu.vector_load %arg9[%get3A_120, %get3A_121] {strides = array<i32>} : memref<128x128xf32, #tpu.memory_space<vmem>>, vector<1x16xf32>,
        %get3A_123 = vector.shape_cast %get3A_122 : vector<1x16xf32> to vector<16xf32>
        %mul3A_124 = vector.broadcast %squeeze3A_119 : f32 to vector<16xf32>
        %mul3A_125 = arith.mulf %get3A_123, %mul3A_124 : vector<16xf32>
        %swap3A_126 = arith.index_cast %scan3A_68 : i32 to index
        %swap3A_127 = arith.constant 64 : index
        %swap3A_128 = tpu.vector_load %arg9[%swap3A_126, %swap3A_127] {strides = array<i32>} : memref<128x128xf32, #tpu.memory_space<vmem>>, vector<1x16xf32>,
        %swap3A_129 = vector.shape_cast %swap3A_128 : vector<1x16xf32> to vector<16xf32>
        %swap3A_130 = vector.shape_cast %mul3A_125 : vector<16xf32> to vector<1x16xf32>
        tpu.vector_store %arg9[%swap3A_126, %swap3A_127], %swap3A_130 {strides = array<i32>} : memref<128x128xf32, #tpu.memory_space<vmem>>, vector<1x16xf32>,
        %get3A_131 = arith.index_cast %scan3A_68 : i32 to index
        %get3A_132 = arith.constant 80 : index
        %get3A_133 = tpu.vector_load %arg9[%get3A_131, %get3A_132] {strides = array<i32>} : memref<128x128xf32, #tpu.memory_space<vmem>>, vector<1x16xf32>,
        %get3A_134 = vector.shape_cast %get3A_133 : vector<1x16xf32> to vector<16xf32>
        %mul3A_135 = vector.broadcast %squeeze3A_119 : f32 to vector<16xf32>
        %mul3A_136 = arith.mulf %get3A_134, %mul3A_135 : vector<16xf32>
        %swap3A_137 = arith.index_cast %scan3A_68 : i32 to index
        %swap3A_138 = arith.constant 80 : index
        %swap3A_139 = tpu.vector_load %arg9[%swap3A_137, %swap3A_138] {strides = array<i32>} : memref<128x128xf32, #tpu.memory_space<vmem>>, vector<1x16xf32>,
        %swap3A_140 = vector.shape_cast %swap3A_139 : vector<1x16xf32> to vector<16xf32>
        %swap3A_141 = vector.shape_cast %mul3A_136 : vector<16xf32> to vector<1x16xf32>
        tpu.vector_store %arg9[%swap3A_137, %swap3A_138], %swap3A_141 {strides = array<i32>} : memref<128x128xf32, #tpu.memory_space<vmem>>, vector<1x16xf32>,
        %slice3A_142 = vector.extract_strided_slice %get3A_72 {offsets = [3], sizes = [1], strides = [1]} : vector<16xf32> to vector<1xf32>
        %squeeze3A_143 = vector.extract %slice3A_142[0] : f32 from vector<1xf32>
        %get3A_144 = arith.index_cast %scan3A_68 : i32 to index
        %get3A_145 = arith.constant 96 : index
        %get3A_146 = tpu.vector_load %arg9[%get3A_144, %get3A_145] {strides = array<i32>} : memref<128x128xf32, #tpu.memory_space<vmem>>, vector<1x16xf32>,
        %get3A_147 = vector.shape_cast %get3A_146 : vector<1x16xf32> to vector<16xf32>
        %mul3A_148 = vector.broadcast %squeeze3A_143 : f32 to vector<16xf32>
        %mul3A_149 = arith.mulf %get3A_147, %mul3A_148 : vector<16xf32>
        %swap3A_150 = arith.index_cast %scan3A_68 : i32 to index
        %swap3A_151 = arith.constant 96 : index
        %swap3A_152 = tpu.vector_load %arg9[%swap3A_150, %swap3A_151] {strides = array<i32>} : memref<128x128xf32, #tpu.memory_space<vmem>>, vector<1x16xf32>,
        %swap3A_153 = vector.shape_cast %swap3A_152 : vector<1x16xf32> to vector<16xf32>
        %swap3A_154 = vector.shape_cast %mul3A_149 : vector<16xf32> to vector<1x16xf32>
        tpu.vector_store %arg9[%swap3A_150, %swap3A_151], %swap3A_154 {strides = array<i32>} : memref<128x128xf32, #tpu.memory_space<vmem>>, vector<1x16xf32>,
        %get3A_155 = arith.index_cast %scan3A_68 : i32 to index
        %get3A_156 = arith.constant 112 : index
        %get3A_157 = tpu.vector_load %arg9[%get3A_155, %get3A_156] {strides = array<i32>} : memref<128x128xf32, #tpu.memory_space<vmem>>, vector<1x16xf32>,
        %get3A_158 = vector.shape_cast %get3A_157 : vector<1x16xf32> to vector<16xf32>
        %mul3A_159 = vector.broadcast %squeeze3A_143 : f32 to vector<16xf32>
        %mul3A_160 = arith.mulf %get3A_158, %mul3A_159 : vector<16xf32>
        %swap3A_161 = arith.index_cast %scan3A_68 : i32 to index
        %swap3A_162 = arith.constant 112 : index
        %swap3A_163 = tpu.vector_load %arg9[%swap3A_161, %swap3A_162] {strides = array<i32>} : memref<128x128xf32, #tpu.memory_space<vmem>>, vector<1x16xf32>,
        %swap3A_164 = vector.shape_cast %swap3A_163 : vector<1x16xf32> to vector<16xf32>
        %swap3A_165 = vector.shape_cast %mul3A_160 : vector<16xf32> to vector<1x16xf32>
        tpu.vector_store %arg9[%swap3A_161, %swap3A_162], %swap3A_165 {strides = array<i32>} : memref<128x128xf32, #tpu.memory_space<vmem>>, vector<1x16xf32>,
        %scan3A_166 = arith.constant 0 : i32
        scf.yield %scan3A_166 : i32
      }
      %scan3A_66 = arith.constant 128 : i32
      "tpu.region"() ({
        %run_scoped3A = tpu.sem_alloc : memref<!tpu.dma_semaphore, #tpu.memory_space<semaphore_mem>>
        %dma_start3A_68 = arith.constant 0 : i32
        %dma_start3A_69 = arith.constant 0 : i32
        %dma_start3A_70 = tpu.memref_slice %arg11[%dma_start3A_68, %dma_start3A_69] : memref<10112x128xf32, #tpu.memory_space<vmem_shared>> -> memref<10112x128xf32, #tpu.memory_space<vmem_shared>>
        tpu.enqueue_indirect_dma source(%arg9 : memref<128x128xf32, #tpu.memory_space<vmem>>) target(%dma_start3A_70 : memref<10112x128xf32, #tpu.memory_space<vmem_shared>>) offsets(%arg8 : memref<128xi32, #tpu.memory_space<vmem>>) semaphore(%run_scoped3A : memref<!tpu.dma_semaphore, #tpu.memory_space<semaphore_mem>>) {add = true}
        %dma_wait3A_71 = arith.constant 0 : i32
        %dma_wait3A_72 = arith.constant 0 : i32
        %dma_wait3A_73 = tpu.memref_slice %arg11[%dma_wait3A_71, %dma_wait3A_72] : memref<10112x128xf32, #tpu.memory_space<vmem_shared>> -> memref<10112x128xf32, #tpu.memory_space<vmem_shared>>
        tpu.wait_indirect_dma semaphore(%run_scoped3A : memref<!tpu.dma_semaphore, #tpu.memory_space<semaphore_mem>>) src(%arg9 : memref<128x128xf32, #tpu.memory_space<vmem>>) dst(%dma_wait3A_73 : memref<10112x128xf32, #tpu.memory_space<vmem_shared>>)
        tpu.yield
      }) : () -> ()
      %while3A_67 = arith.constant 0 : i32
      scf.yield %while3A_67 : i32
    }
    %while3A_46 = arith.constant 1 : i32
    %while3A_47 = scf.for %while3A_49 = %while3A_43 to %while3A_39 step %while3A_46 iter_args(%while3A_50 = %while3A_45) -> (i32)  : i32 {
      %mul3A_51 = arith.constant 32 : i32
      %mul3A_52 = arith.muli %while3A_49, %mul3A_51 : i32
      %add3A_53 = arith.addi %add3A, %mul3A_52 : i32
      %mul3A_54 = arith.constant 128 : i32
      %mul3A_55 = arith.muli %add3A_53, %mul3A_54 : i32
      "tpu.region"() ({
        %run_scoped3A = tpu.sem_alloc : memref<!tpu.dma_semaphore, #tpu.memory_space<semaphore_mem>>
        %dma_start3A_68 = tpu.memref_slice %arg2[%mul3A_55] : memref<320000xi32, #tpu.memory_space<hbm>> -> memref<128xi32, #tpu.memory_space<hbm>>
        %dma_start3A_69 = tpu.memref_slice %arg2[%mul3A_55] : memref<320000xi32, #tpu.memory_space<hbm>> -> memref<128xi32, #tpu.memory_space<hbm>>
        tpu.enqueue_dma source(%dma_start3A_69 : memref<128xi32, #tpu.memory_space<hbm>>) target(%arg7 : memref<128xi32, #tpu.memory_space<vmem>>) target_semaphore(%run_scoped3A : memref<!tpu.dma_semaphore, #tpu.memory_space<semaphore_mem>>)
        %dma_wait3A_70 = tpu.memref_slice %arg2[%mul3A_55] : memref<320000xi32, #tpu.memory_space<hbm>> -> memref<128xi32, #tpu.memory_space<hbm>>
        %dma_wait3A_71 = tpu.memref_slice %arg2[%mul3A_55] : memref<320000xi32, #tpu.memory_space<hbm>> -> memref<128xi32, #tpu.memory_space<hbm>>
        tpu.wait_dma2 semaphore(%run_scoped3A : memref<!tpu.dma_semaphore, #tpu.memory_space<semaphore_mem>>) src(%dma_wait3A_71 : memref<128xi32, #tpu.memory_space<hbm>>) dst(%arg7 : memref<128xi32, #tpu.memory_space<vmem>>)
        tpu.yield
      }) : () -> ()
      "tpu.region"() ({
        %run_scoped3A = tpu.sem_alloc : memref<!tpu.dma_semaphore, #tpu.memory_space<semaphore_mem>>
        %dma_start3A_68 = tpu.memref_slice %arg3[%mul3A_55] : memref<320000xi32, #tpu.memory_space<hbm>> -> memref<128xi32, #tpu.memory_space<hbm>>
        %dma_start3A_69 = tpu.memref_slice %arg3[%mul3A_55] : memref<320000xi32, #tpu.memory_space<hbm>> -> memref<128xi32, #tpu.memory_space<hbm>>
        tpu.enqueue_dma source(%dma_start3A_69 : memref<128xi32, #tpu.memory_space<hbm>>) target(%arg8 : memref<128xi32, #tpu.memory_space<vmem>>) target_semaphore(%run_scoped3A : memref<!tpu.dma_semaphore, #tpu.memory_space<semaphore_mem>>)
        %dma_wait3A_70 = tpu.memref_slice %arg3[%mul3A_55] : memref<320000xi32, #tpu.memory_space<hbm>> -> memref<128xi32, #tpu.memory_space<hbm>>
        %dma_wait3A_71 = tpu.memref_slice %arg3[%mul3A_55] : memref<320000xi32, #tpu.memory_space<hbm>> -> memref<128xi32, #tpu.memory_space<hbm>>
        tpu.wait_dma2 semaphore(%run_scoped3A : memref<!tpu.dma_semaphore, #tpu.memory_space<semaphore_mem>>) src(%dma_wait3A_71 : memref<128xi32, #tpu.memory_space<hbm>>) dst(%arg8 : memref<128xi32, #tpu.memory_space<vmem>>)
        tpu.yield
      }) : () -> ()
      %dma_start3A = arith.constant 0 : i32
      %dma_start3A_56 = arith.constant 0 : i32
      %dma_start3A_57 = tpu.memref_slice %arg5[%dma_start3A, %dma_start3A_56] : memref<10112x128xf32, #tpu.memory_space<hbm>> -> memref<10112x128xf32, #tpu.memory_space<hbm>>
      tpu.enqueue_indirect_dma source(%dma_start3A_57 : memref<10112x128xf32, #tpu.memory_space<hbm>>) target(%arg9 : memref<128x128xf32, #tpu.memory_space<vmem>>) offsets(%arg7 : memref<128xi32, #tpu.memory_space<vmem>>) semaphore(%arg12 : memref<!tpu.dma_semaphore, #tpu.memory_space<semaphore_mem>>)
      %dma_wait3A = arith.constant 0 : i32
      %dma_wait3A_58 = arith.constant 0 : i32
      %dma_wait3A_59 = tpu.memref_slice %arg5[%dma_wait3A, %dma_wait3A_58] : memref<10112x128xf32, #tpu.memory_space<hbm>> -> memref<10112x128xf32, #tpu.memory_space<hbm>>
      tpu.wait_indirect_dma semaphore(%arg12 : memref<!tpu.dma_semaphore, #tpu.memory_space<semaphore_mem>>) src(%dma_wait3A_59 : memref<10112x128xf32, #tpu.memory_space<hbm>>) dst(%arg9 : memref<128x128xf32, #tpu.memory_space<vmem>>)
      "tpu.region"() ({
        %run_scoped3A = tpu.sem_alloc : memref<!tpu.dma_semaphore, #tpu.memory_space<semaphore_mem>>
        %dma_start3A_68 = arith.constant 0 : i32
        %dma_start3A_69 = tpu.memref_slice %arg4[%mul3A_55, %dma_start3A_68] : memref<320000x16xf32, #tpu.memory_space<hbm>> -> memref<128x16xf32, #tpu.memory_space<hbm>>
        %dma_start3A_70 = arith.constant 0 : i32
        %dma_start3A_71 = tpu.memref_slice %arg4[%mul3A_55, %dma_start3A_70] : memref<320000x16xf32, #tpu.memory_space<hbm>> -> memref<128x16xf32, #tpu.memory_space<hbm>>
        tpu.enqueue_dma source(%dma_start3A_71 : memref<128x16xf32, #tpu.memory_space<hbm>>) target(%arg10 : memref<128x16xf32, #tpu.memory_space<vmem>>) target_semaphore(%run_scoped3A : memref<!tpu.dma_semaphore, #tpu.memory_space<semaphore_mem>>)
        %dma_wait3A_72 = arith.constant 0 : i32
        %dma_wait3A_73 = tpu.memref_slice %arg4[%mul3A_55, %dma_wait3A_72] : memref<320000x16xf32, #tpu.memory_space<hbm>> -> memref<128x16xf32, #tpu.memory_space<hbm>>
        %dma_wait3A_74 = arith.constant 0 : i32
        %dma_wait3A_75 = tpu.memref_slice %arg4[%mul3A_55, %dma_wait3A_74] : memref<320000x16xf32, #tpu.memory_space<hbm>> -> memref<128x16xf32, #tpu.memory_space<hbm>>
        tpu.wait_dma2 semaphore(%run_scoped3A : memref<!tpu.dma_semaphore, #tpu.memory_space<semaphore_mem>>) src(%dma_wait3A_75 : memref<128x16xf32, #tpu.memory_space<hbm>>) dst(%arg10 : memref<128x16xf32, #tpu.memory_space<vmem>>)
        tpu.yield
      }) : () -> ()
      %scan3A_60 = arith.constant 0 : i32
      %scan3A_61 = arith.constant 0 : i32
      %scan3A_62 = arith.constant 128 : i32
      %scan3A_63 = arith.addi %scan3A_61, %scan3A_62 : i32
      %scan3A_64 = arith.constant 1 : i32
      %scan3A_65 = scf.for %scan3A_68 = %scan3A_61 to %scan3A_63 step %scan3A_64 iter_args(%scan3A_69 = %scan3A_60) -> (i32)  : i32 {
        %get3A = arith.index_cast %scan3A_68 : i32 to index
        %get3A_70 = arith.constant 0 : index
        %get3A_71 = tpu.vector_load %arg10[%get3A, %get3A_70] {strides = array<i32>} : memref<128x16xf32, #tpu.memory_space<vmem>>, vector<1x16xf32>,
        %get3A_72 = vector.shape_cast %get3A_71 : vector<1x16xf32> to vector<16xf32>
        %slice3A = vector.extract_strided_slice %get3A_72 {offsets = [0], sizes = [1], strides = [1]} : vector<16xf32> to vector<1xf32>
        %squeeze3A = vector.extract %slice3A[0] : f32 from vector<1xf32>
        %get3A_73 = arith.index_cast %scan3A_68 : i32 to index
        %get3A_74 = arith.constant 0 : index
        %get3A_75 = tpu.vector_load %arg9[%get3A_73, %get3A_74] {strides = array<i32>} : memref<128x128xf32, #tpu.memory_space<vmem>>, vector<1x16xf32>,
        %get3A_76 = vector.shape_cast %get3A_75 : vector<1x16xf32> to vector<16xf32>
        %mul3A_77 = vector.broadcast %squeeze3A : f32 to vector<16xf32>
        %mul3A_78 = arith.mulf %get3A_76, %mul3A_77 : vector<16xf32>
        %swap3A = arith.index_cast %scan3A_68 : i32 to index
        %swap3A_79 = arith.constant 0 : index
        %swap3A_80 = tpu.vector_load %arg9[%swap3A, %swap3A_79] {strides = array<i32>} : memref<128x128xf32, #tpu.memory_space<vmem>>, vector<1x16xf32>,
        %swap3A_81 = vector.shape_cast %swap3A_80 : vector<1x16xf32> to vector<16xf32>
        %swap3A_82 = vector.shape_cast %mul3A_78 : vector<16xf32> to vector<1x16xf32>
        tpu.vector_store %arg9[%swap3A, %swap3A_79], %swap3A_82 {strides = array<i32>} : memref<128x128xf32, #tpu.memory_space<vmem>>, vector<1x16xf32>,
        %get3A_83 = arith.index_cast %scan3A_68 : i32 to index
        %get3A_84 = arith.constant 16 : index
        %get3A_85 = tpu.vector_load %arg9[%get3A_83, %get3A_84] {strides = array<i32>} : memref<128x128xf32, #tpu.memory_space<vmem>>, vector<1x16xf32>,
        %get3A_86 = vector.shape_cast %get3A_85 : vector<1x16xf32> to vector<16xf32>
        %mul3A_87 = vector.broadcast %squeeze3A : f32 to vector<16xf32>
        %mul3A_88 = arith.mulf %get3A_86, %mul3A_87 : vector<16xf32>
        %swap3A_89 = arith.index_cast %scan3A_68 : i32 to index
        %swap3A_90 = arith.constant 16 : index
        %swap3A_91 = tpu.vector_load %arg9[%swap3A_89, %swap3A_90] {strides = array<i32>} : memref<128x128xf32, #tpu.memory_space<vmem>>, vector<1x16xf32>,
        %swap3A_92 = vector.shape_cast %swap3A_91 : vector<1x16xf32> to vector<16xf32>
        %swap3A_93 = vector.shape_cast %mul3A_88 : vector<16xf32> to vector<1x16xf32>
        tpu.vector_store %arg9[%swap3A_89, %swap3A_90], %swap3A_93 {strides = array<i32>} : memref<128x128xf32, #tpu.memory_space<vmem>>, vector<1x16xf32>,
        %slice3A_94 = vector.extract_strided_slice %get3A_72 {offsets = [1], sizes = [1], strides = [1]} : vector<16xf32> to vector<1xf32>
        %squeeze3A_95 = vector.extract %slice3A_94[0] : f32 from vector<1xf32>
        %get3A_96 = arith.index_cast %scan3A_68 : i32 to index
        %get3A_97 = arith.constant 32 : index
        %get3A_98 = tpu.vector_load %arg9[%get3A_96, %get3A_97] {strides = array<i32>} : memref<128x128xf32, #tpu.memory_space<vmem>>, vector<1x16xf32>,
        %get3A_99 = vector.shape_cast %get3A_98 : vector<1x16xf32> to vector<16xf32>
        %mul3A_100 = vector.broadcast %squeeze3A_95 : f32 to vector<16xf32>
        %mul3A_101 = arith.mulf %get3A_99, %mul3A_100 : vector<16xf32>
        %swap3A_102 = arith.index_cast %scan3A_68 : i32 to index
        %swap3A_103 = arith.constant 32 : index
        %swap3A_104 = tpu.vector_load %arg9[%swap3A_102, %swap3A_103] {strides = array<i32>} : memref<128x128xf32, #tpu.memory_space<vmem>>, vector<1x16xf32>,
        %swap3A_105 = vector.shape_cast %swap3A_104 : vector<1x16xf32> to vector<16xf32>
        %swap3A_106 = vector.shape_cast %mul3A_101 : vector<16xf32> to vector<1x16xf32>
        tpu.vector_store %arg9[%swap3A_102, %swap3A_103], %swap3A_106 {strides = array<i32>} : memref<128x128xf32, #tpu.memory_space<vmem>>, vector<1x16xf32>,
        %get3A_107 = arith.index_cast %scan3A_68 : i32 to index
        %get3A_108 = arith.constant 48 : index
        %get3A_109 = tpu.vector_load %arg9[%get3A_107, %get3A_108] {strides = array<i32>} : memref<128x128xf32, #tpu.memory_space<vmem>>, vector<1x16xf32>,
        %get3A_110 = vector.shape_cast %get3A_109 : vector<1x16xf32> to vector<16xf32>
        %mul3A_111 = vector.broadcast %squeeze3A_95 : f32 to vector<16xf32>
        %mul3A_112 = arith.mulf %get3A_110, %mul3A_111 : vector<16xf32>
        %swap3A_113 = arith.index_cast %scan3A_68 : i32 to index
        %swap3A_114 = arith.constant 48 : index
        %swap3A_115 = tpu.vector_load %arg9[%swap3A_113, %swap3A_114] {strides = array<i32>} : memref<128x128xf32, #tpu.memory_space<vmem>>, vector<1x16xf32>,
        %swap3A_116 = vector.shape_cast %swap3A_115 : vector<1x16xf32> to vector<16xf32>
        %swap3A_117 = vector.shape_cast %mul3A_112 : vector<16xf32> to vector<1x16xf32>
        tpu.vector_store %arg9[%swap3A_113, %swap3A_114], %swap3A_117 {strides = array<i32>} : memref<128x128xf32, #tpu.memory_space<vmem>>, vector<1x16xf32>,
        %slice3A_118 = vector.extract_strided_slice %get3A_72 {offsets = [2], sizes = [1], strides = [1]} : vector<16xf32> to vector<1xf32>
        %squeeze3A_119 = vector.extract %slice3A_118[0] : f32 from vector<1xf32>
        %get3A_120 = arith.index_cast %scan3A_68 : i32 to index
        %get3A_121 = arith.constant 64 : index
        %get3A_122 = tpu.vector_load %arg9[%get3A_120, %get3A_121] {strides = array<i32>} : memref<128x128xf32, #tpu.memory_space<vmem>>, vector<1x16xf32>,
        %get3A_123 = vector.shape_cast %get3A_122 : vector<1x16xf32> to vector<16xf32>
        %mul3A_124 = vector.broadcast %squeeze3A_119 : f32 to vector<16xf32>
        %mul3A_125 = arith.mulf %get3A_123, %mul3A_124 : vector<16xf32>
        %swap3A_126 = arith.index_cast %scan3A_68 : i32 to index
        %swap3A_127 = arith.constant 64 : index
        %swap3A_128 = tpu.vector_load %arg9[%swap3A_126, %swap3A_127] {strides = array<i32>} : memref<128x128xf32, #tpu.memory_space<vmem>>, vector<1x16xf32>,
        %swap3A_129 = vector.shape_cast %swap3A_128 : vector<1x16xf32> to vector<16xf32>
        %swap3A_130 = vector.shape_cast %mul3A_125 : vector<16xf32> to vector<1x16xf32>
        tpu.vector_store %arg9[%swap3A_126, %swap3A_127], %swap3A_130 {strides = array<i32>} : memref<128x128xf32, #tpu.memory_space<vmem>>, vector<1x16xf32>,
        %get3A_131 = arith.index_cast %scan3A_68 : i32 to index
        %get3A_132 = arith.constant 80 : index
        %get3A_133 = tpu.vector_load %arg9[%get3A_131, %get3A_132] {strides = array<i32>} : memref<128x128xf32, #tpu.memory_space<vmem>>, vector<1x16xf32>,
        %get3A_134 = vector.shape_cast %get3A_133 : vector<1x16xf32> to vector<16xf32>
        %mul3A_135 = vector.broadcast %squeeze3A_119 : f32 to vector<16xf32>
        %mul3A_136 = arith.mulf %get3A_134, %mul3A_135 : vector<16xf32>
        %swap3A_137 = arith.index_cast %scan3A_68 : i32 to index
        %swap3A_138 = arith.constant 80 : index
        %swap3A_139 = tpu.vector_load %arg9[%swap3A_137, %swap3A_138] {strides = array<i32>} : memref<128x128xf32, #tpu.memory_space<vmem>>, vector<1x16xf32>,
        %swap3A_140 = vector.shape_cast %swap3A_139 : vector<1x16xf32> to vector<16xf32>
        %swap3A_141 = vector.shape_cast %mul3A_136 : vector<16xf32> to vector<1x16xf32>
        tpu.vector_store %arg9[%swap3A_137, %swap3A_138], %swap3A_141 {strides = array<i32>} : memref<128x128xf32, #tpu.memory_space<vmem>>, vector<1x16xf32>,
        %slice3A_142 = vector.extract_strided_slice %get3A_72 {offsets = [3], sizes = [1], strides = [1]} : vector<16xf32> to vector<1xf32>
        %squeeze3A_143 = vector.extract %slice3A_142[0] : f32 from vector<1xf32>
        %get3A_144 = arith.index_cast %scan3A_68 : i32 to index
        %get3A_145 = arith.constant 96 : index
        %get3A_146 = tpu.vector_load %arg9[%get3A_144, %get3A_145] {strides = array<i32>} : memref<128x128xf32, #tpu.memory_space<vmem>>, vector<1x16xf32>,
        %get3A_147 = vector.shape_cast %get3A_146 : vector<1x16xf32> to vector<16xf32>
        %mul3A_148 = vector.broadcast %squeeze3A_143 : f32 to vector<16xf32>
        %mul3A_149 = arith.mulf %get3A_147, %mul3A_148 : vector<16xf32>
        %swap3A_150 = arith.index_cast %scan3A_68 : i32 to index
        %swap3A_151 = arith.constant 96 : index
        %swap3A_152 = tpu.vector_load %arg9[%swap3A_150, %swap3A_151] {strides = array<i32>} : memref<128x128xf32, #tpu.memory_space<vmem>>, vector<1x16xf32>,
        %swap3A_153 = vector.shape_cast %swap3A_152 : vector<1x16xf32> to vector<16xf32>
        %swap3A_154 = vector.shape_cast %mul3A_149 : vector<16xf32> to vector<1x16xf32>
        tpu.vector_store %arg9[%swap3A_150, %swap3A_151], %swap3A_154 {strides = array<i32>} : memref<128x128xf32, #tpu.memory_space<vmem>>, vector<1x16xf32>,
        %get3A_155 = arith.index_cast %scan3A_68 : i32 to index
        %get3A_156 = arith.constant 112 : index
        %get3A_157 = tpu.vector_load %arg9[%get3A_155, %get3A_156] {strides = array<i32>} : memref<128x128xf32, #tpu.memory_space<vmem>>, vector<1x16xf32>,
        %get3A_158 = vector.shape_cast %get3A_157 : vector<1x16xf32> to vector<16xf32>
        %mul3A_159 = vector.broadcast %squeeze3A_143 : f32 to vector<16xf32>
        %mul3A_160 = arith.mulf %get3A_158, %mul3A_159 : vector<16xf32>
        %swap3A_161 = arith.index_cast %scan3A_68 : i32 to index
        %swap3A_162 = arith.constant 112 : index
        %swap3A_163 = tpu.vector_load %arg9[%swap3A_161, %swap3A_162] {strides = array<i32>} : memref<128x128xf32, #tpu.memory_space<vmem>>, vector<1x16xf32>,
        %swap3A_164 = vector.shape_cast %swap3A_163 : vector<1x16xf32> to vector<16xf32>
        %swap3A_165 = vector.shape_cast %mul3A_160 : vector<16xf32> to vector<1x16xf32>
        tpu.vector_store %arg9[%swap3A_161, %swap3A_162], %swap3A_165 {strides = array<i32>} : memref<128x128xf32, #tpu.memory_space<vmem>>, vector<1x16xf32>,
        %scan3A_166 = arith.constant 0 : i32
        scf.yield %scan3A_166 : i32
      }
      %scan3A_66 = arith.constant 128 : i32
      "tpu.region"() ({
        %run_scoped3A = tpu.sem_alloc : memref<!tpu.dma_semaphore, #tpu.memory_space<semaphore_mem>>
        %dma_start3A_68 = arith.constant 0 : i32
        %dma_start3A_69 = arith.constant 0 : i32
        %dma_start3A_70 = tpu.memref_slice %arg11[%dma_start3A_68, %dma_start3A_69] : memref<10112x128xf32, #tpu.memory_space<vmem_shared>> -> memref<10112x128xf32, #tpu.memory_space<vmem_shared>>
        tpu.enqueue_indirect_dma source(%arg9 : memref<128x128xf32, #tpu.memory_space<vmem>>) target(%dma_start3A_70 : memref<10112x128xf32, #tpu.memory_space<vmem_shared>>) offsets(%arg8 : memref<128xi32, #tpu.memory_space<vmem>>) semaphore(%run_scoped3A : memref<!tpu.dma_semaphore, #tpu.memory_space<semaphore_mem>>) {add = true}
        %dma_wait3A_71 = arith.constant 0 : i32
        %dma_wait3A_72 = arith.constant 0 : i32
        %dma_wait3A_73 = tpu.memref_slice %arg11[%dma_wait3A_71, %dma_wait3A_72] : memref<10112x128xf32, #tpu.memory_space<vmem_shared>> -> memref<10112x128xf32, #tpu.memory_space<vmem_shared>>
        tpu.wait_indirect_dma semaphore(%run_scoped3A : memref<!tpu.dma_semaphore, #tpu.memory_space<semaphore_mem>>) src(%arg9 : memref<128x128xf32, #tpu.memory_space<vmem>>) dst(%dma_wait3A_73 : memref<10112x128xf32, #tpu.memory_space<vmem_shared>>)
        tpu.yield
      }) : () -> ()
      %while3A_67 = arith.constant 0 : i32
      scf.yield %while3A_67 : i32
    }
    %barrier3A_48 = arith.constant 0 : index
    tpu.barrier barrier_id(%barrier3A_48)
    "tpu.region"() ({
      %run_scoped3A = tpu.sem_alloc : memref<!tpu.dma_semaphore, #tpu.memory_space<semaphore_mem>>
      %dma_start3A = arith.constant 0 : i32
      %dma_start3A_49 = tpu.memref_slice %arg6[%arg0, %mul3A_2, %dma_start3A] : memref<2x10112x128xf32, #tpu.memory_space<hbm>> -> memref<1x632x128xf32, #tpu.memory_space<hbm>>
      %dma_start3A_50 = tpu.memref_squeeze %dma_start3A_49 : memref<1x632x128xf32, #tpu.memory_space<hbm>> -> memref<632x128xf32, #tpu.memory_space<hbm>>
      %dma_start3A_51 = arith.constant 0 : i32
      %dma_start3A_52 = tpu.memref_slice %arg11[%mul3A_2, %dma_start3A_51] : memref<10112x128xf32, #tpu.memory_space<vmem_shared>> -> memref<632x128xf32, #tpu.memory_space<vmem_shared>>
      tpu.enqueue_dma source(%dma_start3A_52 : memref<632x128xf32, #tpu.memory_space<vmem_shared>>) target(%dma_start3A_50 : memref<632x128xf32, #tpu.memory_space<hbm>>) target_semaphore(%run_scoped3A : memref<!tpu.dma_semaphore, #tpu.memory_space<semaphore_mem>>)
      %dma_wait3A = arith.constant 0 : i32
      %dma_wait3A_53 = tpu.memref_slice %arg6[%arg0, %mul3A_2, %dma_wait3A] : memref<2x10112x128xf32, #tpu.memory_space<hbm>> -> memref<1x632x128xf32, #tpu.memory_space<hbm>>
      %dma_wait3A_54 = tpu.memref_squeeze %dma_wait3A_53 : memref<1x632x128xf32, #tpu.memory_space<hbm>> -> memref<632x128xf32, #tpu.memory_space<hbm>>
      %dma_wait3A_55 = arith.constant 0 : i32
      %dma_wait3A_56 = tpu.memref_slice %arg11[%mul3A_2, %dma_wait3A_55] : memref<10112x128xf32, #tpu.memory_space<vmem_shared>> -> memref<632x128xf32, #tpu.memory_space<vmem_shared>>
      tpu.wait_dma2 semaphore(%run_scoped3A : memref<!tpu.dma_semaphore, #tpu.memory_space<semaphore_mem>>) src(%dma_wait3A_56 : memref<632x128xf32, #tpu.memory_space<vmem_shared>>) dst(%dma_wait3A_54 : memref<632x128xf32, #tpu.memory_space<hbm>>)
      tpu.yield
    }) : () -> ()
    return
  }
}

#map = affine_map<(d0, d1) -> (0)>
#map1 = affine_map<(d0, d1) -> (0, 0)>
module attributes {stable_mosaic.version = 14 : i64} {
  func.func @_sc_alpha_body(%arg0: i32, %arg1: i32, %arg2: memref<320000xi32, #tpu.memory_space<hbm>>, %arg3: memref<320000xi32, #tpu.memory_space<hbm>>, %arg4: memref<10000x16xf32, #tpu.memory_space<hbm>>, %arg5: memref<10112x16xf32, #tpu.memory_space<hbm>>, %arg6: memref<320000x16xf32, #tpu.memory_space<hbm>>, %arg7: memref<128xi32, #tpu.memory_space<vmem>>, %arg8: memref<128xi32, #tpu.memory_space<vmem>>, %arg9: memref<128x16xf32, #tpu.memory_space<vmem>>, %arg10: memref<128x16xf32, #tpu.memory_space<vmem>>, %arg11: memref<!tpu.dma_semaphore, #tpu.memory_space<semaphore_mem>>) attributes {dimension_semantics = [#tpu.dimension_semantics<core_parallel>, #tpu.dimension_semantics<subcore_parallel>], iteration_bounds = array<i64: 2, 16>, scalar_prefetch = 0 : i64, scratch_operands = 5 : i64, tpu.core_type = #tpu.core_type<sc_vector_subcore>, window_params = [{transform_indices = #map}, {transform_indices = #map}, {transform_indices = #map1}, {transform_indices = #map1}, {transform_indices = #map1}]} {
    %mul3A = arith.constant 16 : i32
    %mul3A_0 = arith.muli %arg0, %mul3A : i32
    %add3A = arith.addi %mul3A_0, %arg1 : i32
    %sub3A = arith.constant 2531 : i32
    %sub3A_1 = arith.subi %sub3A, %add3A : i32
    %jit3A = arith.constant 32 : i32
    %div3A = arith.divsi %sub3A_1, %jit3A : i32
    %sign3A = arith.constant 0 : i32
    %sign3A_2 = arith.cmpi sgt, %sub3A_1, %sign3A : i32
    %sign3A_3 = arith.extui %sign3A_2 : i1 to i32
    %sign3A_4 = arith.constant 0 : i32
    %sign3A_5 = arith.cmpi slt, %sub3A_1, %sign3A_4 : i32
    %sign3A_6 = arith.extui %sign3A_5 : i1 to i32
    %sign3A_7 = arith.subi %sign3A_3, %sign3A_6 : i32
    %sign3A_8 = arith.constant 0 : i32
    %sign3A_9 = arith.cmpi sgt, %jit3A, %sign3A_8 : i32
    %sign3A_10 = arith.extui %sign3A_9 : i1 to i32
    %sign3A_11 = arith.constant 0 : i32
    %sign3A_12 = arith.cmpi slt, %jit3A, %sign3A_11 : i32
    %sign3A_13 = arith.extui %sign3A_12 : i1 to i32
    %sign3A_14 = arith.subi %sign3A_10, %sign3A_13 : i32
    %ne3A = arith.cmpi ne, %sign3A_7, %sign3A_14 : i32
    %rem3A = arith.remsi %sub3A_1, %jit3A : i32
    %ne3A_15 = arith.constant 0 : i32
    %ne3A_16 = arith.cmpi ne, %rem3A, %ne3A_15 : i32
    %and3A = arith.andi %ne3A, %ne3A_16 : i1
    %sub3A_17 = arith.constant 1 : i32
    %sub3A_18 = arith.subi %div3A, %sub3A_17 : i32
    %select_n3A = arith.select %and3A, %sub3A_18, %div3A : i32
    %while3A = arith.constant 0 : i32
    %while3A_19 = arith.constant 0 : i32
    %while3A_20 = arith.subi %select_n3A, %while3A : i32
    %while3A_21 = arith.addi %while3A, %while3A_20 : i32
    %while3A_22 = arith.constant 1 : i32
    %while3A_23 = arith.divsi %while3A_20, %while3A_22 : i32
    %while3A_24 = arith.muli %while3A_23, %while3A_22 : i32
    %while3A_25 = arith.addi %while3A, %while3A_24 : i32
    %while3A_26 = arith.constant 1 : i32
    %while3A_27 = scf.for %while3A_30 = %while3A to %while3A_25 step %while3A_26 iter_args(%while3A_31 = %while3A_19) -> (i32)  : i32 {
      %mul3A_32 = arith.constant 32 : i32
      %mul3A_33 = arith.muli %while3A_30, %mul3A_32 : i32
      %add3A_34 = arith.addi %add3A, %mul3A_33 : i32
      %mul3A_35 = arith.constant 128 : i32
      %mul3A_36 = arith.muli %add3A_34, %mul3A_35 : i32
      "tpu.region"() ({
        %run_scoped3A = tpu.sem_alloc : memref<!tpu.dma_semaphore, #tpu.memory_space<semaphore_mem>>
        %dma_start3A_54 = tpu.memref_slice %arg2[%mul3A_36] : memref<320000xi32, #tpu.memory_space<hbm>> -> memref<128xi32, #tpu.memory_space<hbm>>
        %dma_start3A_55 = tpu.memref_slice %arg2[%mul3A_36] : memref<320000xi32, #tpu.memory_space<hbm>> -> memref<128xi32, #tpu.memory_space<hbm>>
        tpu.enqueue_dma source(%dma_start3A_55 : memref<128xi32, #tpu.memory_space<hbm>>) target(%arg7 : memref<128xi32, #tpu.memory_space<vmem>>) target_semaphore(%run_scoped3A : memref<!tpu.dma_semaphore, #tpu.memory_space<semaphore_mem>>)
        %dma_wait3A_56 = tpu.memref_slice %arg2[%mul3A_36] : memref<320000xi32, #tpu.memory_space<hbm>> -> memref<128xi32, #tpu.memory_space<hbm>>
        %dma_wait3A_57 = tpu.memref_slice %arg2[%mul3A_36] : memref<320000xi32, #tpu.memory_space<hbm>> -> memref<128xi32, #tpu.memory_space<hbm>>
        tpu.wait_dma2 semaphore(%run_scoped3A : memref<!tpu.dma_semaphore, #tpu.memory_space<semaphore_mem>>) src(%dma_wait3A_57 : memref<128xi32, #tpu.memory_space<hbm>>) dst(%arg7 : memref<128xi32, #tpu.memory_space<vmem>>)
        tpu.yield
      }) : () -> ()
      "tpu.region"() ({
        %run_scoped3A = tpu.sem_alloc : memref<!tpu.dma_semaphore, #tpu.memory_space<semaphore_mem>>
        %dma_start3A_54 = tpu.memref_slice %arg3[%mul3A_36] : memref<320000xi32, #tpu.memory_space<hbm>> -> memref<128xi32, #tpu.memory_space<hbm>>
        %dma_start3A_55 = tpu.memref_slice %arg3[%mul3A_36] : memref<320000xi32, #tpu.memory_space<hbm>> -> memref<128xi32, #tpu.memory_space<hbm>>
        tpu.enqueue_dma source(%dma_start3A_55 : memref<128xi32, #tpu.memory_space<hbm>>) target(%arg8 : memref<128xi32, #tpu.memory_space<vmem>>) target_semaphore(%run_scoped3A : memref<!tpu.dma_semaphore, #tpu.memory_space<semaphore_mem>>)
        %dma_wait3A_56 = tpu.memref_slice %arg3[%mul3A_36] : memref<320000xi32, #tpu.memory_space<hbm>> -> memref<128xi32, #tpu.memory_space<hbm>>
        %dma_wait3A_57 = tpu.memref_slice %arg3[%mul3A_36] : memref<320000xi32, #tpu.memory_space<hbm>> -> memref<128xi32, #tpu.memory_space<hbm>>
        tpu.wait_dma2 semaphore(%run_scoped3A : memref<!tpu.dma_semaphore, #tpu.memory_space<semaphore_mem>>) src(%dma_wait3A_57 : memref<128xi32, #tpu.memory_space<hbm>>) dst(%arg8 : memref<128xi32, #tpu.memory_space<vmem>>)
        tpu.yield
      }) : () -> ()
      %dma_start3A = arith.constant 0 : i32
      %dma_start3A_37 = arith.constant 0 : i32
      %dma_start3A_38 = tpu.memref_slice %arg4[%dma_start3A, %dma_start3A_37] : memref<10000x16xf32, #tpu.memory_space<hbm>> -> memref<10000x16xf32, #tpu.memory_space<hbm>>
      tpu.enqueue_indirect_dma source(%dma_start3A_38 : memref<10000x16xf32, #tpu.memory_space<hbm>>) target(%arg9 : memref<128x16xf32, #tpu.memory_space<vmem>>) offsets(%arg7 : memref<128xi32, #tpu.memory_space<vmem>>) semaphore(%arg11 : memref<!tpu.dma_semaphore, #tpu.memory_space<semaphore_mem>>)
      %dma_wait3A = arith.constant 0 : i32
      %dma_wait3A_39 = arith.constant 0 : i32
      %dma_wait3A_40 = tpu.memref_slice %arg4[%dma_wait3A, %dma_wait3A_39] : memref<10000x16xf32, #tpu.memory_space<hbm>> -> memref<10000x16xf32, #tpu.memory_space<hbm>>
      tpu.wait_indirect_dma semaphore(%arg11 : memref<!tpu.dma_semaphore, #tpu.memory_space<semaphore_mem>>) src(%dma_wait3A_40 : memref<10000x16xf32, #tpu.memory_space<hbm>>) dst(%arg9 : memref<128x16xf32, #tpu.memory_space<vmem>>)
      %dma_start3A_41 = arith.constant 0 : i32
      %dma_start3A_42 = arith.constant 0 : i32
      %dma_start3A_43 = tpu.memref_slice %arg5[%dma_start3A_41, %dma_start3A_42] : memref<10112x16xf32, #tpu.memory_space<hbm>> -> memref<10112x16xf32, #tpu.memory_space<hbm>>
      tpu.enqueue_indirect_dma source(%dma_start3A_43 : memref<10112x16xf32, #tpu.memory_space<hbm>>) target(%arg10 : memref<128x16xf32, #tpu.memory_space<vmem>>) offsets(%arg8 : memref<128xi32, #tpu.memory_space<vmem>>) semaphore(%arg11 : memref<!tpu.dma_semaphore, #tpu.memory_space<semaphore_mem>>)
      %dma_wait3A_44 = arith.constant 0 : i32
      %dma_wait3A_45 = arith.constant 0 : i32
      %dma_wait3A_46 = tpu.memref_slice %arg5[%dma_wait3A_44, %dma_wait3A_45] : memref<10112x16xf32, #tpu.memory_space<hbm>> -> memref<10112x16xf32, #tpu.memory_space<hbm>>
      tpu.wait_indirect_dma semaphore(%arg11 : memref<!tpu.dma_semaphore, #tpu.memory_space<semaphore_mem>>) src(%dma_wait3A_46 : memref<10112x16xf32, #tpu.memory_space<hbm>>) dst(%arg10 : memref<128x16xf32, #tpu.memory_space<vmem>>)
      %scan3A = arith.constant 0 : i32
      %scan3A_47 = arith.constant 0 : i32
      %scan3A_48 = arith.constant 128 : i32
      %scan3A_49 = arith.addi %scan3A_47, %scan3A_48 : i32
      %scan3A_50 = arith.constant 1 : i32
      %scan3A_51 = scf.for %scan3A_54 = %scan3A_47 to %scan3A_49 step %scan3A_50 iter_args(%scan3A_55 = %scan3A) -> (i32)  : i32 {
        %get3A = arith.index_cast %scan3A_54 : i32 to index
        %get3A_56 = arith.constant 0 : index
        %get3A_57 = tpu.vector_load %arg9[%get3A, %get3A_56] {strides = array<i32>} : memref<128x16xf32, #tpu.memory_space<vmem>>, vector<1x16xf32>,
        %get3A_58 = vector.shape_cast %get3A_57 : vector<1x16xf32> to vector<16xf32>
        %get3A_59 = arith.index_cast %scan3A_54 : i32 to index
        %get3A_60 = arith.constant 0 : index
        %get3A_61 = tpu.vector_load %arg10[%get3A_59, %get3A_60] {strides = array<i32>} : memref<128x16xf32, #tpu.memory_space<vmem>>, vector<1x16xf32>,
        %get3A_62 = vector.shape_cast %get3A_61 : vector<1x16xf32> to vector<16xf32>
        %add3A_63 = arith.addf %get3A_58, %get3A_62 : vector<16xf32>
        %max3A = arith.constant -1.500000e+01 : f32
        %max3A_64 = vector.broadcast %max3A : f32 to vector<16xf32>
        %max3A_65 = arith.maximumf %add3A_63, %max3A_64 : vector<16xf32>
        %min3A = arith.constant 1.500000e+01 : f32
        %min3A_66 = vector.broadcast %min3A : f32 to vector<16xf32>
        %min3A_67 = arith.minimumf %max3A_65, %min3A_66 : vector<16xf32>
        %add3A_68 = arith.addf %min3A_67, %min3A_67 : vector<16xf32>
        %exp3A = math.exp %add3A_68 : vector<16xf32>
        %sub3A_69 = arith.constant 1.000000e+00 : f32
        %sub3A_70 = vector.broadcast %sub3A_69 : f32 to vector<16xf32>
        %sub3A_71 = arith.subf %exp3A, %sub3A_70 : vector<16xf32>
        %add3A_72 = arith.constant 1.000000e+00 : f32
        %add3A_73 = vector.broadcast %add3A_72 : f32 to vector<16xf32>
        %add3A_74 = arith.addf %exp3A, %add3A_73 : vector<16xf32>
        %div3A_75 = arith.divf %sub3A_71, %add3A_74 : vector<16xf32>
        %swap3A = arith.index_cast %scan3A_54 : i32 to index
        %swap3A_76 = arith.constant 0 : index
        %swap3A_77 = tpu.vector_load %arg9[%swap3A, %swap3A_76] {strides = array<i32>} : memref<128x16xf32, #tpu.memory_space<vmem>>, vector<1x16xf32>,
        %swap3A_78 = vector.shape_cast %swap3A_77 : vector<1x16xf32> to vector<16xf32>
        %swap3A_79 = vector.shape_cast %div3A_75 : vector<16xf32> to vector<1x16xf32>
        tpu.vector_store %arg9[%swap3A, %swap3A_76], %swap3A_79 {strides = array<i32>} : memref<128x16xf32, #tpu.memory_space<vmem>>, vector<1x16xf32>,
        %scan3A_80 = arith.constant 0 : i32
        scf.yield %scan3A_80 : i32
      }
      %scan3A_52 = arith.constant 128 : i32
      "tpu.region"() ({
        %run_scoped3A = tpu.sem_alloc : memref<!tpu.dma_semaphore, #tpu.memory_space<semaphore_mem>>
        %dma_start3A_54 = arith.constant 0 : i32
        %dma_start3A_55 = tpu.memref_slice %arg6[%mul3A_36, %dma_start3A_54] : memref<320000x16xf32, #tpu.memory_space<hbm>> -> memref<128x16xf32, #tpu.memory_space<hbm>>
        %dma_start3A_56 = arith.constant 0 : i32
        %dma_start3A_57 = tpu.memref_slice %arg6[%mul3A_36, %dma_start3A_56] : memref<320000x16xf32, #tpu.memory_space<hbm>> -> memref<128x16xf32, #tpu.memory_space<hbm>>
        tpu.enqueue_dma source(%arg9 : memref<128x16xf32, #tpu.memory_space<vmem>>) target(%dma_start3A_57 : memref<128x16xf32, #tpu.memory_space<hbm>>) target_semaphore(%run_scoped3A : memref<!tpu.dma_semaphore, #tpu.memory_space<semaphore_mem>>)
        %dma_wait3A_58 = arith.constant 0 : i32
        %dma_wait3A_59 = tpu.memref_slice %arg6[%mul3A_36, %dma_wait3A_58] : memref<320000x16xf32, #tpu.memory_space<hbm>> -> memref<128x16xf32, #tpu.memory_space<hbm>>
        %dma_wait3A_60 = arith.constant 0 : i32
        %dma_wait3A_61 = tpu.memref_slice %arg6[%mul3A_36, %dma_wait3A_60] : memref<320000x16xf32, #tpu.memory_space<hbm>> -> memref<128x16xf32, #tpu.memory_space<hbm>>
        tpu.wait_dma2 semaphore(%run_scoped3A : memref<!tpu.dma_semaphore, #tpu.memory_space<semaphore_mem>>) src(%arg9 : memref<128x16xf32, #tpu.memory_space<vmem>>) dst(%dma_wait3A_61 : memref<128x16xf32, #tpu.memory_space<hbm>>)
        tpu.yield
      }) : () -> ()
      %while3A_53 = arith.constant 0 : i32
      scf.yield %while3A_53 : i32
    }
    %while3A_28 = arith.constant 1 : i32
    %while3A_29 = scf.for %while3A_30 = %while3A_25 to %while3A_21 step %while3A_28 iter_args(%while3A_31 = %while3A_27) -> (i32)  : i32 {
      %mul3A_32 = arith.constant 32 : i32
      %mul3A_33 = arith.muli %while3A_30, %mul3A_32 : i32
      %add3A_34 = arith.addi %add3A, %mul3A_33 : i32
      %mul3A_35 = arith.constant 128 : i32
      %mul3A_36 = arith.muli %add3A_34, %mul3A_35 : i32
      "tpu.region"() ({
        %run_scoped3A = tpu.sem_alloc : memref<!tpu.dma_semaphore, #tpu.memory_space<semaphore_mem>>
        %dma_start3A_54 = tpu.memref_slice %arg2[%mul3A_36] : memref<320000xi32, #tpu.memory_space<hbm>> -> memref<128xi32, #tpu.memory_space<hbm>>
        %dma_start3A_55 = tpu.memref_slice %arg2[%mul3A_36] : memref<320000xi32, #tpu.memory_space<hbm>> -> memref<128xi32, #tpu.memory_space<hbm>>
        tpu.enqueue_dma source(%dma_start3A_55 : memref<128xi32, #tpu.memory_space<hbm>>) target(%arg7 : memref<128xi32, #tpu.memory_space<vmem>>) target_semaphore(%run_scoped3A : memref<!tpu.dma_semaphore, #tpu.memory_space<semaphore_mem>>)
        %dma_wait3A_56 = tpu.memref_slice %arg2[%mul3A_36] : memref<320000xi32, #tpu.memory_space<hbm>> -> memref<128xi32, #tpu.memory_space<hbm>>
        %dma_wait3A_57 = tpu.memref_slice %arg2[%mul3A_36] : memref<320000xi32, #tpu.memory_space<hbm>> -> memref<128xi32, #tpu.memory_space<hbm>>
        tpu.wait_dma2 semaphore(%run_scoped3A : memref<!tpu.dma_semaphore, #tpu.memory_space<semaphore_mem>>) src(%dma_wait3A_57 : memref<128xi32, #tpu.memory_space<hbm>>) dst(%arg7 : memref<128xi32, #tpu.memory_space<vmem>>)
        tpu.yield
      }) : () -> ()
      "tpu.region"() ({
        %run_scoped3A = tpu.sem_alloc : memref<!tpu.dma_semaphore, #tpu.memory_space<semaphore_mem>>
        %dma_start3A_54 = tpu.memref_slice %arg3[%mul3A_36] : memref<320000xi32, #tpu.memory_space<hbm>> -> memref<128xi32, #tpu.memory_space<hbm>>
        %dma_start3A_55 = tpu.memref_slice %arg3[%mul3A_36] : memref<320000xi32, #tpu.memory_space<hbm>> -> memref<128xi32, #tpu.memory_space<hbm>>
        tpu.enqueue_dma source(%dma_start3A_55 : memref<128xi32, #tpu.memory_space<hbm>>) target(%arg8 : memref<128xi32, #tpu.memory_space<vmem>>) target_semaphore(%run_scoped3A : memref<!tpu.dma_semaphore, #tpu.memory_space<semaphore_mem>>)
        %dma_wait3A_56 = tpu.memref_slice %arg3[%mul3A_36] : memref<320000xi32, #tpu.memory_space<hbm>> -> memref<128xi32, #tpu.memory_space<hbm>>
        %dma_wait3A_57 = tpu.memref_slice %arg3[%mul3A_36] : memref<320000xi32, #tpu.memory_space<hbm>> -> memref<128xi32, #tpu.memory_space<hbm>>
        tpu.wait_dma2 semaphore(%run_scoped3A : memref<!tpu.dma_semaphore, #tpu.memory_space<semaphore_mem>>) src(%dma_wait3A_57 : memref<128xi32, #tpu.memory_space<hbm>>) dst(%arg8 : memref<128xi32, #tpu.memory_space<vmem>>)
        tpu.yield
      }) : () -> ()
      %dma_start3A = arith.constant 0 : i32
      %dma_start3A_37 = arith.constant 0 : i32
      %dma_start3A_38 = tpu.memref_slice %arg4[%dma_start3A, %dma_start3A_37] : memref<10000x16xf32, #tpu.memory_space<hbm>> -> memref<10000x16xf32, #tpu.memory_space<hbm>>
      tpu.enqueue_indirect_dma source(%dma_start3A_38 : memref<10000x16xf32, #tpu.memory_space<hbm>>) target(%arg9 : memref<128x16xf32, #tpu.memory_space<vmem>>) offsets(%arg7 : memref<128xi32, #tpu.memory_space<vmem>>) semaphore(%arg11 : memref<!tpu.dma_semaphore, #tpu.memory_space<semaphore_mem>>)
      %dma_wait3A = arith.constant 0 : i32
      %dma_wait3A_39 = arith.constant 0 : i32
      %dma_wait3A_40 = tpu.memref_slice %arg4[%dma_wait3A, %dma_wait3A_39] : memref<10000x16xf32, #tpu.memory_space<hbm>> -> memref<10000x16xf32, #tpu.memory_space<hbm>>
      tpu.wait_indirect_dma semaphore(%arg11 : memref<!tpu.dma_semaphore, #tpu.memory_space<semaphore_mem>>) src(%dma_wait3A_40 : memref<10000x16xf32, #tpu.memory_space<hbm>>) dst(%arg9 : memref<128x16xf32, #tpu.memory_space<vmem>>)
      %dma_start3A_41 = arith.constant 0 : i32
      %dma_start3A_42 = arith.constant 0 : i32
      %dma_start3A_43 = tpu.memref_slice %arg5[%dma_start3A_41, %dma_start3A_42] : memref<10112x16xf32, #tpu.memory_space<hbm>> -> memref<10112x16xf32, #tpu.memory_space<hbm>>
      tpu.enqueue_indirect_dma source(%dma_start3A_43 : memref<10112x16xf32, #tpu.memory_space<hbm>>) target(%arg10 : memref<128x16xf32, #tpu.memory_space<vmem>>) offsets(%arg8 : memref<128xi32, #tpu.memory_space<vmem>>) semaphore(%arg11 : memref<!tpu.dma_semaphore, #tpu.memory_space<semaphore_mem>>)
      %dma_wait3A_44 = arith.constant 0 : i32
      %dma_wait3A_45 = arith.constant 0 : i32
      %dma_wait3A_46 = tpu.memref_slice %arg5[%dma_wait3A_44, %dma_wait3A_45] : memref<10112x16xf32, #tpu.memory_space<hbm>> -> memref<10112x16xf32, #tpu.memory_space<hbm>>
      tpu.wait_indirect_dma semaphore(%arg11 : memref<!tpu.dma_semaphore, #tpu.memory_space<semaphore_mem>>) src(%dma_wait3A_46 : memref<10112x16xf32, #tpu.memory_space<hbm>>) dst(%arg10 : memref<128x16xf32, #tpu.memory_space<vmem>>)
      %scan3A = arith.constant 0 : i32
      %scan3A_47 = arith.constant 0 : i32
      %scan3A_48 = arith.constant 128 : i32
      %scan3A_49 = arith.addi %scan3A_47, %scan3A_48 : i32
      %scan3A_50 = arith.constant 1 : i32
      %scan3A_51 = scf.for %scan3A_54 = %scan3A_47 to %scan3A_49 step %scan3A_50 iter_args(%scan3A_55 = %scan3A) -> (i32)  : i32 {
        %get3A = arith.index_cast %scan3A_54 : i32 to index
        %get3A_56 = arith.constant 0 : index
        %get3A_57 = tpu.vector_load %arg9[%get3A, %get3A_56] {strides = array<i32>} : memref<128x16xf32, #tpu.memory_space<vmem>>, vector<1x16xf32>,
        %get3A_58 = vector.shape_cast %get3A_57 : vector<1x16xf32> to vector<16xf32>
        %get3A_59 = arith.index_cast %scan3A_54 : i32 to index
        %get3A_60 = arith.constant 0 : index
        %get3A_61 = tpu.vector_load %arg10[%get3A_59, %get3A_60] {strides = array<i32>} : memref<128x16xf32, #tpu.memory_space<vmem>>, vector<1x16xf32>,
        %get3A_62 = vector.shape_cast %get3A_61 : vector<1x16xf32> to vector<16xf32>
        %add3A_63 = arith.addf %get3A_58, %get3A_62 : vector<16xf32>
        %max3A = arith.constant -1.500000e+01 : f32
        %max3A_64 = vector.broadcast %max3A : f32 to vector<16xf32>
        %max3A_65 = arith.maximumf %add3A_63, %max3A_64 : vector<16xf32>
        %min3A = arith.constant 1.500000e+01 : f32
        %min3A_66 = vector.broadcast %min3A : f32 to vector<16xf32>
        %min3A_67 = arith.minimumf %max3A_65, %min3A_66 : vector<16xf32>
        %add3A_68 = arith.addf %min3A_67, %min3A_67 : vector<16xf32>
        %exp3A = math.exp %add3A_68 : vector<16xf32>
        %sub3A_69 = arith.constant 1.000000e+00 : f32
        %sub3A_70 = vector.broadcast %sub3A_69 : f32 to vector<16xf32>
        %sub3A_71 = arith.subf %exp3A, %sub3A_70 : vector<16xf32>
        %add3A_72 = arith.constant 1.000000e+00 : f32
        %add3A_73 = vector.broadcast %add3A_72 : f32 to vector<16xf32>
        %add3A_74 = arith.addf %exp3A, %add3A_73 : vector<16xf32>
        %div3A_75 = arith.divf %sub3A_71, %add3A_74 : vector<16xf32>
        %swap3A = arith.index_cast %scan3A_54 : i32 to index
        %swap3A_76 = arith.constant 0 : index
        %swap3A_77 = tpu.vector_load %arg9[%swap3A, %swap3A_76] {strides = array<i32>} : memref<128x16xf32, #tpu.memory_space<vmem>>, vector<1x16xf32>,
        %swap3A_78 = vector.shape_cast %swap3A_77 : vector<1x16xf32> to vector<16xf32>
        %swap3A_79 = vector.shape_cast %div3A_75 : vector<16xf32> to vector<1x16xf32>
        tpu.vector_store %arg9[%swap3A, %swap3A_76], %swap3A_79 {strides = array<i32>} : memref<128x16xf32, #tpu.memory_space<vmem>>, vector<1x16xf32>,
        %scan3A_80 = arith.constant 0 : i32
        scf.yield %scan3A_80 : i32
      }
      %scan3A_52 = arith.constant 128 : i32
      "tpu.region"() ({
        %run_scoped3A = tpu.sem_alloc : memref<!tpu.dma_semaphore, #tpu.memory_space<semaphore_mem>>
        %dma_start3A_54 = arith.constant 0 : i32
        %dma_start3A_55 = tpu.memref_slice %arg6[%mul3A_36, %dma_start3A_54] : memref<320000x16xf32, #tpu.memory_space<hbm>> -> memref<128x16xf32, #tpu.memory_space<hbm>>
        %dma_start3A_56 = arith.constant 0 : i32
        %dma_start3A_57 = tpu.memref_slice %arg6[%mul3A_36, %dma_start3A_56] : memref<320000x16xf32, #tpu.memory_space<hbm>> -> memref<128x16xf32, #tpu.memory_space<hbm>>
        tpu.enqueue_dma source(%arg9 : memref<128x16xf32, #tpu.memory_space<vmem>>) target(%dma_start3A_57 : memref<128x16xf32, #tpu.memory_space<hbm>>) target_semaphore(%run_scoped3A : memref<!tpu.dma_semaphore, #tpu.memory_space<semaphore_mem>>)
        %dma_wait3A_58 = arith.constant 0 : i32
        %dma_wait3A_59 = tpu.memref_slice %arg6[%mul3A_36, %dma_wait3A_58] : memref<320000x16xf32, #tpu.memory_space<hbm>> -> memref<128x16xf32, #tpu.memory_space<hbm>>
        %dma_wait3A_60 = arith.constant 0 : i32
        %dma_wait3A_61 = tpu.memref_slice %arg6[%mul3A_36, %dma_wait3A_60] : memref<320000x16xf32, #tpu.memory_space<hbm>> -> memref<128x16xf32, #tpu.memory_space<hbm>>
        tpu.wait_dma2 semaphore(%run_scoped3A : memref<!tpu.dma_semaphore, #tpu.memory_space<semaphore_mem>>) src(%arg9 : memref<128x16xf32, #tpu.memory_space<vmem>>) dst(%dma_wait3A_61 : memref<128x16xf32, #tpu.memory_space<hbm>>)
        tpu.yield
      }) : () -> ()
      %while3A_53 = arith.constant 0 : i32
      scf.yield %while3A_53 : i32
    }
    return
  }
}

#map = affine_map<(d0, d1) -> (0)>
#map1 = affine_map<(d0, d1) -> (0, 0)>
#map2 = affine_map<(d0, d1) -> (0, 0, 0)>
module attributes {stable_mosaic.version = 14 : i64} {
  func.func @_sc_pass_body(%arg0: i32, %arg1: i32, %arg2: memref<320000xi32, #tpu.memory_space<hbm>>, %arg3: memref<320000xi32, #tpu.memory_space<hbm>>, %arg4: memref<320000x16xf32, #tpu.memory_space<hbm>>, %arg5: memref<10000x128xf32, #tpu.memory_space<hbm>>, %arg6: memref<2x10112x128xf32, #tpu.memory_space<hbm>>, %arg7: memref<128xi32, #tpu.memory_space<vmem>>, %arg8: memref<128xi32, #tpu.memory_space<vmem>>, %arg9: memref<128x128xf32, #tpu.memory_space<vmem>>, %arg10: memref<128x16xf32, #tpu.memory_space<vmem>>, %arg11: memref<10112x128xf32, #tpu.memory_space<vmem_shared>>, %arg12: memref<!tpu.dma_semaphore, #tpu.memory_space<semaphore_mem>>) attributes {dimension_semantics = [#tpu.dimension_semantics<core_parallel>, #tpu.dimension_semantics<subcore_parallel>], iteration_bounds = array<i64: 2, 16>, scalar_prefetch = 0 : i64, scratch_operands = 6 : i64, tpu.core_type = #tpu.core_type<sc_vector_subcore>, window_params = [{transform_indices = #map}, {transform_indices = #map}, {transform_indices = #map1}, {transform_indices = #map1}, {transform_indices = #map2}]} {
    %mul3A = arith.constant 16 : i32
    %mul3A_0 = arith.muli %arg0, %mul3A : i32
    %add3A = arith.addi %mul3A_0, %arg1 : i32
    %mul3A_1 = arith.constant 632 : i32
    %mul3A_2 = arith.muli %arg1, %mul3A_1 : i32
    %scan3A = arith.constant 0 : i32
    %scan3A_3 = arith.constant 0 : i32
    %scan3A_4 = arith.constant 128 : i32
    %scan3A_5 = arith.addi %scan3A_3, %scan3A_4 : i32
    %scan3A_6 = arith.constant 1 : i32
    %scan3A_7 = scf.for %scan3A_49 = %scan3A_3 to %scan3A_5 step %scan3A_6 iter_args(%scan3A_50 = %scan3A) -> (i32)  : i32 {
      %broadcast_in_dim3A = arith.constant 0.000000e+00 : f32
      %broadcast_in_dim3A_51 = vector.broadcast %broadcast_in_dim3A : f32 to vector<16xf32>
      %swap3A = arith.index_cast %scan3A_49 : i32 to index
      %swap3A_52 = arith.constant 0 : index
      %swap3A_53 = tpu.vector_load %arg9[%swap3A, %swap3A_52] {strides = array<i32>} : memref<128x128xf32, #tpu.memory_space<vmem>>, vector<1x16xf32>,
      %swap3A_54 = vector.shape_cast %swap3A_53 : vector<1x16xf32> to vector<16xf32>
      %swap3A_55 = vector.shape_cast %broadcast_in_dim3A_51 : vector<16xf32> to vector<1x16xf32>
      tpu.vector_store %arg9[%swap3A, %swap3A_52], %swap3A_55 {strides = array<i32>} : memref<128x128xf32, #tpu.memory_space<vmem>>, vector<1x16xf32>,
      %broadcast_in_dim3A_56 = arith.constant 0.000000e+00 : f32
      %broadcast_in_dim3A_57 = vector.broadcast %broadcast_in_dim3A_56 : f32 to vector<16xf32>
      %swap3A_58 = arith.index_cast %scan3A_49 : i32 to index
      %swap3A_59 = arith.constant 16 : index
      %swap3A_60 = tpu.vector_load %arg9[%swap3A_58, %swap3A_59] {strides = array<i32>} : memref<128x128xf32, #tpu.memory_space<vmem>>, vector<1x16xf32>,
      %swap3A_61 = vector.shape_cast %swap3A_60 : vector<1x16xf32> to vector<16xf32>
      %swap3A_62 = vector.shape_cast %broadcast_in_dim3A_57 : vector<16xf32> to vector<1x16xf32>
      tpu.vector_store %arg9[%swap3A_58, %swap3A_59], %swap3A_62 {strides = array<i32>} : memref<128x128xf32, #tpu.memory_space<vmem>>, vector<1x16xf32>,
      %broadcast_in_dim3A_63 = arith.constant 0.000000e+00 : f32
      %broadcast_in_dim3A_64 = vector.broadcast %broadcast_in_dim3A_63 : f32 to vector<16xf32>
      %swap3A_65 = arith.index_cast %scan3A_49 : i32 to index
      %swap3A_66 = arith.constant 32 : index
      %swap3A_67 = tpu.vector_load %arg9[%swap3A_65, %swap3A_66] {strides = array<i32>} : memref<128x128xf32, #tpu.memory_space<vmem>>, vector<1x16xf32>,
      %swap3A_68 = vector.shape_cast %swap3A_67 : vector<1x16xf32> to vector<16xf32>
      %swap3A_69 = vector.shape_cast %broadcast_in_dim3A_64 : vector<16xf32> to vector<1x16xf32>
      tpu.vector_store %arg9[%swap3A_65, %swap3A_66], %swap3A_69 {strides = array<i32>} : memref<128x128xf32, #tpu.memory_space<vmem>>, vector<1x16xf32>,
      %broadcast_in_dim3A_70 = arith.constant 0.000000e+00 : f32
      %broadcast_in_dim3A_71 = vector.broadcast %broadcast_in_dim3A_70 : f32 to vector<16xf32>
      %swap3A_72 = arith.index_cast %scan3A_49 : i32 to index
      %swap3A_73 = arith.constant 48 : index
      %swap3A_74 = tpu.vector_load %arg9[%swap3A_72, %swap3A_73] {strides = array<i32>} : memref<128x128xf32, #tpu.memory_space<vmem>>, vector<1x16xf32>,
      %swap3A_75 = vector.shape_cast %swap3A_74 : vector<1x16xf32> to vector<16xf32>
      %swap3A_76 = vector.shape_cast %broadcast_in_dim3A_71 : vector<16xf32> to vector<1x16xf32>
      tpu.vector_store %arg9[%swap3A_72, %swap3A_73], %swap3A_76 {strides = array<i32>} : memref<128x128xf32, #tpu.memory_space<vmem>>, vector<1x16xf32>,
      %broadcast_in_dim3A_77 = arith.constant 0.000000e+00 : f32
      %broadcast_in_dim3A_78 = vector.broadcast %broadcast_in_dim3A_77 : f32 to vector<16xf32>
      %swap3A_79 = arith.index_cast %scan3A_49 : i32 to index
      %swap3A_80 = arith.constant 64 : index
      %swap3A_81 = tpu.vector_load %arg9[%swap3A_79, %swap3A_80] {strides = array<i32>} : memref<128x128xf32, #tpu.memory_space<vmem>>, vector<1x16xf32>,
      %swap3A_82 = vector.shape_cast %swap3A_81 : vector<1x16xf32> to vector<16xf32>
      %swap3A_83 = vector.shape_cast %broadcast_in_dim3A_78 : vector<16xf32> to vector<1x16xf32>
      tpu.vector_store %arg9[%swap3A_79, %swap3A_80], %swap3A_83 {strides = array<i32>} : memref<128x128xf32, #tpu.memory_space<vmem>>, vector<1x16xf32>,
      %broadcast_in_dim3A_84 = arith.constant 0.000000e+00 : f32
      %broadcast_in_dim3A_85 = vector.broadcast %broadcast_in_dim3A_84 : f32 to vector<16xf32>
      %swap3A_86 = arith.index_cast %scan3A_49 : i32 to index
      %swap3A_87 = arith.constant 80 : index
      %swap3A_88 = tpu.vector_load %arg9[%swap3A_86, %swap3A_87] {strides = array<i32>} : memref<128x128xf32, #tpu.memory_space<vmem>>, vector<1x16xf32>,
      %swap3A_89 = vector.shape_cast %swap3A_88 : vector<1x16xf32> to vector<16xf32>
      %swap3A_90 = vector.shape_cast %broadcast_in_dim3A_85 : vector<16xf32> to vector<1x16xf32>
      tpu.vector_store %arg9[%swap3A_86, %swap3A_87], %swap3A_90 {strides = array<i32>} : memref<128x128xf32, #tpu.memory_space<vmem>>, vector<1x16xf32>,
      %broadcast_in_dim3A_91 = arith.constant 0.000000e+00 : f32
      %broadcast_in_dim3A_92 = vector.broadcast %broadcast_in_dim3A_91 : f32 to vector<16xf32>
      %swap3A_93 = arith.index_cast %scan3A_49 : i32 to index
      %swap3A_94 = arith.constant 96 : index
      %swap3A_95 = tpu.vector_load %arg9[%swap3A_93, %swap3A_94] {strides = array<i32>} : memref<128x128xf32, #tpu.memory_space<vmem>>, vector<1x16xf32>,
      %swap3A_96 = vector.shape_cast %swap3A_95 : vector<1x16xf32> to vector<16xf32>
      %swap3A_97 = vector.shape_cast %broadcast_in_dim3A_92 : vector<16xf32> to vector<1x16xf32>
      tpu.vector_store %arg9[%swap3A_93, %swap3A_94], %swap3A_97 {strides = array<i32>} : memref<128x128xf32, #tpu.memory_space<vmem>>, vector<1x16xf32>,
      %broadcast_in_dim3A_98 = arith.constant 0.000000e+00 : f32
      %broadcast_in_dim3A_99 = vector.broadcast %broadcast_in_dim3A_98 : f32 to vector<16xf32>
      %swap3A_100 = arith.index_cast %scan3A_49 : i32 to index
      %swap3A_101 = arith.constant 112 : index
      %swap3A_102 = tpu.vector_load %arg9[%swap3A_100, %swap3A_101] {strides = array<i32>} : memref<128x128xf32, #tpu.memory_space<vmem>>, vector<1x16xf32>,
      %swap3A_103 = vector.shape_cast %swap3A_102 : vector<1x16xf32> to vector<16xf32>
      %swap3A_104 = vector.shape_cast %broadcast_in_dim3A_99 : vector<16xf32> to vector<1x16xf32>
      tpu.vector_store %arg9[%swap3A_100, %swap3A_101], %swap3A_104 {strides = array<i32>} : memref<128x128xf32, #tpu.memory_space<vmem>>, vector<1x16xf32>,
      %scan3A_105 = arith.constant 0 : i32
      scf.yield %scan3A_105 : i32
    }
    %scan3A_8 = arith.constant 128 : i32
    %add3A_9 = arith.constant 0 : i32
    %add3A_10 = arith.addi %mul3A_2, %add3A_9 : i32
    "tpu.region"() ({
      %run_scoped3A = tpu.sem_alloc : memref<!tpu.dma_semaphore, #tpu.memory_space<semaphore_mem>>
      %dma_start3A = arith.constant 0 : i32
      %dma_start3A_49 = tpu.memref_slice %arg11[%add3A_10, %dma_start3A] : memref<10112x128xf32, #tpu.memory_space<vmem_shared>> -> memref<128x128xf32, #tpu.memory_space<vmem_shared>>
      %dma_start3A_50 = arith.constant 0 : i32
      %dma_start3A_51 = tpu.memref_slice %arg11[%add3A_10, %dma_start3A_50] : memref<10112x128xf32, #tpu.memory_space<vmem_shared>> -> memref<128x128xf32, #tpu.memory_space<vmem_shared>>
      tpu.enqueue_dma source(%arg9 : memref<128x128xf32, #tpu.memory_space<vmem>>) target(%dma_start3A_51 : memref<128x128xf32, #tpu.memory_space<vmem_shared>>) target_semaphore(%run_scoped3A : memref<!tpu.dma_semaphore, #tpu.memory_space<semaphore_mem>>)
      %dma_wait3A = arith.constant 0 : i32
      %dma_wait3A_52 = tpu.memref_slice %arg11[%add3A_10, %dma_wait3A] : memref<10112x128xf32, #tpu.memory_space<vmem_shared>> -> memref<128x128xf32, #tpu.memory_space<vmem_shared>>
      %dma_wait3A_53 = arith.constant 0 : i32
      %dma_wait3A_54 = tpu.memref_slice %arg11[%add3A_10, %dma_wait3A_53] : memref<10112x128xf32, #tpu.memory_space<vmem_shared>> -> memref<128x128xf32, #tpu.memory_space<vmem_shared>>
      tpu.wait_dma2 semaphore(%run_scoped3A : memref<!tpu.dma_semaphore, #tpu.memory_space<semaphore_mem>>) src(%arg9 : memref<128x128xf32, #tpu.memory_space<vmem>>) dst(%dma_wait3A_54 : memref<128x128xf32, #tpu.memory_space<vmem_shared>>)
      tpu.yield
    }) : () -> ()
    %add3A_11 = arith.constant 128 : i32
    %add3A_12 = arith.addi %mul3A_2, %add3A_11 : i32
    "tpu.region"() ({
      %run_scoped3A = tpu.sem_alloc : memref<!tpu.dma_semaphore, #tpu.memory_space<semaphore_mem>>
      %dma_start3A = arith.constant 0 : i32
      %dma_start3A_49 = tpu.memref_slice %arg11[%add3A_12, %dma_start3A] : memref<10112x128xf32, #tpu.memory_space<vmem_shared>> -> memref<128x128xf32, #tpu.memory_space<vmem_shared>>
      %dma_start3A_50 = arith.constant 0 : i32
      %dma_start3A_51 = tpu.memref_slice %arg11[%add3A_12, %dma_start3A_50] : memref<10112x128xf32, #tpu.memory_space<vmem_shared>> -> memref<128x128xf32, #tpu.memory_space<vmem_shared>>
      tpu.enqueue_dma source(%arg9 : memref<128x128xf32, #tpu.memory_space<vmem>>) target(%dma_start3A_51 : memref<128x128xf32, #tpu.memory_space<vmem_shared>>) target_semaphore(%run_scoped3A : memref<!tpu.dma_semaphore, #tpu.memory_space<semaphore_mem>>)
      %dma_wait3A = arith.constant 0 : i32
      %dma_wait3A_52 = tpu.memref_slice %arg11[%add3A_12, %dma_wait3A] : memref<10112x128xf32, #tpu.memory_space<vmem_shared>> -> memref<128x128xf32, #tpu.memory_space<vmem_shared>>
      %dma_wait3A_53 = arith.constant 0 : i32
      %dma_wait3A_54 = tpu.memref_slice %arg11[%add3A_12, %dma_wait3A_53] : memref<10112x128xf32, #tpu.memory_space<vmem_shared>> -> memref<128x128xf32, #tpu.memory_space<vmem_shared>>
      tpu.wait_dma2 semaphore(%run_scoped3A : memref<!tpu.dma_semaphore, #tpu.memory_space<semaphore_mem>>) src(%arg9 : memref<128x128xf32, #tpu.memory_space<vmem>>) dst(%dma_wait3A_54 : memref<128x128xf32, #tpu.memory_space<vmem_shared>>)
      tpu.yield
    }) : () -> ()
    %add3A_13 = arith.constant 256 : i32
    %add3A_14 = arith.addi %mul3A_2, %add3A_13 : i32
    "tpu.region"() ({
      %run_scoped3A = tpu.sem_alloc : memref<!tpu.dma_semaphore, #tpu.memory_space<semaphore_mem>>
      %dma_start3A = arith.constant 0 : i32
      %dma_start3A_49 = tpu.memref_slice %arg11[%add3A_14, %dma_start3A] : memref<10112x128xf32, #tpu.memory_space<vmem_shared>> -> memref<128x128xf32, #tpu.memory_space<vmem_shared>>
      %dma_start3A_50 = arith.constant 0 : i32
      %dma_start3A_51 = tpu.memref_slice %arg11[%add3A_14, %dma_start3A_50] : memref<10112x128xf32, #tpu.memory_space<vmem_shared>> -> memref<128x128xf32, #tpu.memory_space<vmem_shared>>
      tpu.enqueue_dma source(%arg9 : memref<128x128xf32, #tpu.memory_space<vmem>>) target(%dma_start3A_51 : memref<128x128xf32, #tpu.memory_space<vmem_shared>>) target_semaphore(%run_scoped3A : memref<!tpu.dma_semaphore, #tpu.memory_space<semaphore_mem>>)
      %dma_wait3A = arith.constant 0 : i32
      %dma_wait3A_52 = tpu.memref_slice %arg11[%add3A_14, %dma_wait3A] : memref<10112x128xf32, #tpu.memory_space<vmem_shared>> -> memref<128x128xf32, #tpu.memory_space<vmem_shared>>
      %dma_wait3A_53 = arith.constant 0 : i32
      %dma_wait3A_54 = tpu.memref_slice %arg11[%add3A_14, %dma_wait3A_53] : memref<10112x128xf32, #tpu.memory_space<vmem_shared>> -> memref<128x128xf32, #tpu.memory_space<vmem_shared>>
      tpu.wait_dma2 semaphore(%run_scoped3A : memref<!tpu.dma_semaphore, #tpu.memory_space<semaphore_mem>>) src(%arg9 : memref<128x128xf32, #tpu.memory_space<vmem>>) dst(%dma_wait3A_54 : memref<128x128xf32, #tpu.memory_space<vmem_shared>>)
      tpu.yield
    }) : () -> ()
    %add3A_15 = arith.constant 384 : i32
    %add3A_16 = arith.addi %mul3A_2, %add3A_15 : i32
    "tpu.region"() ({
      %run_scoped3A = tpu.sem_alloc : memref<!tpu.dma_semaphore, #tpu.memory_space<semaphore_mem>>
      %dma_start3A = arith.constant 0 : i32
      %dma_start3A_49 = tpu.memref_slice %arg11[%add3A_16, %dma_start3A] : memref<10112x128xf32, #tpu.memory_space<vmem_shared>> -> memref<128x128xf32, #tpu.memory_space<vmem_shared>>
      %dma_start3A_50 = arith.constant 0 : i32
      %dma_start3A_51 = tpu.memref_slice %arg11[%add3A_16, %dma_start3A_50] : memref<10112x128xf32, #tpu.memory_space<vmem_shared>> -> memref<128x128xf32, #tpu.memory_space<vmem_shared>>
      tpu.enqueue_dma source(%arg9 : memref<128x128xf32, #tpu.memory_space<vmem>>) target(%dma_start3A_51 : memref<128x128xf32, #tpu.memory_space<vmem_shared>>) target_semaphore(%run_scoped3A : memref<!tpu.dma_semaphore, #tpu.memory_space<semaphore_mem>>)
      %dma_wait3A = arith.constant 0 : i32
      %dma_wait3A_52 = tpu.memref_slice %arg11[%add3A_16, %dma_wait3A] : memref<10112x128xf32, #tpu.memory_space<vmem_shared>> -> memref<128x128xf32, #tpu.memory_space<vmem_shared>>
      %dma_wait3A_53 = arith.constant 0 : i32
      %dma_wait3A_54 = tpu.memref_slice %arg11[%add3A_16, %dma_wait3A_53] : memref<10112x128xf32, #tpu.memory_space<vmem_shared>> -> memref<128x128xf32, #tpu.memory_space<vmem_shared>>
      tpu.wait_dma2 semaphore(%run_scoped3A : memref<!tpu.dma_semaphore, #tpu.memory_space<semaphore_mem>>) src(%arg9 : memref<128x128xf32, #tpu.memory_space<vmem>>) dst(%dma_wait3A_54 : memref<128x128xf32, #tpu.memory_space<vmem_shared>>)
      tpu.yield
    }) : () -> ()
    %add3A_17 = arith.constant 512 : i32
    %add3A_18 = arith.addi %mul3A_2, %add3A_17 : i32
    "tpu.region"() ({
      %run_scoped3A = tpu.sem_alloc : memref<!tpu.dma_semaphore, #tpu.memory_space<semaphore_mem>>
      %dma_start3A = arith.constant 0 : i32
      %dma_start3A_49 = arith.constant 0 : i32
      %dma_start3A_50 = tpu.memref_slice %arg9[%dma_start3A, %dma_start3A_49] : memref<128x128xf32, #tpu.memory_space<vmem>> -> memref<120x128xf32, #tpu.memory_space<vmem>>
      %dma_start3A_51 = arith.constant 0 : i32
      %dma_start3A_52 = tpu.memref_slice %arg11[%add3A_18, %dma_start3A_51] : memref<10112x128xf32, #tpu.memory_space<vmem_shared>> -> memref<120x128xf32, #tpu.memory_space<vmem_shared>>
      %dma_start3A_53 = arith.constant 0 : i32
      %dma_start3A_54 = tpu.memref_slice %arg11[%add3A_18, %dma_start3A_53] : memref<10112x128xf32, #tpu.memory_space<vmem_shared>> -> memref<120x128xf32, #tpu.memory_space<vmem_shared>>
      %dma_start3A_55 = arith.constant 0 : i32
      %dma_start3A_56 = arith.constant 0 : i32
      %dma_start3A_57 = tpu.memref_slice %arg9[%dma_start3A_55, %dma_start3A_56] : memref<128x128xf32, #tpu.memory_space<vmem>> -> memref<120x128xf32, #tpu.memory_space<vmem>>
      tpu.enqueue_dma source(%dma_start3A_57 : memref<120x128xf32, #tpu.memory_space<vmem>>) target(%dma_start3A_54 : memref<120x128xf32, #tpu.memory_space<vmem_shared>>) target_semaphore(%run_scoped3A : memref<!tpu.dma_semaphore, #tpu.memory_space<semaphore_mem>>)
      %dma_wait3A = arith.constant 0 : i32
      %dma_wait3A_58 = arith.constant 0 : i32
      %dma_wait3A_59 = tpu.memref_slice %arg9[%dma_wait3A, %dma_wait3A_58] : memref<128x128xf32, #tpu.memory_space<vmem>> -> memref<120x128xf32, #tpu.memory_space<vmem>>
      %dma_wait3A_60 = arith.constant 0 : i32
      %dma_wait3A_61 = tpu.memref_slice %arg11[%add3A_18, %dma_wait3A_60] : memref<10112x128xf32, #tpu.memory_space<vmem_shared>> -> memref<120x128xf32, #tpu.memory_space<vmem_shared>>
      %dma_wait3A_62 = arith.constant 0 : i32
      %dma_wait3A_63 = tpu.memref_slice %arg11[%add3A_18, %dma_wait3A_62] : memref<10112x128xf32, #tpu.memory_space<vmem_shared>> -> memref<120x128xf32, #tpu.memory_space<vmem_shared>>
      %dma_wait3A_64 = arith.constant 0 : i32
      %dma_wait3A_65 = arith.constant 0 : i32
      %dma_wait3A_66 = tpu.memref_slice %arg9[%dma_wait3A_64, %dma_wait3A_65] : memref<128x128xf32, #tpu.memory_space<vmem>> -> memref<120x128xf32, #tpu.memory_space<vmem>>
      tpu.wait_dma2 semaphore(%run_scoped3A : memref<!tpu.dma_semaphore, #tpu.memory_space<semaphore_mem>>) src(%dma_wait3A_66 : memref<120x128xf32, #tpu.memory_space<vmem>>) dst(%dma_wait3A_63 : memref<120x128xf32, #tpu.memory_space<vmem_shared>>)
      tpu.yield
    }) : () -> ()
    %barrier3A = arith.constant 0 : index
    tpu.barrier barrier_id(%barrier3A)
    %sub3A = arith.constant 2531 : i32
    %sub3A_19 = arith.subi %sub3A, %add3A : i32
    %jit3A = arith.constant 32 : i32
    %div3A = arith.divsi %sub3A_19, %jit3A : i32
    %sign3A = arith.constant 0 : i32
    %sign3A_20 = arith.cmpi sgt, %sub3A_19, %sign3A : i32
    %sign3A_21 = arith.extui %sign3A_20 : i1 to i32
    %sign3A_22 = arith.constant 0 : i32
    %sign3A_23 = arith.cmpi slt, %sub3A_19, %sign3A_22 : i32
    %sign3A_24 = arith.extui %sign3A_23 : i1 to i32
    %sign3A_25 = arith.subi %sign3A_21, %sign3A_24 : i32
    %sign3A_26 = arith.constant 0 : i32
    %sign3A_27 = arith.cmpi sgt, %jit3A, %sign3A_26 : i32
    %sign3A_28 = arith.extui %sign3A_27 : i1 to i32
    %sign3A_29 = arith.constant 0 : i32
    %sign3A_30 = arith.cmpi slt, %jit3A, %sign3A_29 : i32
    %sign3A_31 = arith.extui %sign3A_30 : i1 to i32
    %sign3A_32 = arith.subi %sign3A_28, %sign3A_31 : i32
    %ne3A = arith.cmpi ne, %sign3A_25, %sign3A_32 : i32
    %rem3A = arith.remsi %sub3A_19, %jit3A : i32
    %ne3A_33 = arith.constant 0 : i32
    %ne3A_34 = arith.cmpi ne, %rem3A, %ne3A_33 : i32
    %and3A = arith.andi %ne3A, %ne3A_34 : i1
    %sub3A_35 = arith.constant 1 : i32
    %sub3A_36 = arith.subi %div3A, %sub3A_35 : i32
    %select_n3A = arith.select %and3A, %sub3A_36, %div3A : i32
    %while3A = arith.constant 0 : i32
    %while3A_37 = arith.constant 0 : i32
    %while3A_38 = arith.subi %select_n3A, %while3A : i32
    %while3A_39 = arith.addi %while3A, %while3A_38 : i32
    %while3A_40 = arith.constant 1 : i32
    %while3A_41 = arith.divsi %while3A_38, %while3A_40 : i32
    %while3A_42 = arith.muli %while3A_41, %while3A_40 : i32
    %while3A_43 = arith.addi %while3A, %while3A_42 : i32
    %while3A_44 = arith.constant 1 : i32
    %while3A_45 = scf.for %while3A_49 = %while3A to %while3A_43 step %while3A_44 iter_args(%while3A_50 = %while3A_37) -> (i32)  : i32 {
      %mul3A_51 = arith.constant 32 : i32
      %mul3A_52 = arith.muli %while3A_49, %mul3A_51 : i32
      %add3A_53 = arith.addi %add3A, %mul3A_52 : i32
      %mul3A_54 = arith.constant 128 : i32
      %mul3A_55 = arith.muli %add3A_53, %mul3A_54 : i32
      "tpu.region"() ({
        %run_scoped3A = tpu.sem_alloc : memref<!tpu.dma_semaphore, #tpu.memory_space<semaphore_mem>>
        %dma_start3A_68 = tpu.memref_slice %arg2[%mul3A_55] : memref<320000xi32, #tpu.memory_space<hbm>> -> memref<128xi32, #tpu.memory_space<hbm>>
        %dma_start3A_69 = tpu.memref_slice %arg2[%mul3A_55] : memref<320000xi32, #tpu.memory_space<hbm>> -> memref<128xi32, #tpu.memory_space<hbm>>
        tpu.enqueue_dma source(%dma_start3A_69 : memref<128xi32, #tpu.memory_space<hbm>>) target(%arg7 : memref<128xi32, #tpu.memory_space<vmem>>) target_semaphore(%run_scoped3A : memref<!tpu.dma_semaphore, #tpu.memory_space<semaphore_mem>>)
        %dma_wait3A_70 = tpu.memref_slice %arg2[%mul3A_55] : memref<320000xi32, #tpu.memory_space<hbm>> -> memref<128xi32, #tpu.memory_space<hbm>>
        %dma_wait3A_71 = tpu.memref_slice %arg2[%mul3A_55] : memref<320000xi32, #tpu.memory_space<hbm>> -> memref<128xi32, #tpu.memory_space<hbm>>
        tpu.wait_dma2 semaphore(%run_scoped3A : memref<!tpu.dma_semaphore, #tpu.memory_space<semaphore_mem>>) src(%dma_wait3A_71 : memref<128xi32, #tpu.memory_space<hbm>>) dst(%arg7 : memref<128xi32, #tpu.memory_space<vmem>>)
        tpu.yield
      }) : () -> ()
      "tpu.region"() ({
        %run_scoped3A = tpu.sem_alloc : memref<!tpu.dma_semaphore, #tpu.memory_space<semaphore_mem>>
        %dma_start3A_68 = tpu.memref_slice %arg3[%mul3A_55] : memref<320000xi32, #tpu.memory_space<hbm>> -> memref<128xi32, #tpu.memory_space<hbm>>
        %dma_start3A_69 = tpu.memref_slice %arg3[%mul3A_55] : memref<320000xi32, #tpu.memory_space<hbm>> -> memref<128xi32, #tpu.memory_space<hbm>>
        tpu.enqueue_dma source(%dma_start3A_69 : memref<128xi32, #tpu.memory_space<hbm>>) target(%arg8 : memref<128xi32, #tpu.memory_space<vmem>>) target_semaphore(%run_scoped3A : memref<!tpu.dma_semaphore, #tpu.memory_space<semaphore_mem>>)
        %dma_wait3A_70 = tpu.memref_slice %arg3[%mul3A_55] : memref<320000xi32, #tpu.memory_space<hbm>> -> memref<128xi32, #tpu.memory_space<hbm>>
        %dma_wait3A_71 = tpu.memref_slice %arg3[%mul3A_55] : memref<320000xi32, #tpu.memory_space<hbm>> -> memref<128xi32, #tpu.memory_space<hbm>>
        tpu.wait_dma2 semaphore(%run_scoped3A : memref<!tpu.dma_semaphore, #tpu.memory_space<semaphore_mem>>) src(%dma_wait3A_71 : memref<128xi32, #tpu.memory_space<hbm>>) dst(%arg8 : memref<128xi32, #tpu.memory_space<vmem>>)
        tpu.yield
      }) : () -> ()
      %dma_start3A = arith.constant 0 : i32
      %dma_start3A_56 = arith.constant 0 : i32
      %dma_start3A_57 = tpu.memref_slice %arg5[%dma_start3A, %dma_start3A_56] : memref<10000x128xf32, #tpu.memory_space<hbm>> -> memref<10000x128xf32, #tpu.memory_space<hbm>>
      tpu.enqueue_indirect_dma source(%dma_start3A_57 : memref<10000x128xf32, #tpu.memory_space<hbm>>) target(%arg9 : memref<128x128xf32, #tpu.memory_space<vmem>>) offsets(%arg7 : memref<128xi32, #tpu.memory_space<vmem>>) semaphore(%arg12 : memref<!tpu.dma_semaphore, #tpu.memory_space<semaphore_mem>>)
      %dma_wait3A = arith.constant 0 : i32
      %dma_wait3A_58 = arith.constant 0 : i32
      %dma_wait3A_59 = tpu.memref_slice %arg5[%dma_wait3A, %dma_wait3A_58] : memref<10000x128xf32, #tpu.memory_space<hbm>> -> memref<10000x128xf32, #tpu.memory_space<hbm>>
      tpu.wait_indirect_dma semaphore(%arg12 : memref<!tpu.dma_semaphore, #tpu.memory_space<semaphore_mem>>) src(%dma_wait3A_59 : memref<10000x128xf32, #tpu.memory_space<hbm>>) dst(%arg9 : memref<128x128xf32, #tpu.memory_space<vmem>>)
      "tpu.region"() ({
        %run_scoped3A = tpu.sem_alloc : memref<!tpu.dma_semaphore, #tpu.memory_space<semaphore_mem>>
        %dma_start3A_68 = arith.constant 0 : i32
        %dma_start3A_69 = tpu.memref_slice %arg4[%mul3A_55, %dma_start3A_68] : memref<320000x16xf32, #tpu.memory_space<hbm>> -> memref<128x16xf32, #tpu.memory_space<hbm>>
        %dma_start3A_70 = arith.constant 0 : i32
        %dma_start3A_71 = tpu.memref_slice %arg4[%mul3A_55, %dma_start3A_70] : memref<320000x16xf32, #tpu.memory_space<hbm>> -> memref<128x16xf32, #tpu.memory_space<hbm>>
        tpu.enqueue_dma source(%dma_start3A_71 : memref<128x16xf32, #tpu.memory_space<hbm>>) target(%arg10 : memref<128x16xf32, #tpu.memory_space<vmem>>) target_semaphore(%run_scoped3A : memref<!tpu.dma_semaphore, #tpu.memory_space<semaphore_mem>>)
        %dma_wait3A_72 = arith.constant 0 : i32
        %dma_wait3A_73 = tpu.memref_slice %arg4[%mul3A_55, %dma_wait3A_72] : memref<320000x16xf32, #tpu.memory_space<hbm>> -> memref<128x16xf32, #tpu.memory_space<hbm>>
        %dma_wait3A_74 = arith.constant 0 : i32
        %dma_wait3A_75 = tpu.memref_slice %arg4[%mul3A_55, %dma_wait3A_74] : memref<320000x16xf32, #tpu.memory_space<hbm>> -> memref<128x16xf32, #tpu.memory_space<hbm>>
        tpu.wait_dma2 semaphore(%run_scoped3A : memref<!tpu.dma_semaphore, #tpu.memory_space<semaphore_mem>>) src(%dma_wait3A_75 : memref<128x16xf32, #tpu.memory_space<hbm>>) dst(%arg10 : memref<128x16xf32, #tpu.memory_space<vmem>>)
        tpu.yield
      }) : () -> ()
      %scan3A_60 = arith.constant 0 : i32
      %scan3A_61 = arith.constant 0 : i32
      %scan3A_62 = arith.constant 128 : i32
      %scan3A_63 = arith.addi %scan3A_61, %scan3A_62 : i32
      %scan3A_64 = arith.constant 1 : i32
      %scan3A_65 = scf.for %scan3A_68 = %scan3A_61 to %scan3A_63 step %scan3A_64 iter_args(%scan3A_69 = %scan3A_60) -> (i32)  : i32 {
        %get3A = arith.index_cast %scan3A_68 : i32 to index
        %get3A_70 = arith.constant 0 : index
        %get3A_71 = tpu.vector_load %arg10[%get3A, %get3A_70] {strides = array<i32>} : memref<128x16xf32, #tpu.memory_space<vmem>>, vector<1x16xf32>,
        %get3A_72 = vector.shape_cast %get3A_71 : vector<1x16xf32> to vector<16xf32>
        %slice3A = vector.extract_strided_slice %get3A_72 {offsets = [0], sizes = [1], strides = [1]} : vector<16xf32> to vector<1xf32>
        %squeeze3A = vector.extract %slice3A[0] : f32 from vector<1xf32>
        %get3A_73 = arith.index_cast %scan3A_68 : i32 to index
        %get3A_74 = arith.constant 0 : index
        %get3A_75 = tpu.vector_load %arg9[%get3A_73, %get3A_74] {strides = array<i32>} : memref<128x128xf32, #tpu.memory_space<vmem>>, vector<1x16xf32>,
        %get3A_76 = vector.shape_cast %get3A_75 : vector<1x16xf32> to vector<16xf32>
        %mul3A_77 = vector.broadcast %squeeze3A : f32 to vector<16xf32>
        %mul3A_78 = arith.mulf %get3A_76, %mul3A_77 : vector<16xf32>
        %swap3A = arith.index_cast %scan3A_68 : i32 to index
        %swap3A_79 = arith.constant 0 : index
        %swap3A_80 = tpu.vector_load %arg9[%swap3A, %swap3A_79] {strides = array<i32>} : memref<128x128xf32, #tpu.memory_space<vmem>>, vector<1x16xf32>,
        %swap3A_81 = vector.shape_cast %swap3A_80 : vector<1x16xf32> to vector<16xf32>
        %swap3A_82 = vector.shape_cast %mul3A_78 : vector<16xf32> to vector<1x16xf32>
        tpu.vector_store %arg9[%swap3A, %swap3A_79], %swap3A_82 {strides = array<i32>} : memref<128x128xf32, #tpu.memory_space<vmem>>, vector<1x16xf32>,
        %get3A_83 = arith.index_cast %scan3A_68 : i32 to index
        %get3A_84 = arith.constant 16 : index
        %get3A_85 = tpu.vector_load %arg9[%get3A_83, %get3A_84] {strides = array<i32>} : memref<128x128xf32, #tpu.memory_space<vmem>>, vector<1x16xf32>,
        %get3A_86 = vector.shape_cast %get3A_85 : vector<1x16xf32> to vector<16xf32>
        %mul3A_87 = vector.broadcast %squeeze3A : f32 to vector<16xf32>
        %mul3A_88 = arith.mulf %get3A_86, %mul3A_87 : vector<16xf32>
        %swap3A_89 = arith.index_cast %scan3A_68 : i32 to index
        %swap3A_90 = arith.constant 16 : index
        %swap3A_91 = tpu.vector_load %arg9[%swap3A_89, %swap3A_90] {strides = array<i32>} : memref<128x128xf32, #tpu.memory_space<vmem>>, vector<1x16xf32>,
        %swap3A_92 = vector.shape_cast %swap3A_91 : vector<1x16xf32> to vector<16xf32>
        %swap3A_93 = vector.shape_cast %mul3A_88 : vector<16xf32> to vector<1x16xf32>
        tpu.vector_store %arg9[%swap3A_89, %swap3A_90], %swap3A_93 {strides = array<i32>} : memref<128x128xf32, #tpu.memory_space<vmem>>, vector<1x16xf32>,
        %slice3A_94 = vector.extract_strided_slice %get3A_72 {offsets = [1], sizes = [1], strides = [1]} : vector<16xf32> to vector<1xf32>
        %squeeze3A_95 = vector.extract %slice3A_94[0] : f32 from vector<1xf32>
        %get3A_96 = arith.index_cast %scan3A_68 : i32 to index
        %get3A_97 = arith.constant 32 : index
        %get3A_98 = tpu.vector_load %arg9[%get3A_96, %get3A_97] {strides = array<i32>} : memref<128x128xf32, #tpu.memory_space<vmem>>, vector<1x16xf32>,
        %get3A_99 = vector.shape_cast %get3A_98 : vector<1x16xf32> to vector<16xf32>
        %mul3A_100 = vector.broadcast %squeeze3A_95 : f32 to vector<16xf32>
        %mul3A_101 = arith.mulf %get3A_99, %mul3A_100 : vector<16xf32>
        %swap3A_102 = arith.index_cast %scan3A_68 : i32 to index
        %swap3A_103 = arith.constant 32 : index
        %swap3A_104 = tpu.vector_load %arg9[%swap3A_102, %swap3A_103] {strides = array<i32>} : memref<128x128xf32, #tpu.memory_space<vmem>>, vector<1x16xf32>,
        %swap3A_105 = vector.shape_cast %swap3A_104 : vector<1x16xf32> to vector<16xf32>
        %swap3A_106 = vector.shape_cast %mul3A_101 : vector<16xf32> to vector<1x16xf32>
        tpu.vector_store %arg9[%swap3A_102, %swap3A_103], %swap3A_106 {strides = array<i32>} : memref<128x128xf32, #tpu.memory_space<vmem>>, vector<1x16xf32>,
        %get3A_107 = arith.index_cast %scan3A_68 : i32 to index
        %get3A_108 = arith.constant 48 : index
        %get3A_109 = tpu.vector_load %arg9[%get3A_107, %get3A_108] {strides = array<i32>} : memref<128x128xf32, #tpu.memory_space<vmem>>, vector<1x16xf32>,
        %get3A_110 = vector.shape_cast %get3A_109 : vector<1x16xf32> to vector<16xf32>
        %mul3A_111 = vector.broadcast %squeeze3A_95 : f32 to vector<16xf32>
        %mul3A_112 = arith.mulf %get3A_110, %mul3A_111 : vector<16xf32>
        %swap3A_113 = arith.index_cast %scan3A_68 : i32 to index
        %swap3A_114 = arith.constant 48 : index
        %swap3A_115 = tpu.vector_load %arg9[%swap3A_113, %swap3A_114] {strides = array<i32>} : memref<128x128xf32, #tpu.memory_space<vmem>>, vector<1x16xf32>,
        %swap3A_116 = vector.shape_cast %swap3A_115 : vector<1x16xf32> to vector<16xf32>
        %swap3A_117 = vector.shape_cast %mul3A_112 : vector<16xf32> to vector<1x16xf32>
        tpu.vector_store %arg9[%swap3A_113, %swap3A_114], %swap3A_117 {strides = array<i32>} : memref<128x128xf32, #tpu.memory_space<vmem>>, vector<1x16xf32>,
        %slice3A_118 = vector.extract_strided_slice %get3A_72 {offsets = [2], sizes = [1], strides = [1]} : vector<16xf32> to vector<1xf32>
        %squeeze3A_119 = vector.extract %slice3A_118[0] : f32 from vector<1xf32>
        %get3A_120 = arith.index_cast %scan3A_68 : i32 to index
        %get3A_121 = arith.constant 64 : index
        %get3A_122 = tpu.vector_load %arg9[%get3A_120, %get3A_121] {strides = array<i32>} : memref<128x128xf32, #tpu.memory_space<vmem>>, vector<1x16xf32>,
        %get3A_123 = vector.shape_cast %get3A_122 : vector<1x16xf32> to vector<16xf32>
        %mul3A_124 = vector.broadcast %squeeze3A_119 : f32 to vector<16xf32>
        %mul3A_125 = arith.mulf %get3A_123, %mul3A_124 : vector<16xf32>
        %swap3A_126 = arith.index_cast %scan3A_68 : i32 to index
        %swap3A_127 = arith.constant 64 : index
        %swap3A_128 = tpu.vector_load %arg9[%swap3A_126, %swap3A_127] {strides = array<i32>} : memref<128x128xf32, #tpu.memory_space<vmem>>, vector<1x16xf32>,
        %swap3A_129 = vector.shape_cast %swap3A_128 : vector<1x16xf32> to vector<16xf32>
        %swap3A_130 = vector.shape_cast %mul3A_125 : vector<16xf32> to vector<1x16xf32>
        tpu.vector_store %arg9[%swap3A_126, %swap3A_127], %swap3A_130 {strides = array<i32>} : memref<128x128xf32, #tpu.memory_space<vmem>>, vector<1x16xf32>,
        %get3A_131 = arith.index_cast %scan3A_68 : i32 to index
        %get3A_132 = arith.constant 80 : index
        %get3A_133 = tpu.vector_load %arg9[%get3A_131, %get3A_132] {strides = array<i32>} : memref<128x128xf32, #tpu.memory_space<vmem>>, vector<1x16xf32>,
        %get3A_134 = vector.shape_cast %get3A_133 : vector<1x16xf32> to vector<16xf32>
        %mul3A_135 = vector.broadcast %squeeze3A_119 : f32 to vector<16xf32>
        %mul3A_136 = arith.mulf %get3A_134, %mul3A_135 : vector<16xf32>
        %swap3A_137 = arith.index_cast %scan3A_68 : i32 to index
        %swap3A_138 = arith.constant 80 : index
        %swap3A_139 = tpu.vector_load %arg9[%swap3A_137, %swap3A_138] {strides = array<i32>} : memref<128x128xf32, #tpu.memory_space<vmem>>, vector<1x16xf32>,
        %swap3A_140 = vector.shape_cast %swap3A_139 : vector<1x16xf32> to vector<16xf32>
        %swap3A_141 = vector.shape_cast %mul3A_136 : vector<16xf32> to vector<1x16xf32>
        tpu.vector_store %arg9[%swap3A_137, %swap3A_138], %swap3A_141 {strides = array<i32>} : memref<128x128xf32, #tpu.memory_space<vmem>>, vector<1x16xf32>,
        %slice3A_142 = vector.extract_strided_slice %get3A_72 {offsets = [3], sizes = [1], strides = [1]} : vector<16xf32> to vector<1xf32>
        %squeeze3A_143 = vector.extract %slice3A_142[0] : f32 from vector<1xf32>
        %get3A_144 = arith.index_cast %scan3A_68 : i32 to index
        %get3A_145 = arith.constant 96 : index
        %get3A_146 = tpu.vector_load %arg9[%get3A_144, %get3A_145] {strides = array<i32>} : memref<128x128xf32, #tpu.memory_space<vmem>>, vector<1x16xf32>,
        %get3A_147 = vector.shape_cast %get3A_146 : vector<1x16xf32> to vector<16xf32>
        %mul3A_148 = vector.broadcast %squeeze3A_143 : f32 to vector<16xf32>
        %mul3A_149 = arith.mulf %get3A_147, %mul3A_148 : vector<16xf32>
        %swap3A_150 = arith.index_cast %scan3A_68 : i32 to index
        %swap3A_151 = arith.constant 96 : index
        %swap3A_152 = tpu.vector_load %arg9[%swap3A_150, %swap3A_151] {strides = array<i32>} : memref<128x128xf32, #tpu.memory_space<vmem>>, vector<1x16xf32>,
        %swap3A_153 = vector.shape_cast %swap3A_152 : vector<1x16xf32> to vector<16xf32>
        %swap3A_154 = vector.shape_cast %mul3A_149 : vector<16xf32> to vector<1x16xf32>
        tpu.vector_store %arg9[%swap3A_150, %swap3A_151], %swap3A_154 {strides = array<i32>} : memref<128x128xf32, #tpu.memory_space<vmem>>, vector<1x16xf32>,
        %get3A_155 = arith.index_cast %scan3A_68 : i32 to index
        %get3A_156 = arith.constant 112 : index
        %get3A_157 = tpu.vector_load %arg9[%get3A_155, %get3A_156] {strides = array<i32>} : memref<128x128xf32, #tpu.memory_space<vmem>>, vector<1x16xf32>,
        %get3A_158 = vector.shape_cast %get3A_157 : vector<1x16xf32> to vector<16xf32>
        %mul3A_159 = vector.broadcast %squeeze3A_143 : f32 to vector<16xf32>
        %mul3A_160 = arith.mulf %get3A_158, %mul3A_159 : vector<16xf32>
        %swap3A_161 = arith.index_cast %scan3A_68 : i32 to index
        %swap3A_162 = arith.constant 112 : index
        %swap3A_163 = tpu.vector_load %arg9[%swap3A_161, %swap3A_162] {strides = array<i32>} : memref<128x128xf32, #tpu.memory_space<vmem>>, vector<1x16xf32>,
        %swap3A_164 = vector.shape_cast %swap3A_163 : vector<1x16xf32> to vector<16xf32>
        %swap3A_165 = vector.shape_cast %mul3A_160 : vector<16xf32> to vector<1x16xf32>
        tpu.vector_store %arg9[%swap3A_161, %swap3A_162], %swap3A_165 {strides = array<i32>} : memref<128x128xf32, #tpu.memory_space<vmem>>, vector<1x16xf32>,
        %scan3A_166 = arith.constant 0 : i32
        scf.yield %scan3A_166 : i32
      }
      %scan3A_66 = arith.constant 128 : i32
      "tpu.region"() ({
        %run_scoped3A = tpu.sem_alloc : memref<!tpu.dma_semaphore, #tpu.memory_space<semaphore_mem>>
        %dma_start3A_68 = arith.constant 0 : i32
        %dma_start3A_69 = arith.constant 0 : i32
        %dma_start3A_70 = tpu.memref_slice %arg11[%dma_start3A_68, %dma_start3A_69] : memref<10112x128xf32, #tpu.memory_space<vmem_shared>> -> memref<10112x128xf32, #tpu.memory_space<vmem_shared>>
        tpu.enqueue_indirect_dma source(%arg9 : memref<128x128xf32, #tpu.memory_space<vmem>>) target(%dma_start3A_70 : memref<10112x128xf32, #tpu.memory_space<vmem_shared>>) offsets(%arg8 : memref<128xi32, #tpu.memory_space<vmem>>) semaphore(%run_scoped3A : memref<!tpu.dma_semaphore, #tpu.memory_space<semaphore_mem>>) {add = true}
        %dma_wait3A_71 = arith.constant 0 : i32
        %dma_wait3A_72 = arith.constant 0 : i32
        %dma_wait3A_73 = tpu.memref_slice %arg11[%dma_wait3A_71, %dma_wait3A_72] : memref<10112x128xf32, #tpu.memory_space<vmem_shared>> -> memref<10112x128xf32, #tpu.memory_space<vmem_shared>>
        tpu.wait_indirect_dma semaphore(%run_scoped3A : memref<!tpu.dma_semaphore, #tpu.memory_space<semaphore_mem>>) src(%arg9 : memref<128x128xf32, #tpu.memory_space<vmem>>) dst(%dma_wait3A_73 : memref<10112x128xf32, #tpu.memory_space<vmem_shared>>)
        tpu.yield
      }) : () -> ()
      %while3A_67 = arith.constant 0 : i32
      scf.yield %while3A_67 : i32
    }
    %while3A_46 = arith.constant 1 : i32
    %while3A_47 = scf.for %while3A_49 = %while3A_43 to %while3A_39 step %while3A_46 iter_args(%while3A_50 = %while3A_45) -> (i32)  : i32 {
      %mul3A_51 = arith.constant 32 : i32
      %mul3A_52 = arith.muli %while3A_49, %mul3A_51 : i32
      %add3A_53 = arith.addi %add3A, %mul3A_52 : i32
      %mul3A_54 = arith.constant 128 : i32
      %mul3A_55 = arith.muli %add3A_53, %mul3A_54 : i32
      "tpu.region"() ({
        %run_scoped3A = tpu.sem_alloc : memref<!tpu.dma_semaphore, #tpu.memory_space<semaphore_mem>>
        %dma_start3A_68 = tpu.memref_slice %arg2[%mul3A_55] : memref<320000xi32, #tpu.memory_space<hbm>> -> memref<128xi32, #tpu.memory_space<hbm>>
        %dma_start3A_69 = tpu.memref_slice %arg2[%mul3A_55] : memref<320000xi32, #tpu.memory_space<hbm>> -> memref<128xi32, #tpu.memory_space<hbm>>
        tpu.enqueue_dma source(%dma_start3A_69 : memref<128xi32, #tpu.memory_space<hbm>>) target(%arg7 : memref<128xi32, #tpu.memory_space<vmem>>) target_semaphore(%run_scoped3A : memref<!tpu.dma_semaphore, #tpu.memory_space<semaphore_mem>>)
        %dma_wait3A_70 = tpu.memref_slice %arg2[%mul3A_55] : memref<320000xi32, #tpu.memory_space<hbm>> -> memref<128xi32, #tpu.memory_space<hbm>>
        %dma_wait3A_71 = tpu.memref_slice %arg2[%mul3A_55] : memref<320000xi32, #tpu.memory_space<hbm>> -> memref<128xi32, #tpu.memory_space<hbm>>
        tpu.wait_dma2 semaphore(%run_scoped3A : memref<!tpu.dma_semaphore, #tpu.memory_space<semaphore_mem>>) src(%dma_wait3A_71 : memref<128xi32, #tpu.memory_space<hbm>>) dst(%arg7 : memref<128xi32, #tpu.memory_space<vmem>>)
        tpu.yield
      }) : () -> ()
      "tpu.region"() ({
        %run_scoped3A = tpu.sem_alloc : memref<!tpu.dma_semaphore, #tpu.memory_space<semaphore_mem>>
        %dma_start3A_68 = tpu.memref_slice %arg3[%mul3A_55] : memref<320000xi32, #tpu.memory_space<hbm>> -> memref<128xi32, #tpu.memory_space<hbm>>
        %dma_start3A_69 = tpu.memref_slice %arg3[%mul3A_55] : memref<320000xi32, #tpu.memory_space<hbm>> -> memref<128xi32, #tpu.memory_space<hbm>>
        tpu.enqueue_dma source(%dma_start3A_69 : memref<128xi32, #tpu.memory_space<hbm>>) target(%arg8 : memref<128xi32, #tpu.memory_space<vmem>>) target_semaphore(%run_scoped3A : memref<!tpu.dma_semaphore, #tpu.memory_space<semaphore_mem>>)
        %dma_wait3A_70 = tpu.memref_slice %arg3[%mul3A_55] : memref<320000xi32, #tpu.memory_space<hbm>> -> memref<128xi32, #tpu.memory_space<hbm>>
        %dma_wait3A_71 = tpu.memref_slice %arg3[%mul3A_55] : memref<320000xi32, #tpu.memory_space<hbm>> -> memref<128xi32, #tpu.memory_space<hbm>>
        tpu.wait_dma2 semaphore(%run_scoped3A : memref<!tpu.dma_semaphore, #tpu.memory_space<semaphore_mem>>) src(%dma_wait3A_71 : memref<128xi32, #tpu.memory_space<hbm>>) dst(%arg8 : memref<128xi32, #tpu.memory_space<vmem>>)
        tpu.yield
      }) : () -> ()
      %dma_start3A = arith.constant 0 : i32
      %dma_start3A_56 = arith.constant 0 : i32
      %dma_start3A_57 = tpu.memref_slice %arg5[%dma_start3A, %dma_start3A_56] : memref<10000x128xf32, #tpu.memory_space<hbm>> -> memref<10000x128xf32, #tpu.memory_space<hbm>>
      tpu.enqueue_indirect_dma source(%dma_start3A_57 : memref<10000x128xf32, #tpu.memory_space<hbm>>) target(%arg9 : memref<128x128xf32, #tpu.memory_space<vmem>>) offsets(%arg7 : memref<128xi32, #tpu.memory_space<vmem>>) semaphore(%arg12 : memref<!tpu.dma_semaphore, #tpu.memory_space<semaphore_mem>>)
      %dma_wait3A = arith.constant 0 : i32
      %dma_wait3A_58 = arith.constant 0 : i32
      %dma_wait3A_59 = tpu.memref_slice %arg5[%dma_wait3A, %dma_wait3A_58] : memref<10000x128xf32, #tpu.memory_space<hbm>> -> memref<10000x128xf32, #tpu.memory_space<hbm>>
      tpu.wait_indirect_dma semaphore(%arg12 : memref<!tpu.dma_semaphore, #tpu.memory_space<semaphore_mem>>) src(%dma_wait3A_59 : memref<10000x128xf32, #tpu.memory_space<hbm>>) dst(%arg9 : memref<128x128xf32, #tpu.memory_space<vmem>>)
      "tpu.region"() ({
        %run_scoped3A = tpu.sem_alloc : memref<!tpu.dma_semaphore, #tpu.memory_space<semaphore_mem>>
        %dma_start3A_68 = arith.constant 0 : i32
        %dma_start3A_69 = tpu.memref_slice %arg4[%mul3A_55, %dma_start3A_68] : memref<320000x16xf32, #tpu.memory_space<hbm>> -> memref<128x16xf32, #tpu.memory_space<hbm>>
        %dma_start3A_70 = arith.constant 0 : i32
        %dma_start3A_71 = tpu.memref_slice %arg4[%mul3A_55, %dma_start3A_70] : memref<320000x16xf32, #tpu.memory_space<hbm>> -> memref<128x16xf32, #tpu.memory_space<hbm>>
        tpu.enqueue_dma source(%dma_start3A_71 : memref<128x16xf32, #tpu.memory_space<hbm>>) target(%arg10 : memref<128x16xf32, #tpu.memory_space<vmem>>) target_semaphore(%run_scoped3A : memref<!tpu.dma_semaphore, #tpu.memory_space<semaphore_mem>>)
        %dma_wait3A_72 = arith.constant 0 : i32
        %dma_wait3A_73 = tpu.memref_slice %arg4[%mul3A_55, %dma_wait3A_72] : memref<320000x16xf32, #tpu.memory_space<hbm>> -> memref<128x16xf32, #tpu.memory_space<hbm>>
        %dma_wait3A_74 = arith.constant 0 : i32
        %dma_wait3A_75 = tpu.memref_slice %arg4[%mul3A_55, %dma_wait3A_74] : memref<320000x16xf32, #tpu.memory_space<hbm>> -> memref<128x16xf32, #tpu.memory_space<hbm>>
        tpu.wait_dma2 semaphore(%run_scoped3A : memref<!tpu.dma_semaphore, #tpu.memory_space<semaphore_mem>>) src(%dma_wait3A_75 : memref<128x16xf32, #tpu.memory_space<hbm>>) dst(%arg10 : memref<128x16xf32, #tpu.memory_space<vmem>>)
        tpu.yield
      }) : () -> ()
      %scan3A_60 = arith.constant 0 : i32
      %scan3A_61 = arith.constant 0 : i32
      %scan3A_62 = arith.constant 128 : i32
      %scan3A_63 = arith.addi %scan3A_61, %scan3A_62 : i32
      %scan3A_64 = arith.constant 1 : i32
      %scan3A_65 = scf.for %scan3A_68 = %scan3A_61 to %scan3A_63 step %scan3A_64 iter_args(%scan3A_69 = %scan3A_60) -> (i32)  : i32 {
        %get3A = arith.index_cast %scan3A_68 : i32 to index
        %get3A_70 = arith.constant 0 : index
        %get3A_71 = tpu.vector_load %arg10[%get3A, %get3A_70] {strides = array<i32>} : memref<128x16xf32, #tpu.memory_space<vmem>>, vector<1x16xf32>,
        %get3A_72 = vector.shape_cast %get3A_71 : vector<1x16xf32> to vector<16xf32>
        %slice3A = vector.extract_strided_slice %get3A_72 {offsets = [0], sizes = [1], strides = [1]} : vector<16xf32> to vector<1xf32>
        %squeeze3A = vector.extract %slice3A[0] : f32 from vector<1xf32>
        %get3A_73 = arith.index_cast %scan3A_68 : i32 to index
        %get3A_74 = arith.constant 0 : index
        %get3A_75 = tpu.vector_load %arg9[%get3A_73, %get3A_74] {strides = array<i32>} : memref<128x128xf32, #tpu.memory_space<vmem>>, vector<1x16xf32>,
        %get3A_76 = vector.shape_cast %get3A_75 : vector<1x16xf32> to vector<16xf32>
        %mul3A_77 = vector.broadcast %squeeze3A : f32 to vector<16xf32>
        %mul3A_78 = arith.mulf %get3A_76, %mul3A_77 : vector<16xf32>
        %swap3A = arith.index_cast %scan3A_68 : i32 to index
        %swap3A_79 = arith.constant 0 : index
        %swap3A_80 = tpu.vector_load %arg9[%swap3A, %swap3A_79] {strides = array<i32>} : memref<128x128xf32, #tpu.memory_space<vmem>>, vector<1x16xf32>,
        %swap3A_81 = vector.shape_cast %swap3A_80 : vector<1x16xf32> to vector<16xf32>
        %swap3A_82 = vector.shape_cast %mul3A_78 : vector<16xf32> to vector<1x16xf32>
        tpu.vector_store %arg9[%swap3A, %swap3A_79], %swap3A_82 {strides = array<i32>} : memref<128x128xf32, #tpu.memory_space<vmem>>, vector<1x16xf32>,
        %get3A_83 = arith.index_cast %scan3A_68 : i32 to index
        %get3A_84 = arith.constant 16 : index
        %get3A_85 = tpu.vector_load %arg9[%get3A_83, %get3A_84] {strides = array<i32>} : memref<128x128xf32, #tpu.memory_space<vmem>>, vector<1x16xf32>,
        %get3A_86 = vector.shape_cast %get3A_85 : vector<1x16xf32> to vector<16xf32>
        %mul3A_87 = vector.broadcast %squeeze3A : f32 to vector<16xf32>
        %mul3A_88 = arith.mulf %get3A_86, %mul3A_87 : vector<16xf32>
        %swap3A_89 = arith.index_cast %scan3A_68 : i32 to index
        %swap3A_90 = arith.constant 16 : index
        %swap3A_91 = tpu.vector_load %arg9[%swap3A_89, %swap3A_90] {strides = array<i32>} : memref<128x128xf32, #tpu.memory_space<vmem>>, vector<1x16xf32>,
        %swap3A_92 = vector.shape_cast %swap3A_91 : vector<1x16xf32> to vector<16xf32>
        %swap3A_93 = vector.shape_cast %mul3A_88 : vector<16xf32> to vector<1x16xf32>
        tpu.vector_store %arg9[%swap3A_89, %swap3A_90], %swap3A_93 {strides = array<i32>} : memref<128x128xf32, #tpu.memory_space<vmem>>, vector<1x16xf32>,
        %slice3A_94 = vector.extract_strided_slice %get3A_72 {offsets = [1], sizes = [1], strides = [1]} : vector<16xf32> to vector<1xf32>
        %squeeze3A_95 = vector.extract %slice3A_94[0] : f32 from vector<1xf32>
        %get3A_96 = arith.index_cast %scan3A_68 : i32 to index
        %get3A_97 = arith.constant 32 : index
        %get3A_98 = tpu.vector_load %arg9[%get3A_96, %get3A_97] {strides = array<i32>} : memref<128x128xf32, #tpu.memory_space<vmem>>, vector<1x16xf32>,
        %get3A_99 = vector.shape_cast %get3A_98 : vector<1x16xf32> to vector<16xf32>
        %mul3A_100 = vector.broadcast %squeeze3A_95 : f32 to vector<16xf32>
        %mul3A_101 = arith.mulf %get3A_99, %mul3A_100 : vector<16xf32>
        %swap3A_102 = arith.index_cast %scan3A_68 : i32 to index
        %swap3A_103 = arith.constant 32 : index
        %swap3A_104 = tpu.vector_load %arg9[%swap3A_102, %swap3A_103] {strides = array<i32>} : memref<128x128xf32, #tpu.memory_space<vmem>>, vector<1x16xf32>,
        %swap3A_105 = vector.shape_cast %swap3A_104 : vector<1x16xf32> to vector<16xf32>
        %swap3A_106 = vector.shape_cast %mul3A_101 : vector<16xf32> to vector<1x16xf32>
        tpu.vector_store %arg9[%swap3A_102, %swap3A_103], %swap3A_106 {strides = array<i32>} : memref<128x128xf32, #tpu.memory_space<vmem>>, vector<1x16xf32>,
        %get3A_107 = arith.index_cast %scan3A_68 : i32 to index
        %get3A_108 = arith.constant 48 : index
        %get3A_109 = tpu.vector_load %arg9[%get3A_107, %get3A_108] {strides = array<i32>} : memref<128x128xf32, #tpu.memory_space<vmem>>, vector<1x16xf32>,
        %get3A_110 = vector.shape_cast %get3A_109 : vector<1x16xf32> to vector<16xf32>
        %mul3A_111 = vector.broadcast %squeeze3A_95 : f32 to vector<16xf32>
        %mul3A_112 = arith.mulf %get3A_110, %mul3A_111 : vector<16xf32>
        %swap3A_113 = arith.index_cast %scan3A_68 : i32 to index
        %swap3A_114 = arith.constant 48 : index
        %swap3A_115 = tpu.vector_load %arg9[%swap3A_113, %swap3A_114] {strides = array<i32>} : memref<128x128xf32, #tpu.memory_space<vmem>>, vector<1x16xf32>,
        %swap3A_116 = vector.shape_cast %swap3A_115 : vector<1x16xf32> to vector<16xf32>
        %swap3A_117 = vector.shape_cast %mul3A_112 : vector<16xf32> to vector<1x16xf32>
        tpu.vector_store %arg9[%swap3A_113, %swap3A_114], %swap3A_117 {strides = array<i32>} : memref<128x128xf32, #tpu.memory_space<vmem>>, vector<1x16xf32>,
        %slice3A_118 = vector.extract_strided_slice %get3A_72 {offsets = [2], sizes = [1], strides = [1]} : vector<16xf32> to vector<1xf32>
        %squeeze3A_119 = vector.extract %slice3A_118[0] : f32 from vector<1xf32>
        %get3A_120 = arith.index_cast %scan3A_68 : i32 to index
        %get3A_121 = arith.constant 64 : index
        %get3A_122 = tpu.vector_load %arg9[%get3A_120, %get3A_121] {strides = array<i32>} : memref<128x128xf32, #tpu.memory_space<vmem>>, vector<1x16xf32>,
        %get3A_123 = vector.shape_cast %get3A_122 : vector<1x16xf32> to vector<16xf32>
        %mul3A_124 = vector.broadcast %squeeze3A_119 : f32 to vector<16xf32>
        %mul3A_125 = arith.mulf %get3A_123, %mul3A_124 : vector<16xf32>
        %swap3A_126 = arith.index_cast %scan3A_68 : i32 to index
        %swap3A_127 = arith.constant 64 : index
        %swap3A_128 = tpu.vector_load %arg9[%swap3A_126, %swap3A_127] {strides = array<i32>} : memref<128x128xf32, #tpu.memory_space<vmem>>, vector<1x16xf32>,
        %swap3A_129 = vector.shape_cast %swap3A_128 : vector<1x16xf32> to vector<16xf32>
        %swap3A_130 = vector.shape_cast %mul3A_125 : vector<16xf32> to vector<1x16xf32>
        tpu.vector_store %arg9[%swap3A_126, %swap3A_127], %swap3A_130 {strides = array<i32>} : memref<128x128xf32, #tpu.memory_space<vmem>>, vector<1x16xf32>,
        %get3A_131 = arith.index_cast %scan3A_68 : i32 to index
        %get3A_132 = arith.constant 80 : index
        %get3A_133 = tpu.vector_load %arg9[%get3A_131, %get3A_132] {strides = array<i32>} : memref<128x128xf32, #tpu.memory_space<vmem>>, vector<1x16xf32>,
        %get3A_134 = vector.shape_cast %get3A_133 : vector<1x16xf32> to vector<16xf32>
        %mul3A_135 = vector.broadcast %squeeze3A_119 : f32 to vector<16xf32>
        %mul3A_136 = arith.mulf %get3A_134, %mul3A_135 : vector<16xf32>
        %swap3A_137 = arith.index_cast %scan3A_68 : i32 to index
        %swap3A_138 = arith.constant 80 : index
        %swap3A_139 = tpu.vector_load %arg9[%swap3A_137, %swap3A_138] {strides = array<i32>} : memref<128x128xf32, #tpu.memory_space<vmem>>, vector<1x16xf32>,
        %swap3A_140 = vector.shape_cast %swap3A_139 : vector<1x16xf32> to vector<16xf32>
        %swap3A_141 = vector.shape_cast %mul3A_136 : vector<16xf32> to vector<1x16xf32>
        tpu.vector_store %arg9[%swap3A_137, %swap3A_138], %swap3A_141 {strides = array<i32>} : memref<128x128xf32, #tpu.memory_space<vmem>>, vector<1x16xf32>,
        %slice3A_142 = vector.extract_strided_slice %get3A_72 {offsets = [3], sizes = [1], strides = [1]} : vector<16xf32> to vector<1xf32>
        %squeeze3A_143 = vector.extract %slice3A_142[0] : f32 from vector<1xf32>
        %get3A_144 = arith.index_cast %scan3A_68 : i32 to index
        %get3A_145 = arith.constant 96 : index
        %get3A_146 = tpu.vector_load %arg9[%get3A_144, %get3A_145] {strides = array<i32>} : memref<128x128xf32, #tpu.memory_space<vmem>>, vector<1x16xf32>,
        %get3A_147 = vector.shape_cast %get3A_146 : vector<1x16xf32> to vector<16xf32>
        %mul3A_148 = vector.broadcast %squeeze3A_143 : f32 to vector<16xf32>
        %mul3A_149 = arith.mulf %get3A_147, %mul3A_148 : vector<16xf32>
        %swap3A_150 = arith.index_cast %scan3A_68 : i32 to index
        %swap3A_151 = arith.constant 96 : index
        %swap3A_152 = tpu.vector_load %arg9[%swap3A_150, %swap3A_151] {strides = array<i32>} : memref<128x128xf32, #tpu.memory_space<vmem>>, vector<1x16xf32>,
        %swap3A_153 = vector.shape_cast %swap3A_152 : vector<1x16xf32> to vector<16xf32>
        %swap3A_154 = vector.shape_cast %mul3A_149 : vector<16xf32> to vector<1x16xf32>
        tpu.vector_store %arg9[%swap3A_150, %swap3A_151], %swap3A_154 {strides = array<i32>} : memref<128x128xf32, #tpu.memory_space<vmem>>, vector<1x16xf32>,
        %get3A_155 = arith.index_cast %scan3A_68 : i32 to index
        %get3A_156 = arith.constant 112 : index
        %get3A_157 = tpu.vector_load %arg9[%get3A_155, %get3A_156] {strides = array<i32>} : memref<128x128xf32, #tpu.memory_space<vmem>>, vector<1x16xf32>,
        %get3A_158 = vector.shape_cast %get3A_157 : vector<1x16xf32> to vector<16xf32>
        %mul3A_159 = vector.broadcast %squeeze3A_143 : f32 to vector<16xf32>
        %mul3A_160 = arith.mulf %get3A_158, %mul3A_159 : vector<16xf32>
        %swap3A_161 = arith.index_cast %scan3A_68 : i32 to index
        %swap3A_162 = arith.constant 112 : index
        %swap3A_163 = tpu.vector_load %arg9[%swap3A_161, %swap3A_162] {strides = array<i32>} : memref<128x128xf32, #tpu.memory_space<vmem>>, vector<1x16xf32>,
        %swap3A_164 = vector.shape_cast %swap3A_163 : vector<1x16xf32> to vector<16xf32>
        %swap3A_165 = vector.shape_cast %mul3A_160 : vector<16xf32> to vector<1x16xf32>
        tpu.vector_store %arg9[%swap3A_161, %swap3A_162], %swap3A_165 {strides = array<i32>} : memref<128x128xf32, #tpu.memory_space<vmem>>, vector<1x16xf32>,
        %scan3A_166 = arith.constant 0 : i32
        scf.yield %scan3A_166 : i32
      }
      %scan3A_66 = arith.constant 128 : i32
      "tpu.region"() ({
        %run_scoped3A = tpu.sem_alloc : memref<!tpu.dma_semaphore, #tpu.memory_space<semaphore_mem>>
        %dma_start3A_68 = arith.constant 0 : i32
        %dma_start3A_69 = arith.constant 0 : i32
        %dma_start3A_70 = tpu.memref_slice %arg11[%dma_start3A_68, %dma_start3A_69] : memref<10112x128xf32, #tpu.memory_space<vmem_shared>> -> memref<10112x128xf32, #tpu.memory_space<vmem_shared>>
        tpu.enqueue_indirect_dma source(%arg9 : memref<128x128xf32, #tpu.memory_space<vmem>>) target(%dma_start3A_70 : memref<10112x128xf32, #tpu.memory_space<vmem_shared>>) offsets(%arg8 : memref<128xi32, #tpu.memory_space<vmem>>) semaphore(%run_scoped3A : memref<!tpu.dma_semaphore, #tpu.memory_space<semaphore_mem>>) {add = true}
        %dma_wait3A_71 = arith.constant 0 : i32
        %dma_wait3A_72 = arith.constant 0 : i32
        %dma_wait3A_73 = tpu.memref_slice %arg11[%dma_wait3A_71, %dma_wait3A_72] : memref<10112x128xf32, #tpu.memory_space<vmem_shared>> -> memref<10112x128xf32, #tpu.memory_space<vmem_shared>>
        tpu.wait_indirect_dma semaphore(%run_scoped3A : memref<!tpu.dma_semaphore, #tpu.memory_space<semaphore_mem>>) src(%arg9 : memref<128x128xf32, #tpu.memory_space<vmem>>) dst(%dma_wait3A_73 : memref<10112x128xf32, #tpu.memory_space<vmem_shared>>)
        tpu.yield
      }) : () -> ()
      %while3A_67 = arith.constant 0 : i32
      scf.yield %while3A_67 : i32
    }
    %barrier3A_48 = arith.constant 0 : index
    tpu.barrier barrier_id(%barrier3A_48)
    "tpu.region"() ({
      %run_scoped3A = tpu.sem_alloc : memref<!tpu.dma_semaphore, #tpu.memory_space<semaphore_mem>>
      %dma_start3A = arith.constant 0 : i32
      %dma_start3A_49 = tpu.memref_slice %arg6[%arg0, %mul3A_2, %dma_start3A] : memref<2x10112x128xf32, #tpu.memory_space<hbm>> -> memref<1x632x128xf32, #tpu.memory_space<hbm>>
      %dma_start3A_50 = tpu.memref_squeeze %dma_start3A_49 : memref<1x632x128xf32, #tpu.memory_space<hbm>> -> memref<632x128xf32, #tpu.memory_space<hbm>>
      %dma_start3A_51 = arith.constant 0 : i32
      %dma_start3A_52 = tpu.memref_slice %arg11[%mul3A_2, %dma_start3A_51] : memref<10112x128xf32, #tpu.memory_space<vmem_shared>> -> memref<632x128xf32, #tpu.memory_space<vmem_shared>>
      tpu.enqueue_dma source(%dma_start3A_52 : memref<632x128xf32, #tpu.memory_space<vmem_shared>>) target(%dma_start3A_50 : memref<632x128xf32, #tpu.memory_space<hbm>>) target_semaphore(%run_scoped3A : memref<!tpu.dma_semaphore, #tpu.memory_space<semaphore_mem>>)
      %dma_wait3A = arith.constant 0 : i32
      %dma_wait3A_53 = tpu.memref_slice %arg6[%arg0, %mul3A_2, %dma_wait3A] : memref<2x10112x128xf32, #tpu.memory_space<hbm>> -> memref<1x632x128xf32, #tpu.memory_space<hbm>>
      %dma_wait3A_54 = tpu.memref_squeeze %dma_wait3A_53 : memref<1x632x128xf32, #tpu.memory_space<hbm>> -> memref<632x128xf32, #tpu.memory_space<hbm>>
      %dma_wait3A_55 = arith.constant 0 : i32
      %dma_wait3A_56 = tpu.memref_slice %arg11[%mul3A_2, %dma_wait3A_55] : memref<10112x128xf32, #tpu.memory_space<vmem_shared>> -> memref<632x128xf32, #tpu.memory_space<vmem_shared>>
      tpu.wait_dma2 semaphore(%run_scoped3A : memref<!tpu.dma_semaphore, #tpu.memory_space<semaphore_mem>>) src(%dma_wait3A_56 : memref<632x128xf32, #tpu.memory_space<vmem_shared>>) dst(%dma_wait3A_54 : memref<632x128xf32, #tpu.memory_space<hbm>>)
      tpu.yield
    }) : () -> ()
    return
  }
}

module attributes {stable_mosaic.version = 14 : i64} {
  func.func @_prep_body(%arg0: i32, %arg1: memref<2000x128xf32, #tpu.memory_space<vmem>>, %arg2: memref<128x128xf32, #tpu.memory_space<vmem>>, %arg3: memref<1x128xf32, #tpu.memory_space<vmem>>, %arg4: memref<128x128xf32, #tpu.memory_space<vmem>>, %arg5: memref<1x128xf32, #tpu.memory_space<vmem>>, %arg6: memref<128x16xf32, #tpu.memory_space<vmem>>, %arg7: memref<1x16xf32, #tpu.memory_space<vmem>>, %arg8: memref<128x16xf32, #tpu.memory_space<vmem>>, %arg9: memref<1x16xf32, #tpu.memory_space<vmem>>, %arg10: memref<2000x128xf32, #tpu.memory_space<vmem>>, %arg11: memref<2000x16xf32, #tpu.memory_space<vmem>>, %arg12: memref<2000x16xf32, #tpu.memory_space<vmem>>) attributes {dimension_semantics = [#tpu.dimension_semantics<arbitrary>], iteration_bounds = array<i64: 5>, scalar_prefetch = 0 : i64, scratch_operands = 0 : i64, tpu.core_type = #tpu.core_type<tc>, window_params = [{transform_indices = @transform_0, window_bounds = array<i64: 2000, 128>}, {pipeline_mode = #tpu.pipeline_mode<synchronous>, transform_indices = @transform_1, window_bounds = array<i64: 128, 128>}, {pipeline_mode = #tpu.pipeline_mode<synchronous>, transform_indices = @transform_2, window_bounds = array<i64: 1, 128>}, {pipeline_mode = #tpu.pipeline_mode<synchronous>, transform_indices = @transform_3, window_bounds = array<i64: 128, 128>}, {pipeline_mode = #tpu.pipeline_mode<synchronous>, transform_indices = @transform_4, window_bounds = array<i64: 1, 128>}, {pipeline_mode = #tpu.pipeline_mode<synchronous>, transform_indices = @transform_5, window_bounds = array<i64: 128, 16>}, {pipeline_mode = #tpu.pipeline_mode<synchronous>, transform_indices = @transform_6, window_bounds = array<i64: 1, 16>}, {pipeline_mode = #tpu.pipeline_mode<synchronous>, transform_indices = @transform_7, window_bounds = array<i64: 128, 16>}, {pipeline_mode = #tpu.pipeline_mode<synchronous>, transform_indices = @transform_8, window_bounds = array<i64: 1, 16>}, {transform_indices = @transform_9, window_bounds = array<i64: 2000, 128>}, {transform_indices = @transform_10, window_bounds = array<i64: 2000, 16>}, {transform_indices = @transform_11, window_bounds = array<i64: 2000, 16>}]} {
    %get3A = arith.constant 0 : index
    %get3A_0 = arith.constant 0 : index
    %get3A_1 = vector.load %arg1[%get3A, %get3A_0] : memref<2000x128xf32, #tpu.memory_space<vmem>>, vector<2000x128xf32>
    %get3A_2 = arith.constant 0 : index
    %get3A_3 = arith.constant 0 : index
    %get3A_4 = vector.load %arg2[%get3A_2, %get3A_3] : memref<128x128xf32, #tpu.memory_space<vmem>>, vector<128x128xf32>
    %dot_general3A = arith.constant dense<0.000000e+00> : vector<2000x128xf32>
    %dot_general3A_5 = tpu.matmul %get3A_1, %get3A_4, %dot_general3A {dimension_numbers = #tpu.dot_dimension_numbers<[1], [0], [0], [1], [0, 0, 1, 1], [], []>, transpose_lhs_hint = false} : vector<2000x128xf32>, vector<128x128xf32>, vector<2000x128xf32> -> vector<2000x128xf32>
    %get3A_6 = arith.constant 0 : index
    %get3A_7 = arith.constant 0 : index
    %get3A_8 = vector.load %arg3[%get3A_6, %get3A_7] : memref<1x128xf32, #tpu.memory_space<vmem>>, vector<1x128xf32>
    %add3A = vector.broadcast %get3A_8 : vector<1x128xf32> to vector<2000x128xf32>
    %add3A_9 = arith.addf %dot_general3A_5, %add3A : vector<2000x128xf32>
    %get3A_10 = arith.constant 0 : index
    %get3A_11 = arith.constant 0 : index
    %get3A_12 = vector.load %arg4[%get3A_10, %get3A_11] : memref<128x128xf32, #tpu.memory_space<vmem>>, vector<128x128xf32>
    %dot_general3A_13 = arith.constant dense<0.000000e+00> : vector<2000x128xf32>
    %dot_general3A_14 = tpu.matmul %add3A_9, %get3A_12, %dot_general3A_13 {dimension_numbers = #tpu.dot_dimension_numbers<[1], [0], [0], [1], [0, 0, 1, 1], [], []>, transpose_lhs_hint = false} : vector<2000x128xf32>, vector<128x128xf32>, vector<2000x128xf32> -> vector<2000x128xf32>
    %get3A_15 = arith.constant 0 : index
    %get3A_16 = arith.constant 0 : index
    %get3A_17 = vector.load %arg5[%get3A_15, %get3A_16] : memref<1x128xf32, #tpu.memory_space<vmem>>, vector<1x128xf32>
    %add3A_18 = vector.broadcast %get3A_17 : vector<1x128xf32> to vector<2000x128xf32>
    %add3A_19 = arith.addf %dot_general3A_14, %add3A_18 : vector<2000x128xf32>
    %swap3A = arith.constant 0 : index
    %swap3A_20 = arith.constant 0 : index
    %swap3A_21 = vector.load %arg10[%swap3A, %swap3A_20] : memref<2000x128xf32, #tpu.memory_space<vmem>>, vector<2000x128xf32>
    tpu.vector_store %arg10[%swap3A, %swap3A_20], %add3A_19 {strides = array<i32>} : memref<2000x128xf32, #tpu.memory_space<vmem>>, vector<2000x128xf32>,
    %get3A_22 = arith.constant 0 : index
    %get3A_23 = arith.constant 0 : index
    %get3A_24 = vector.load %arg6[%get3A_22, %get3A_23] : memref<128x16xf32, #tpu.memory_space<vmem>>, vector<128x16xf32>
    %dot_general3A_25 = arith.constant dense<0.000000e+00> : vector<2000x16xf32>
    %dot_general3A_26 = tpu.matmul %add3A_9, %get3A_24, %dot_general3A_25 {dimension_numbers = #tpu.dot_dimension_numbers<[1], [0], [0], [1], [0, 0, 1, 1], [], []>, transpose_lhs_hint = false} : vector<2000x128xf32>, vector<128x16xf32>, vector<2000x16xf32> -> vector<2000x16xf32>
    %get3A_27 = arith.constant 0 : index
    %get3A_28 = arith.constant 0 : index
    %get3A_29 = vector.load %arg7[%get3A_27, %get3A_28] : memref<1x16xf32, #tpu.memory_space<vmem>>, vector<1x16xf32>
    %add3A_30 = vector.broadcast %get3A_29 : vector<1x16xf32> to vector<2000x16xf32>
    %add3A_31 = arith.addf %dot_general3A_26, %add3A_30 : vector<2000x16xf32>
    %swap3A_32 = arith.constant 0 : index
    %swap3A_33 = arith.constant 0 : index
    %swap3A_34 = vector.load %arg11[%swap3A_32, %swap3A_33] : memref<2000x16xf32, #tpu.memory_space<vmem>>, vector<2000x16xf32>
    tpu.vector_store %arg11[%swap3A_32, %swap3A_33], %add3A_31 {strides = array<i32>} : memref<2000x16xf32, #tpu.memory_space<vmem>>, vector<2000x16xf32>,
    %get3A_35 = arith.constant 0 : index
    %get3A_36 = arith.constant 0 : index
    %get3A_37 = vector.load %arg8[%get3A_35, %get3A_36] : memref<128x16xf32, #tpu.memory_space<vmem>>, vector<128x16xf32>
    %dot_general3A_38 = arith.constant dense<0.000000e+00> : vector<2000x16xf32>
    %dot_general3A_39 = tpu.matmul %add3A_9, %get3A_37, %dot_general3A_38 {dimension_numbers = #tpu.dot_dimension_numbers<[1], [0], [0], [1], [0, 0, 1, 1], [], []>, transpose_lhs_hint = false} : vector<2000x128xf32>, vector<128x16xf32>, vector<2000x16xf32> -> vector<2000x16xf32>
    %get3A_40 = arith.constant 0 : index
    %get3A_41 = arith.constant 0 : index
    %get3A_42 = vector.load %arg9[%get3A_40, %get3A_41] : memref<1x16xf32, #tpu.memory_space<vmem>>, vector<1x16xf32>
    %add3A_43 = vector.broadcast %get3A_42 : vector<1x16xf32> to vector<2000x16xf32>
    %add3A_44 = arith.addf %dot_general3A_39, %add3A_43 : vector<2000x16xf32>
    %swap3A_45 = arith.constant 0 : index
    %swap3A_46 = arith.constant 0 : index
    %swap3A_47 = vector.load %arg12[%swap3A_45, %swap3A_46] : memref<2000x16xf32, #tpu.memory_space<vmem>>, vector<2000x16xf32>
    tpu.vector_store %arg12[%swap3A_45, %swap3A_46], %add3A_44 {strides = array<i32>} : memref<2000x16xf32, #tpu.memory_space<vmem>>, vector<2000x16xf32>,
    return
  }
  func.func @transform_0(%arg0: i32) -> (i32, i32) {
    %c0_i32 = arith.constant 0 : i32
    %c0_i32_0 = arith.constant 0 : i32
    return %arg0, %c0_i32 : i32, i32
  }
  func.func @transform_1(%arg0: i32) -> (i32, i32) {
    %c0_i32 = arith.constant 0 : i32
    %c0_i32_0 = arith.constant 0 : i32
    %c0_i32_1 = arith.constant 0 : i32
    return %c0_i32, %c0_i32_0 : i32, i32
  }
  func.func @transform_2(%arg0: i32) -> (i32, i32) {
    %c0_i32 = arith.constant 0 : i32
    %c0_i32_0 = arith.constant 0 : i32
    %c0_i32_1 = arith.constant 0 : i32
    return %c0_i32, %c0_i32_0 : i32, i32
  }
  func.func @transform_3(%arg0: i32) -> (i32, i32) {
    %c0_i32 = arith.constant 0 : i32
    %c0_i32_0 = arith.constant 0 : i32
    %c0_i32_1 = arith.constant 0 : i32
    return %c0_i32, %c0_i32_0 : i32, i32
  }
  func.func @transform_4(%arg0: i32) -> (i32, i32) {
    %c0_i32 = arith.constant 0 : i32
    %c0_i32_0 = arith.constant 0 : i32
    %c0_i32_1 = arith.constant 0 : i32
    return %c0_i32, %c0_i32_0 : i32, i32
  }
  func.func @transform_5(%arg0: i32) -> (i32, i32) {
    %c0_i32 = arith.constant 0 : i32
    %c0_i32_0 = arith.constant 0 : i32
    %c0_i32_1 = arith.constant 0 : i32
    return %c0_i32, %c0_i32_0 : i32, i32
  }
  func.func @transform_6(%arg0: i32) -> (i32, i32) {
    %c0_i32 = arith.constant 0 : i32
    %c0_i32_0 = arith.constant 0 : i32
    %c0_i32_1 = arith.constant 0 : i32
    return %c0_i32, %c0_i32_0 : i32, i32
  }
  func.func @transform_7(%arg0: i32) -> (i32, i32) {
    %c0_i32 = arith.constant 0 : i32
    %c0_i32_0 = arith.constant 0 : i32
    %c0_i32_1 = arith.constant 0 : i32
    return %c0_i32, %c0_i32_0 : i32, i32
  }
  func.func @transform_8(%arg0: i32) -> (i32, i32) {
    %c0_i32 = arith.constant 0 : i32
    %c0_i32_0 = arith.constant 0 : i32
    %c0_i32_1 = arith.constant 0 : i32
    return %c0_i32, %c0_i32_0 : i32, i32
  }
  func.func @transform_9(%arg0: i32) -> (i32, i32) {
    %c0_i32 = arith.constant 0 : i32
    %c0_i32_0 = arith.constant 0 : i32
    return %arg0, %c0_i32 : i32, i32
  }
  func.func @transform_10(%arg0: i32) -> (i32, i32) {
    %c0_i32 = arith.constant 0 : i32
    %c0_i32_0 = arith.constant 0 : i32
    return %arg0, %c0_i32 : i32, i32
  }
  func.func @transform_11(%arg0: i32) -> (i32, i32) {
    %c0_i32 = arith.constant 0 : i32
    %c0_i32_0 = arith.constant 0 : i32
    return %arg0, %c0_i32 : i32, i32
  }
}

module attributes {stable_mosaic.version = 14 : i64} {
  func.func @_mid1_body(%arg0: i32, %arg1: memref<2x2528x16xf32, #tpu.memory_space<vmem>>, %arg2: memref<2528x16xf32, #tpu.memory_space<vmem>>) attributes {dimension_semantics = [#tpu.dimension_semantics<arbitrary>], iteration_bounds = array<i64: 4>, scalar_prefetch = 0 : i64, scratch_operands = 0 : i64, tpu.core_type = #tpu.core_type<tc>, window_params = [{transform_indices = @transform_0, window_bounds = array<i64: 2, 2528, 16>}, {transform_indices = @transform_1, window_bounds = array<i64: 2528, 16>}]} {
    %get3A = arith.constant 0 : index
    %get3A_0 = arith.constant 0 : index
    %get3A_1 = arith.constant 0 : index
    %get3A_2 = vector.load %arg1[%get3A, %get3A_0, %get3A_1] : memref<2x2528x16xf32, #tpu.memory_space<vmem>>, vector<1x2528x16xf32>
    %get3A_3 = vector.shape_cast %get3A_2 : vector<1x2528x16xf32> to vector<2528x16xf32>
    %get3A_4 = arith.constant 1 : index
    %get3A_5 = arith.constant 0 : index
    %get3A_6 = arith.constant 0 : index
    %get3A_7 = vector.load %arg1[%get3A_4, %get3A_5, %get3A_6] : memref<2x2528x16xf32, #tpu.memory_space<vmem>>, vector<1x2528x16xf32>
    %get3A_8 = vector.shape_cast %get3A_7 : vector<1x2528x16xf32> to vector<2528x16xf32>
    %add3A = arith.addf %get3A_3, %get3A_8 : vector<2528x16xf32>
    %slice3A = vector.extract_strided_slice %add3A {offsets = [0, 4], sizes = [2528, 1], strides = [1, 1]} : vector<2528x16xf32> to vector<2528x1xf32>
    %max3A = arith.constant 1.000000e+00 : f32
    %max3A_9 = vector.broadcast %max3A : f32 to vector<2528x1xf32>
    %max3A_10 = arith.maximumf %slice3A, %max3A_9 : vector<2528x1xf32>
    %div3A = arith.constant 1.000000e+00 : f32
    %div3A_11 = vector.broadcast %div3A : f32 to vector<2528x1xf32>
    %div3A_12 = arith.divf %div3A_11, %max3A_10 : vector<2528x1xf32>
    %gt3A = arith.constant 0.000000e+00 : f32
    %gt3A_13 = vector.broadcast %gt3A : f32 to vector<2528x1xf32>
    %gt3A_14 = arith.cmpf ogt, %slice3A, %gt3A_13 : vector<2528x1xf32>
    %jit3A = arith.constant 0.000000e+00 : f32
    %broadcast_in_dim3A = vector.broadcast %jit3A : f32 to vector<2528x1xf32>
    %select_n3A = arith.select %gt3A_14, %div3A_12, %broadcast_in_dim3A : vector<2528x1xi1>, vector<2528x1xf32>
    %iota3A = tpu.iota {dimensions = array<i32: 1>} : vector<2528x16xi32>
    %eq3A = arith.constant 4 : i32
    %eq3A_15 = vector.broadcast %eq3A : i32 to vector<2528x16xi32>
    %eq3A_16 = arith.cmpi eq, %iota3A, %eq3A_15 : vector<2528x16xi32>
    %mul3A = vector.broadcast %div3A_12 : vector<2528x1xf32> to vector<2528x16xf32>
    %mul3A_17 = arith.mulf %add3A, %mul3A : vector<2528x16xf32>
    %broadcast_in_dim3A_18 = vector.shape_cast %select_n3A : vector<2528x1xf32> to vector<2528x1xf32>
    %broadcast_in_dim3A_19 = vector.broadcast %broadcast_in_dim3A_18 : vector<2528x1xf32> to vector<2528x16xf32>
    %select_n3A_20 = arith.select %eq3A_16, %broadcast_in_dim3A_19, %mul3A_17 : vector<2528x16xi1>, vector<2528x16xf32>
    %swap3A = arith.constant 0 : index
    %swap3A_21 = arith.constant 0 : index
    %swap3A_22 = vector.load %arg2[%swap3A, %swap3A_21] : memref<2528x16xf32, #tpu.memory_space<vmem>>, vector<2528x16xf32>
    tpu.vector_store %arg2[%swap3A, %swap3A_21], %select_n3A_20 {strides = array<i32>} : memref<2528x16xf32, #tpu.memory_space<vmem>>, vector<2528x16xf32>,
    return
  }
  func.func @transform_0(%arg0: i32) -> (i32, i32, i32) {
    %c0_i32 = arith.constant 0 : i32
    %c0_i32_0 = arith.constant 0 : i32
    %c0_i32_1 = arith.constant 0 : i32
    return %c0_i32, %arg0, %c0_i32_0 : i32, i32, i32
  }
  func.func @transform_1(%arg0: i32) -> (i32, i32) {
    %c0_i32 = arith.constant 0 : i32
    %c0_i32_0 = arith.constant 0 : i32
    return %arg0, %c0_i32 : i32, i32
  }
}

module attributes {stable_mosaic.version = 14 : i64} {
  func.func @_mid2_body(%arg0: i32, %arg1: memref<2x2528x128xf32, #tpu.memory_space<vmem>>, %arg2: memref<2528x16xf32, #tpu.memory_space<vmem>>, %arg3: memref<2528x128xf32, #tpu.memory_space<vmem>>) attributes {dimension_semantics = [#tpu.dimension_semantics<arbitrary>], iteration_bounds = array<i64: 4>, scalar_prefetch = 0 : i64, scratch_operands = 0 : i64, tpu.core_type = #tpu.core_type<tc>, window_params = [{transform_indices = @transform_0, window_bounds = array<i64: 2, 2528, 128>}, {transform_indices = @transform_1, window_bounds = array<i64: 2528, 16>}, {transform_indices = @transform_2, window_bounds = array<i64: 2528, 128>}]} {
    %get3A = arith.constant 0 : index
    %get3A_0 = arith.constant 0 : index
    %get3A_1 = vector.load %arg2[%get3A, %get3A_0] : memref<2528x16xf32, #tpu.memory_space<vmem>>, vector<2528x16xf32>
    %slice3A = vector.extract_strided_slice %get3A_1 {offsets = [0, 4], sizes = [2528, 1], strides = [1, 1]} : vector<2528x16xf32> to vector<2528x1xf32>
    %get3A_2 = arith.constant 0 : index
    %get3A_3 = arith.constant 0 : index
    %get3A_4 = arith.constant 0 : index
    %get3A_5 = vector.load %arg1[%get3A_2, %get3A_3, %get3A_4] : memref<2x2528x128xf32, #tpu.memory_space<vmem>>, vector<1x2528x128xf32>
    %get3A_6 = vector.shape_cast %get3A_5 : vector<1x2528x128xf32> to vector<2528x128xf32>
    %get3A_7 = arith.constant 1 : index
    %get3A_8 = arith.constant 0 : index
    %get3A_9 = arith.constant 0 : index
    %get3A_10 = vector.load %arg1[%get3A_7, %get3A_8, %get3A_9] : memref<2x2528x128xf32, #tpu.memory_space<vmem>>, vector<1x2528x128xf32>
    %get3A_11 = vector.shape_cast %get3A_10 : vector<1x2528x128xf32> to vector<2528x128xf32>
    %add3A = arith.addf %get3A_6, %get3A_11 : vector<2528x128xf32>
    %mul3A = vector.broadcast %slice3A : vector<2528x1xf32> to vector<2528x128xf32>
    %mul3A_12 = arith.mulf %add3A, %mul3A : vector<2528x128xf32>
    %swap3A = arith.constant 0 : index
    %swap3A_13 = arith.constant 0 : index
    %swap3A_14 = vector.load %arg3[%swap3A, %swap3A_13] : memref<2528x128xf32, #tpu.memory_space<vmem>>, vector<2528x128xf32>
    tpu.vector_store %arg3[%swap3A, %swap3A_13], %mul3A_12 {strides = array<i32>} : memref<2528x128xf32, #tpu.memory_space<vmem>>, vector<2528x128xf32>,
    return
  }
  func.func @transform_0(%arg0: i32) -> (i32, i32, i32) {
    %c0_i32 = arith.constant 0 : i32
    %c0_i32_0 = arith.constant 0 : i32
    %c0_i32_1 = arith.constant 0 : i32
    return %c0_i32, %arg0, %c0_i32_0 : i32, i32, i32
  }
  func.func @transform_1(%arg0: i32) -> (i32, i32) {
    %c0_i32 = arith.constant 0 : i32
    %c0_i32_0 = arith.constant 0 : i32
    return %arg0, %c0_i32 : i32, i32
  }
  func.func @transform_2(%arg0: i32) -> (i32, i32) {
    %c0_i32 = arith.constant 0 : i32
    %c0_i32_0 = arith.constant 0 : i32
    return %arg0, %c0_i32 : i32, i32
  }
}

module attributes {stable_mosaic.version = 14 : i64} {
  func.func @_final_body(%arg0: i32, %arg1: memref<2x2528x128xf32, #tpu.memory_space<vmem>>, %arg2: memref<2x2528x16xf32, #tpu.memory_space<vmem>>, %arg3: memref<1x128xf32, #tpu.memory_space<vmem>>, %arg4: memref<2528x128xf32, #tpu.memory_space<vmem>>) attributes {dimension_semantics = [#tpu.dimension_semantics<arbitrary>], iteration_bounds = array<i64: 4>, scalar_prefetch = 0 : i64, scratch_operands = 0 : i64, tpu.core_type = #tpu.core_type<tc>, window_params = [{transform_indices = @transform_0, window_bounds = array<i64: 2, 2528, 128>}, {transform_indices = @transform_1, window_bounds = array<i64: 2, 2528, 16>}, {pipeline_mode = #tpu.pipeline_mode<synchronous>, transform_indices = @transform_2, window_bounds = array<i64: 1, 128>}, {transform_indices = @transform_3, window_bounds = array<i64: 2528, 128>}]} {
    %get3A = arith.constant 0 : index
    %get3A_0 = arith.constant 0 : index
    %get3A_1 = arith.constant 0 : index
    %get3A_2 = vector.load %arg2[%get3A, %get3A_0, %get3A_1] : memref<2x2528x16xf32, #tpu.memory_space<vmem>>, vector<1x2528x16xf32>
    %get3A_3 = vector.shape_cast %get3A_2 : vector<1x2528x16xf32> to vector<2528x16xf32>
    %slice3A = vector.extract_strided_slice %get3A_3 {offsets = [0, 4], sizes = [2528, 1], strides = [1, 1]} : vector<2528x16xf32> to vector<2528x1xf32>
    %get3A_4 = arith.constant 1 : index
    %get3A_5 = arith.constant 0 : index
    %get3A_6 = arith.constant 0 : index
    %get3A_7 = vector.load %arg2[%get3A_4, %get3A_5, %get3A_6] : memref<2x2528x16xf32, #tpu.memory_space<vmem>>, vector<1x2528x16xf32>
    %get3A_8 = vector.shape_cast %get3A_7 : vector<1x2528x16xf32> to vector<2528x16xf32>
    %slice3A_9 = vector.extract_strided_slice %get3A_8 {offsets = [0, 4], sizes = [2528, 1], strides = [1, 1]} : vector<2528x16xf32> to vector<2528x1xf32>
    %add3A = arith.addf %slice3A, %slice3A_9 : vector<2528x1xf32>
    %gt3A = arith.constant 0.000000e+00 : f32
    %gt3A_10 = vector.broadcast %gt3A : f32 to vector<2528x1xf32>
    %gt3A_11 = arith.cmpf ogt, %add3A, %gt3A_10 : vector<2528x1xf32>
    %max3A = arith.constant 1.000000e+00 : f32
    %max3A_12 = vector.broadcast %max3A : f32 to vector<2528x1xf32>
    %max3A_13 = arith.maximumf %add3A, %max3A_12 : vector<2528x1xf32>
    %div3A = arith.constant 1.000000e+00 : f32
    %div3A_14 = vector.broadcast %div3A : f32 to vector<2528x1xf32>
    %div3A_15 = arith.divf %div3A_14, %max3A_13 : vector<2528x1xf32>
    %jit3A = arith.constant 0.000000e+00 : f32
    %broadcast_in_dim3A = vector.broadcast %jit3A : f32 to vector<2528x1xf32>
    %select_n3A = arith.select %gt3A_11, %div3A_15, %broadcast_in_dim3A : vector<2528x1xi1>, vector<2528x1xf32>
    %get3A_16 = arith.constant 0 : index
    %get3A_17 = arith.constant 0 : index
    %get3A_18 = arith.constant 0 : index
    %get3A_19 = vector.load %arg1[%get3A_16, %get3A_17, %get3A_18] : memref<2x2528x128xf32, #tpu.memory_space<vmem>>, vector<1x2528x128xf32>
    %get3A_20 = vector.shape_cast %get3A_19 : vector<1x2528x128xf32> to vector<2528x128xf32>
    %get3A_21 = arith.constant 1 : index
    %get3A_22 = arith.constant 0 : index
    %get3A_23 = arith.constant 0 : index
    %get3A_24 = vector.load %arg1[%get3A_21, %get3A_22, %get3A_23] : memref<2x2528x128xf32, #tpu.memory_space<vmem>>, vector<1x2528x128xf32>
    %get3A_25 = vector.shape_cast %get3A_24 : vector<1x2528x128xf32> to vector<2528x128xf32>
    %add3A_26 = arith.addf %get3A_20, %get3A_25 : vector<2528x128xf32>
    %mul3A = vector.broadcast %select_n3A : vector<2528x1xf32> to vector<2528x128xf32>
    %mul3A_27 = arith.mulf %add3A_26, %mul3A : vector<2528x128xf32>
    %get3A_28 = arith.constant 0 : index
    %get3A_29 = arith.constant 0 : index
    %get3A_30 = vector.load %arg3[%get3A_28, %get3A_29] : memref<1x128xf32, #tpu.memory_space<vmem>>, vector<1x128xf32>
    %add3A_31 = vector.broadcast %get3A_30 : vector<1x128xf32> to vector<2528x128xf32>
    %add3A_32 = arith.addf %mul3A_27, %add3A_31 : vector<2528x128xf32>
    %swap3A = arith.constant 0 : index
    %swap3A_33 = arith.constant 0 : index
    %swap3A_34 = vector.load %arg4[%swap3A, %swap3A_33] : memref<2528x128xf32, #tpu.memory_space<vmem>>, vector<2528x128xf32>
    tpu.vector_store %arg4[%swap3A, %swap3A_33], %add3A_32 {strides = array<i32>} : memref<2528x128xf32, #tpu.memory_space<vmem>>, vector<2528x128xf32>,
    return
  }
  func.func @transform_0(%arg0: i32) -> (i32, i32, i32) {
    %c0_i32 = arith.constant 0 : i32
    %c0_i32_0 = arith.constant 0 : i32
    %c0_i32_1 = arith.constant 0 : i32
    return %c0_i32, %arg0, %c0_i32_0 : i32, i32, i32
  }
  func.func @transform_1(%arg0: i32) -> (i32, i32, i32) {
    %c0_i32 = arith.constant 0 : i32
    %c0_i32_0 = arith.constant 0 : i32
    %c0_i32_1 = arith.constant 0 : i32
    return %c0_i32, %arg0, %c0_i32_0 : i32, i32, i32
  }
  func.func @transform_2(%arg0: i32) -> (i32, i32) {
    %c0_i32 = arith.constant 0 : i32
    %c0_i32_0 = arith.constant 0 : i32
    %c0_i32_1 = arith.constant 0 : i32
    return %c0_i32, %c0_i32_0 : i32, i32
  }
  func.func @transform_3(%arg0: i32) -> (i32, i32) {
    %c0_i32 = arith.constant 0 : i32
    %c0_i32_0 = arith.constant 0 : i32
    return %arg0, %c0_i32 : i32, i32
  }
}

</mosaic_0001>

<sc_bundles>
// kernel: kernel.10.cloned.1.call-start
scs
__scs_entry_jumppad:
0x0: {  	(pc) =	sbr.rel $0x88, $3  }
0x1: {  	(tag) =	ssettag $0x0;
	lr =	simm.s32 $0x1  }
0x2: {  	[smem:$0x3F98] =	sst lr;
	_ =	strace $0xD0000000  }
0x3: {  	_ = 	snop  }
0x4: {  	_ = 	snop  }
0x5: {  	_ = 	snop  }
0x6: {  	_ = 	snop  }
0x7: {  	_ = 	snop  }
__scs_overlays_trampoline_lowered:
0x8: {  	[smem:$0x3FA7] =	sst s0  }
0x9: {  	[smem:$0x3FA8] =	sst s1  }
0xa: {  	[smem:$0x3FA9] =	sst s2  }
0xb: {  	[smem:$0x3FAA] =	sst s3  }
0xc: {  	[smem:$0x3FAB] =	sst s4  }
0xd: {  	[smem:$0x3FAC] =	sst s5  }
0xe: {  	[smem:$0x3FAD] =	sst s6  }
0xf: {  	[smem:$0x3FAE] =	sst s7  }
0x10: {  	[smem:$0x3FAF] =	sst s8  }
0x11: {  	[smem:$0x3FB0] =	sst s9;
	s0 =	simm.s32 @!p0 $0x0  }
0x12: {  	s1 =	sld [smem:$0x3F96];
	s0 =	simm.s32 @p0 $0x1  }
0x13: {  	[smem:$0x3FB1] =	sst s0;
	s0 =	simm.s32 @!p1 $0x0  }
0x14: {  	s2 =	sld [smem:$0x3F95];
	s0 =	simm.s32 @p1 $0x1  }
0x15: {  	[smem:$0x3FB2] =	sst s0;
	s0 =	simm.s32 @!p2 $0x0  }
0x16: {  	s3 =	sld [smem:$0x3FDB];
	s0 =	simm.s32 @p2 $0x1  }
0x17: {  	s4 =	simm.s32 $0x1BF5;
	[smem:$0x3FB4] =	sst s0  }
0x18: {  	s0 =	sld [smem:$0x3F97];
	_ =	swait.ge [sflag:s4], $0x0  }
0x19: {  	s7 =	sld [smem:$0x3F98]  }
0x1a: {  	s8 =	sadd.s32 $0xFFFFE003, lr  }
0x1b: {  	s9 =	sadd.s32 $0xFFFFFEF7, lr;
	s5 =	simm.s32 $0xFFFFFFFF;
	p2 =	slt.u32 s8, $0xFFFFF086  }
0x1c: {  	p1 =	slt.u32 s9, $0xF7A;
	s5 =	simm.s32 @!p2 $0x0  }
0x1d: {  	s5 =	simm.s32 @p1 $0x1;
	p0 =	seq.s32 s7, s2  }
0x1e: {  	s7 =	smul.u32 @!p0 $0xF7A, s2;
	p2 =	seq.s32 @!p0 s5, $0x0  }
0x1f: {  	s9 =	smul.u32 $0xF7A, s1;
	s8 =	simm.s32 @!p0 $0x1BF5;
	p2 =	por !p2, p0  }
0x20: {  	[sflag:s8] =	ssyncset.s32 @!p0 $0xFFFFF086;
	s6 =	sadd.s32 @!p0 s3, s7;
	s7 =	simm.s32 @!p0 $0x108  }
0x21: {  	s3 =	sadd.s32 s3, s9;
	s6 =	sadd.s32 @!p0 $0x88, s6;
	s7 =	simm.s32 @p2 $0x1082  }
0x22: {  	[simem:s7], [sflag:s8] =	dma.local @!p0 [hbm:s6], $0xF7A  }
0x23: {  	s9 =	sor.u32 $0xD0000000, s2;
	s6 =	simm.s32 $0x108;
	_ =	swait.ge @!p0 [sflag:s8], $0x0  }
0x24: {  	s3 =	sadd.s32 $0x88, s3;
	s6 =	simm.s32 @!p1 $0x1082;
	[sflag:s4] =	ssyncset.s32 $0xFFFFF086  }
0x25: {  	[simem:s6], [sflag:s4] =	dma.local [hbm:s3], $0xF7A  }
0x26: {  	[smem:$0x3F98] =	sst s1;
	(tag) =	ssettag s2;
	_ =	strace s9  }
0x27: {  	s1 =	sld [smem:$0x3FA8]  }
0x28: {  	s2 =	sld [smem:$0x3FA9]  }
0x29: {  	s4 =	sld [smem:$0x3FAB]  }
0x2a: {  	p0 =	seq.s32 s5, $0x0;
	s5 =	sld [smem:$0x3FAC]  }
0x2b: {  	s6 =	sld [smem:$0x3FAD]  }
0x2c: {  	s7 =	sld [smem:$0x3FAE]  }
0x2d: {  	s3 =	simm.s32 $0x108;
	s8 =	sld [smem:$0x3FAF]  }
0x2e: {  	s3 =	simm.s32 @!p0 $0x1082;
	s9 =	sld [smem:$0x3FB0]  }
0x2f: {  	lr =	sadd.s32 s0, s3;
	s0 =	sld [smem:$0x3FA7]  }
0x30: {  	s3 =	sld [smem:$0x3FAA]  }
0x31: {  	[smem:$0x3FB3] =	sst s10  }
0x32: {  	s10 =	sld [smem:$0x3FB1];
	_ =	sdelay $0x3  }
0x33: {  	p0 =	seq.s32 s10, $0x1;
	s10 =	sld [smem:$0x3FB3];
	_ =	sdelay $0x3  }
0x34: {  	[smem:$0x3FB3] =	sst s10  }
0x35: {  	s10 =	sld [smem:$0x3FB2];
	_ =	sdelay $0x3  }
0x36: {  	p1 =	seq.s32 s10, $0x1;
	s10 =	sld [smem:$0x3FB3];
	_ =	sdelay $0x3  }
0x37: {  	[smem:$0x3FB3] =	sst s10  }
0x38: {  	s10 =	sld [smem:$0x3FB4]  }
0x39: {  	_ = 	snop;
	(pc) =	sbr.ind lr, $3  }
0x3a: {  	_ = 	snop  }
0x3b: {  	_ = 	snop  }
0x3c: {  	p2 =	seq.s32 s10, $0x1;
	s10 =	sld [smem:$0x3FB3]  }
0x3d: {  	_ =	shalt  }
0x3e: {  	_ =	shalt  }
0x3f: {  	_ =	shalt  }
0x40: {  	_ =	shalt  }
0x41: {  	_ =	shalt  }
0x42: {  	_ =	shalt  }
0x43: {  	_ =	shalt  }
0x44: {  	_ =	shalt  }
0x45: {  	_ =	shalt  }
0x46: {  	_ =	shalt  }
0x47: {  	_ =	shalt  }
0x48: {  	_ =	shalt  }
0x49: {  	_ =	shalt  }
0x4a: {  	_ =	shalt  }
0x4b: {  	_ =	shalt  }
0x4c: {  	_ =	shalt  }
0x4d: {  	_ =	shalt  }
0x4e: {  	_ =	shalt  }
0x4f: {  	_ =	shalt  }
0x50: {  	_ =	shalt  }
0x51: {  	_ =	shalt  }
0x52: {  	_ =	shalt  }
0x53: {  	_ =	shalt  }
0x54: {  	_ =	shalt  }
0x55: {  	_ =	shalt  }
0x56: {  	_ =	shalt  }
0x57: {  	_ =	shalt  }
0x58: {  	_ =	shalt  }
0x59: {  	_ =	shalt  }
0x5a: {  	_ =	shalt  }
0x5b: {  	_ =	shalt  }
0x5c: {  	_ =	shalt  }
0x5d: {  	_ =	shalt  }
0x5e: {  	_ =	shalt  }
0x5f: {  	_ =	shalt  }
0x60: {  	_ =	shalt  }
0x61: {  	_ =	shalt  }
0x62: {  	_ =	shalt  }
0x63: {  	_ =	shalt  }
0x64: {  	_ =	shalt  }
0x65: {  	_ =	shalt  }
0x66: {  	_ =	shalt  }
0x67: {  	_ =	shalt  }
0x68: {  	_ =	shalt  }
0x69: {  	_ =	shalt  }
0x6a: {  	_ =	shalt  }
0x6b: {  	_ =	shalt  }
0x6c: {  	_ =	shalt  }
0x6d: {  	_ =	shalt  }
0x6e: {  	_ =	shalt  }
0x6f: {  	_ =	shalt  }
0x70: {  	_ =	shalt  }
0x71: {  	_ =	shalt  }
0x72: {  	_ =	shalt  }
0x73: {  	_ =	shalt  }
0x74: {  	_ =	shalt  }
0x75: {  	_ =	shalt  }
0x76: {  	_ =	shalt  }
0x77: {  	_ =	shalt  }
0x78: {  	_ =	shalt  }
0x79: {  	_ =	shalt  }
0x7a: {  	_ =	shalt  }
0x7b: {  	_ =	shalt  }
0x7c: {  	_ =	shalt  }
0x7d: {  	_ =	shalt  }
0x7e: {  	_ =	shalt  }
0x7f: {  	_ =	shalt  }
0x80: {  	_ =	shalt  }
0x81: {  	_ =	shalt  }
0x82: {  	_ =	shalt  }
0x83: {  	_ =	shalt  }
0x84: {  	_ =	shalt  }
0x85: {  	_ =	shalt  }
0x86: {  	_ =	shalt  }
0x87: {  	_ =	shalt  }
.Lfunc_end0:
.L_simem_size_0:
called_computation_lowered:
.L_overlay_start_0:
0x88: {  	s2 =	sld [smem:$0x3FD9]  }
0x89: {  	s3 =	sld [smem:$0x3FFE];
	_ =	sdelay $0x1  }
0x8a: {  	s1 =	srdreg.scid  }
0x8b: {  	s0 =	sand.u32 $0x1, s1  }
0x8c: {  	s16 =	sshll.u32 s0, $0xA;
	s2 =	sadd.s32 s3, s2  }
0x8d: {  	s2 =	sadd.s32 s2, s16  }
0x8e: {  	[smem:$0x3FBF] =	sst s2  }
0x8f: {  	_ = 	snop  }
0x90: {  	(tm) =	ssettm $0x1  }
0x91: {  	s17 =	sld [smem:$0x3FFB];
	_ =	sdelay $0x3  }
0x92: {  	_ =	strace s17  }
0x93: {  	s2 =	sld [smem:$0x3FFC];
	_ =	sdelay $0x3  }
0x94: {  	_ =	strace s2  }
0x95: {  	s2 =	sld [smem:$0x3FFD];
	_ =	sdelay $0x3  }
0x96: {  	_ =	strace s2  }
0x97: {  	_ =	strace $0x8FFFFFFF  }
0x98: {  	s18 =	sld [smem:$0x3FDB];
	_ =	sdelay $0x1  }
0x99: {  	s19 =	simm.s32 $_scs_section_size  }
0x9a: {  	s4 =	simm.s32 $_size__tile_overlayer_lowered;
	s5 =	simm.s32 $_tile_overlayer_lowered  }
0x9b: {  	s22 =	simm.s32 $0x1BFF;
	s21 =	sshll.u32 s5, $0x1;
	s2 =	sadd.s32 s19, s18  }
0x9c: {  	s6 =	simm.s32 $0x0;
	s20 =	sshll.u32 s4, $0x1;
	s4 =	sadd.s32 s21, s2  }
0x9d: {  	[timem:s6], [sflag:s22] =	dma.local [hbm:s4], s20  }
0x9e: {  	_ =	swait.ge [sflag:s22], s20  }
0x9f: {  	s3 =	ssub.s32 $0x0, s20;
	[sflag:s22] =	ssyncset.done $0x0  }
0xa0: {  	[sflag:s22] =	ssyncadd.s32 s3;
	_ =	sdelay $0x1  }
0xa1: {  	s23 =	simm.s32 $0x1B8B  }
0xa2: {  	_ =	swait.ge [sflag:s23], $0x1  }
0xa3: {  	[sflag:s23] =	ssyncset.done $0x0  }
0xa4: {  	s25 =	simm.s32 $0x1B8E;
	s24 =	sld [smem:$0x3FFE];
	[sflag:s23] =	ssyncadd.s32 $0xFFFFFFFF  }
0xa5: {  	s26 =	simm.s32 $execute0_lowered;
	[smem:$0x3FD2] =	sst s25  }
0xa6: {  	s4 =	sshll.u32 s26, $0x1;
	_ =	strace $0x80000046;
	[dreg:$0x1] =	wrdreg $0xFFFFFFFF  }
0xa7: {  	s28 =	simm.s32 $_size_execute0_lowered;
	s2 =	sadd.s32 s2, s4;
	[dreg:$0x0] =	wrdreg $0x0  }
0xa8: {  	s4 =	sshll.u32 s28, $0x1;
	[dreg:$0x2] =	wrdreg s2  }
0xa9: {  	[dreg:$0x3] =	wrdreg s4  }
0xaa: {  	[dreg:$0x4] =	wrdreg $0xC0  }
0xab: {  	_ =	task [dreg:s6], $0x5FFFF  }
0xac: {  	[dreg:$0x1] =	wrdreg $0xFFFFFFFF  }
0xad: {  	[dreg:$0x0] =	wrdreg $0x60  }
0xae: {  	[dreg:$0x2] =	wrdreg s24  }
0xaf: {  	[dreg:$0x3] =	wrdreg $0x9000  }
0xb0: {  	[dreg:$0x4] =	wrdreg $0x30800  }
0xb1: {  	[dreg:$0x5] =	wrdreg $0x9  }
0xb2: {  	_ =	task.clear_ibuf [dreg:s6], $0x6FFFF;
	_ =	strace $0x90000046  }
0xb3: {  	s29 =	simm.s32 $0x9;
	_ =	strace $0x80000048  }
0xb4: {  	_ =	swait.ge [sflag:s29], $0x1  }
0xb5: {  	[sflag:s29] =	ssyncadd.s32 $0xFFFFFFFF  }
0xb6: {  	_ =	strace $0x90000048  }
0xb7: {  	_ =	sfence  }
0xb8: {  	s30 =	sld [smem:$0x0];
	_ =	sdelay $0x2  }
0xb9: {  	s31 =	sshll.u32 s1, $0xD;
	s1 =	sshrl.u32 s1, $0x2  }
0xba: {  	s3 =	sand.u32 $0x4000, s31;
	s1 =	sadd.s32 s1, s30  }
0xbb: {  	s0 =	sor.u32 s3, s0;
	s1 =	sshll.u32 s1, $0x11  }
0xbc: {  	s0 =	sor.u32 s1, s0  }
0xbd: {  	s0 =	sadd.s32 $0x8F2B, s0  }
0xbe: {  	[sflag:s0] =	ssyncadd.remote.s32 $0x1  }
0xbf: {  	_ =	sfence.sel $0xFFFF  }
0xc0: {  	[dreg:$0x0] =	wrdreg $0xFFFFFFFF;
	(pc) =	sbr.abs _section_cstart, $3  }
0xc1: {  	[dreg:$0x1] =	wrdreg $0xFFFFFFFF  }
0xc2: {  	_ =	task.clear_ibuf [dreg:s6], $0x2FFFF;
	_ =	strace $0x9FFFFFFF  }
0xc3: {  	(tm) =	ssettm $0x7FFFFFFF  }
tec
execute0_lowered:
.L_overlay_start_1:
0x0: {  	(tag) =	ssettag $0x1  }
0x1: {  	s8 =	rddreg [dreg:$0x0]  }
0x2: {  	s2 =	rddreg [dreg:$0x1]  }
0x3: {  	s1 =	srdreg.scid;
	s0 =	stileid.u32  }
0x4: {  	s3 =	rddreg [dreg:$0x2];
	s4 =	simm.s32 $0x0;
	s24 =	simm.s32 $0x2  }
0x5: {  	s25 =	simm.s32 $0x80;
	s26 =	simm.s32 $0x1;
	s28 =	simm.s32 $0x0  }
0x6: {  	s22 =	sand.u32 $0x1, s1;
	s14 =	smul.u32 $0x2780, s0;
	[smem:$0x7FF] =	sst s4  }
0x7: {  	s5 =	sadd.s32 $0x7600, s8;
	s23 =	sshll.u32 s0, $0x7;
	s6 =	smul.u32 $0x27800, s22  }
0x8: {  	_ =	strace $0x80000047;
	s10 =	ssub.s32 $0x2, s22;
	s21 =	sshll.u32 s22, $0x4  }
0x9: {  	s22 =	sshll.u32 s22, $0xB;
	s31 =	sshrl.u32 s10, $0x1;
	s11 =	sadd.s32 $0x800, s14  }
0xa: {  	s13 =	sadd.s32 $0x1000, s14;
	s15 =	sadd.s32 $0x1800, s14;
	s17 =	sadd.s32 $0x2000, s14  }
0xb: {  	s21 =	sor.u32 s21, s0;
	s22 =	sor.u32 s23, s22;
	s23 =	simm.s32 $0x100  }
0xc: {  	s7 =	sadd.s32 s14, s6;
	s6 =	sadd.s32 $0x11400, s8;
	s20 =	ssub.s32 s10, s31  }
0xd: {  	s10 =	sadd.s32 s11, s2;
	s11 =	sadd.s32 s11, s3;
	s12 =	sadd.s32 s13, s2  }
0xe: {  	s13 =	sadd.s32 s13, s3;
	s16 =	sadd.s32 s17, s2;
	s17 =	sadd.s32 s17, s3  }
0xf: {  	s21 =	ssub.s32 $0x9E3, s21;
	s9 =	sshrl.u32 s7, $0x3;
	s7 =	sadd.s32 $0x2600, s8  }
0x10: {  	s20 =	smax.u32 s20, $0x1;
	s21 =	sshrl.u32 s21, $0x5;
	s19 =	sadd.s32 s9, s8  }
0x11: {  	s8 =	sadd.s32 s14, s2;
	s9 =	sadd.s32 s14, s3;
	s14 =	sadd.s32 s15, s2  }
0x12: {  	v0 =	vimm.f32 $0.0e+00;
	s15 =	sadd.s32 s15, s3;
	s18 =	sadd.s32 $0x1B200, s19;
	s19 =	sadd.s32 $0x25000, s19  }
.LBB2_1:
0x13: {  	s29 =	simm.s32 $0x40;
	s30 =	simm.s32 $0x0  }
.LBB2_2:
0x14: {  	p0 =	sne.s32 s29, $0x1FC0;
	[tilespmem:s30+$0x100] =	vst v0;
	s30 =	smov.u32 s29;
	s29 =	sadd.s32 $0x40, s29  }
.Ltmp0:
0x15: {  	(pc) =	sbr.rel @p0 .LBB2_2-.Ltmp0, $2  }
0x16: {  	_ =	sdelay $0x2  }
0x17: {  	s30 =	sshra.s32 s30, $0x2  }
0x18: {  	[tilespmem:s30+$0x100] =	vst v0  }
0x19: {  	[spmem:s8] =	stream.linear.scatter [tilespmem:s23], [sflag:$0x2], $0x800, $0x38;
	[tilespmem:$0x5800] =	vst v63  }
0x1a: {  	_ =	swait.ge [sflag:s24], $0x800  }
0x1b: {  	[sflag:s24] =	ssyncset.done $0x0  }
0x1c: {  	[sflag:s24] =	ssyncadd.s32 $0xFFFFF800  }
0x1d: {  	[spmem:s9] =	stream.linear.scatter [tilespmem:s23], [sflag:$0x2], $0x800, $0x38;
	[tilespmem:$0x5800] =	vst v63  }
0x1e: {  	_ =	swait.ge [sflag:s24], $0x800  }
0x1f: {  	[sflag:s24] =	ssyncset.done $0x0  }
0x20: {  	[sflag:s24] =	ssyncadd.s32 $0xFFFFF800  }
0x21: {  	[spmem:s10] =	stream.linear.scatter [tilespmem:s23], [sflag:$0x2], $0x800, $0x38;
	[tilespmem:$0x5800] =	vst v63  }
0x22: {  	_ =	swait.ge [sflag:s24], $0x800  }
0x23: {  	[sflag:s24] =	ssyncset.done $0x0  }
0x24: {  	[sflag:s24] =	ssyncadd.s32 $0xFFFFF800  }
0x25: {  	[spmem:s11] =	stream.linear.scatter [tilespmem:s23], [sflag:$0x2], $0x800, $0x38;
	[tilespmem:$0x5800] =	vst v63  }
0x26: {  	_ =	swait.ge [sflag:s24], $0x800  }
0x27: {  	[sflag:s24] =	ssyncset.done $0x0  }
0x28: {  	[sflag:s24] =	ssyncadd.s32 $0xFFFFF800  }
0x29: {  	[spmem:s12] =	stream.linear.scatter [tilespmem:s23], [sflag:$0x2], $0x800, $0x38;
	[tilespmem:$0x5800] =	vst v63  }
0x2a: {  	_ =	swait.ge [sflag:s24], $0x800  }
0x2b: {  	[sflag:s24] =	ssyncset.done $0x0  }
0x2c: {  	[sflag:s24] =	ssyncadd.s32 $0xFFFFF800  }
0x2d: {  	[spmem:s13] =	stream.linear.scatter [tilespmem:s23], [sflag:$0x2], $0x800, $0x38;
	[tilespmem:$0x5800] =	vst v63  }
0x2e: {  	_ =	swait.ge [sflag:s24], $0x800  }
0x2f: {  	[sflag:s24] =	ssyncset.done $0x0  }
0x30: {  	[sflag:s24] =	ssyncadd.s32 $0xFFFFF800  }
0x31: {  	[spmem:s14] =	stream.linear.scatter [tilespmem:s23], [sflag:$0x2], $0x800, $0x38;
	[tilespmem:$0x5800] =	vst v63  }
0x32: {  	_ =	swait.ge [sflag:s24], $0x800  }
0x33: {  	[sflag:s24] =	ssyncset.done $0x0  }
0x34: {  	[sflag:s24] =	ssyncadd.s32 $0xFFFFF800  }
0x35: {  	[spmem:s15] =	stream.linear.scatter [tilespmem:s23], [sflag:$0x2], $0x800, $0x38;
	[tilespmem:$0x5800] =	vst v63  }
0x36: {  	_ =	swait.ge [sflag:s24], $0x800  }
0x37: {  	[sflag:s24] =	ssyncset.done $0x0  }
0x38: {  	[sflag:s24] =	ssyncadd.s32 $0xFFFFF800  }
0x39: {  	[spmem:s16] =	stream.linear.scatter [tilespmem:s23], [sflag:$0x2], $0x780, $0x38;
	[tilespmem:$0x5800] =	vst v63  }
0x3a: {  	_ =	swait.ge [sflag:s24], $0x780  }
0x3b: {  	[sflag:s24] =	ssyncset.done $0x0  }
0x3c: {  	p1 =	sne.s32 s21, $0x1;
	[sflag:s24] =	ssyncadd.s32 $0xFFFFF880  }
0x3d: {  	[spmem:s17] =	stream.linear.scatter [tilespmem:s23], [sflag:$0x2], $0x780, $0x38;
	[tilespmem:$0x5800] =	vst v63  }
.Ltmp1:
0x3e: {  	_ =	swait.ge [sflag:s24], $0x780;
	(pc) =	sbr.rel @!p1 .LBB2_6-.Ltmp1, $4  }
0x3f: {  	[sflag:s24] =	ssyncset.done $0x0  }
0x40: {  	[sflag:s24] =	ssyncadd.s32 $0xFFFFF880  }
0x41: {  	[bflag:$0x0] =	sbarrier.arrive $0xFFFF  }
0x42: {  	s29 =	sadd.s32 $0xFFFFFFFF, s21;
	s31 =	sshrl.u32 s22, $0x3;
	p0 =	por $0x0, $0x0  }
0x43: {  	s30 =	sadd.s32 s5, s31  }
0x44: {  	[tilespmem:s4], [sflag:$0x2] =	stream.linear.gather [hbm4b:s30+s4], $0x80, $0x38;
	[tilespmem:$0x5800] =	vst v63  }
0x45: {  	_ =	swait.ge [sflag:s24], $0x80  }
0x46: {  	[sflag:s24] =	ssyncset.done $0x0  }
0x47: {  	s30 =	sadd.s32 s6, s31;
	[sflag:s24] =	ssyncadd.s32 $0xFFFFFF80  }
0x48: {  	[tilespmem:s25], [sflag:$0x2] =	stream.linear.gather [hbm4b:s30+s4], $0x80, $0x38;
	[tilespmem:$0x5800] =	vst v63  }
0x49: {  	_ =	swait.ge [sflag:s24], $0x80  }
0x4a: {  	[sflag:s24] =	ssyncset.done $0x0  }
0x4b: {  	[sflag:s24] =	ssyncadd.s32 $0xFFFFFF80  }
0x4c: {  	[tilespmem:s23], [sflag:$0x1] =	stream.indirect.gather [hbm4b:s7+s25], $0x10, s4, s25, $0xb8;
	[tilespmem:$0x5800] =	vst v63  }
0x4d: {  	_ =	swait.ge [sflag:s26], $0x800  }
0x4e: {  	[sflag:s26] =	ssyncset.done $0x0  }
0x4f: {  	[sflag:s26] =	ssyncadd.s32 $0xFFFFF800  }
0x50: {  	[spmem:s2] =	stream.indirect.scatter.add.f32 [tilespmem:s23], [sflag:$0x2], $0x10, s25, s25, $0xb8;
	[tilespmem:$0x5800] =	vst v63  }
0x51: {  	p1 =	sne.s32 s29, $0x1;
	_ =	swait.ge [sflag:s24], $0x800  }
.Ltmp2:
0x52: {  	[sflag:s24] =	ssyncset.done $0x0;
	(pc) =	sbr.rel @!p1 .LBB2_6-.Ltmp2, $4  }
0x53: {  	[sflag:s24] =	ssyncadd.s32 $0xFFFFF800  }
0x54: {  	[spmem:s3] =	stream.indirect.scatter.add.f32 [tilespmem:s23], [sflag:$0x2], $0x10, s4, s25, $0xb8;
	[tilespmem:$0x5800] =	vst v63  }
0x55: {  	s29 =	sadd.s32 $0xFFFFFFFF, s29;
	s30 =	sadd.s32 $0x1000, s22;
	_ =	swait.ge [sflag:s24], $0x800  }
0x56: {  	p0 =	por $0x1, $0x1;
	s31 =	sshrl.u32 s30, $0x3;
	[sflag:s24] =	ssyncset.done $0x0  }
.LBB2_5:
0x57: {  	p1 =	sne.s32 s29, $0x1;
	s1 =	sadd.s32 s5, s31;
	[sflag:s24] =	ssyncadd.s32 $0xFFFFF800  }
0x58: {  	[tilespmem:s4], [sflag:$0x2] =	stream.linear.gather [hbm4b:s1+s4], $0x80, $0x38;
	[tilespmem:$0x5800] =	vst v63  }
0x59: {  	s29 =	sadd.s32 $0xFFFFFFFF, s29;
	_ =	swait.ge [sflag:s24], $0x80  }
0x5a: {  	[sflag:s24] =	ssyncset.done $0x0  }
0x5b: {  	s1 =	sadd.s32 s6, s31;
	[sflag:s24] =	ssyncadd.s32 $0xFFFFFF80  }
0x5c: {  	[tilespmem:s25], [sflag:$0x2] =	stream.linear.gather [hbm4b:s1+s4], $0x80, $0x38;
	[tilespmem:$0x5800] =	vst v63  }
0x5d: {  	_ =	swait.ge [sflag:s24], $0x80  }
0x5e: {  	[sflag:s24] =	ssyncset.done $0x0  }
0x5f: {  	[sflag:s24] =	ssyncadd.s32 $0xFFFFFF80  }
0x60: {  	[tilespmem:s23], [sflag:$0x1] =	stream.indirect.gather [hbm4b:s7+s25], $0x10, s4, s25, $0xb8;
	[tilespmem:$0x5800] =	vst v63  }
0x61: {  	_ =	swait.ge [sflag:s26], $0x800  }
0x62: {  	[sflag:s26] =	ssyncset.done $0x0  }
0x63: {  	[sflag:s26] =	ssyncadd.s32 $0xFFFFF800  }
0x64: {  	[spmem:s2] =	stream.indirect.scatter.add.f32 [tilespmem:s23], [sflag:$0x2], $0x10, s25, s25, $0xb8;
	[tilespmem:$0x5800] =	vst v63  }
0x65: {  	_ =	swait.ge [sflag:s24], $0x800  }
.Ltmp3:
0x66: {  	[sflag:s24] =	ssyncset.done $0x0;
	(pc) =	sbr.rel @p1 .LBB2_5-.Ltmp3, $4  }
0x67: {  	[sflag:s24] =	ssyncadd.s32 $0xFFFFF800  }
0x68: {  	[spmem:s3] =	stream.indirect.scatter.add.f32 [tilespmem:s23], [sflag:$0x2], $0x10, s4, s25, $0xb8;
	[tilespmem:$0x5800] =	vst v63  }
0x69: {  	s30 =	sadd.s32 $0x1000, s30;
	_ =	swait.ge [sflag:s24], $0x800  }
0x6a: {  	s31 =	sshrl.u32 s30, $0x3;
	[sflag:s24] =	ssyncset.done $0x0  }
.LBB2_6:
0x6b: {  	s1 =	sadd.s32 s5, s31;
	[sflag:s24] =	ssyncadd.s32 @p0 $0xFFFFF800  }
0x6c: {  	[tilespmem:s4], [sflag:$0x2] =	stream.linear.gather [hbm4b:s1+s4], $0x80, $0x38;
	[tilespmem:$0x5800] =	vst v63  }
0x6d: {  	_ =	swait.ge [sflag:s24], $0x80  }
0x6e: {  	[sflag:s24] =	ssyncset.done $0x0  }
0x6f: {  	s29 =	sadd.s32 s6, s31;
	[sflag:s24] =	ssyncadd.s32 $0xFFFFFF80  }
0x70: {  	[tilespmem:s25], [sflag:$0x2] =	stream.linear.gather [hbm4b:s29+s4], $0x80, $0x38;
	[tilespmem:$0x5800] =	vst v63  }
0x71: {  	_ =	swait.ge [sflag:s24], $0x80  }
0x72: {  	[sflag:s24] =	ssyncset.done $0x0  }
0x73: {  	[sflag:s24] =	ssyncadd.s32 $0xFFFFFF80  }
0x74: {  	[tilespmem:s23], [sflag:$0x1] =	stream.indirect.gather [hbm4b:s7+s25], $0x10, s4, s25, $0xb8;
	[tilespmem:$0x5800] =	vst v63  }
0x75: {  	_ =	swait.ge [sflag:s26], $0x800  }
0x76: {  	[sflag:s26] =	ssyncset.done $0x0  }
0x77: {  	[sflag:s26] =	ssyncadd.s32 $0xFFFFF800  }
0x78: {  	[spmem:s2] =	stream.indirect.scatter.add.f32 [tilespmem:s23], [sflag:$0x2], $0x10, s25, s25, $0xb8;
	[tilespmem:$0x5800] =	vst v63  }
0x79: {  	_ =	swait.ge [sflag:s24], $0x800  }
0x7a: {  	[sflag:s24] =	ssyncset.done $0x0  }
0x7b: {  	[sflag:s24] =	ssyncadd.s32 $0xFFFFF800  }
0x7c: {  	[spmem:s3] =	stream.indirect.scatter.add.f32 [tilespmem:s23], [sflag:$0x2], $0x10, s4, s25, $0xb8;
	[tilespmem:$0x5800] =	vst v63  }
0x7d: {  	_ =	swait.ge [sflag:s24], $0x800  }
0x7e: {  	[sflag:s24] =	ssyncset.done $0x0  }
0x7f: {  	s30 =	sshll.u32 s0, $0x6;
	[sflag:s24] =	ssyncadd.s32 $0xFFFFF800  }
0x80: {  	s1 =	sor.u32 $0x1C02, s30;
	s29 =	sshrl.u32 s8, $0x3;
	[bflag:$0x0] =	sbarrier.arrive $0xFFFF  }
0x81: {  	[hbm:s18], [sflag:s1] =	dma.local [spmem:s29], $0x4F0  }
0x82: {  	s28 =	sadd.s32 $0x1, s28;
	_ =	swait.ge [sflag:s24], $0x4F0  }
0x83: {  	p0 =	sne.s32 s28, s20;
	[sflag:s24] =	ssyncset.done $0x0  }
.Ltmp4:
0x84: {  	s31 =	sshrl.u32 s9, $0x3;
	[sflag:s24] =	ssyncadd.s32 $0xFFFFFB10;
	(pc) =	sbr.rel @p0 .LBB2_1-.Ltmp4, $4  }
0x85: {  	[hbm:s19], [sflag:s1] =	dma.local [spmem:s31], $0x4F0  }
0x86: {  	_ =	swait.ge [sflag:s24], $0x4F0  }
0x87: {  	[sflag:s24] =	ssyncset.done $0x0  }
0x88: {  	[sflag:s24] =	ssyncadd.s32 $0xFFFFFB10  }
0x89: {  	_ =	sfence.sel $0x180000  }
0x8a: {  	[bflag:$0x0] =	sbarrier.arrive $0xFFFF  }
0x8b: {  	_ =	strace $0x90000047  }
0x8c: {  	[bflag:$0x2] =	sbarrier.arrive $0xFFFF  }
0x8d: {  	p0 =	sne.s32 s0, $0x0;
	s0 =	rddreg [dreg:$0x3]  }
0x8e: {  	s0 =	sadd.s32 @!p0 $0x100000, s0  }
0x8f: {  	[sflag:s0] =	ssyncadd.tile.s32 @!p0 $0x1;
	_ =	shalt  }
.Lfunc_end2:
_tile_overlayer_lowered:
.L_overlay_start_2:
0x90: {  	(tag) =	ssettag $0x2  }
0x91: {  	s0 =	rddreg [dreg:$0x0];
	s2 =	stileid.u32  }
0x92: {  	s1 =	rddreg [dreg:$0x1];
	p0 =	sne.s32 s2, $0x0  }
0x93: {  	s3 =	rddreg [dreg:$0x2];
	[bflag:$0x3] =	sbarrier.arrive $0xFFFF;
	s2 =	simm.s32 @!p0 $0x1C02  }
0x94: {  	[timem:s3], [sflag:s2] =	dma.local @!p0 [hbm:s0], s1  }
0x95: {  	s0 =	simm.s32 @!p0 $0x2  }
0x96: {  	_ =	swait.ge @!p0 [sflag:s0], s1  }
0x97: {  	s1 =	ssub.s32 @!p0 $0x0, s1;
	[sflag:s0] =	ssyncset.done @!p0 $0x0  }
0x98: {  	[sflag:s0] =	ssyncadd.s32 @!p0 s1  }
0x99: {  	[bflag:$0x3] =	sbarrier.arrive $0xFFFF  }
0x9a: {  	_ =	shalt  }

// kernel: kernel.13.cloned.1.call-start
scs
__scs_entry_jumppad:
0x0: {  	(pc) =	sbr.rel $0x88, $3  }
0x1: {  	(tag) =	ssettag $0x0;
	lr =	simm.s32 $0x1  }
0x2: {  	[smem:$0x3F98] =	sst lr;
	_ =	strace $0xD0000000  }
0x3: {  	_ = 	snop  }
0x4: {  	_ = 	snop  }
0x5: {  	_ = 	snop  }
0x6: {  	_ = 	snop  }
0x7: {  	_ = 	snop  }
__scs_overlays_trampoline_lowered:
0x8: {  	[smem:$0x3FA7] =	sst s0  }
0x9: {  	[smem:$0x3FA8] =	sst s1  }
0xa: {  	[smem:$0x3FA9] =	sst s2  }
0xb: {  	[smem:$0x3FAA] =	sst s3  }
0xc: {  	[smem:$0x3FAB] =	sst s4  }
0xd: {  	[smem:$0x3FAC] =	sst s5  }
0xe: {  	[smem:$0x3FAD] =	sst s6  }
0xf: {  	[smem:$0x3FAE] =	sst s7  }
0x10: {  	[smem:$0x3FAF] =	sst s8  }
0x11: {  	[smem:$0x3FB0] =	sst s9;
	s0 =	simm.s32 @!p0 $0x0  }
0x12: {  	s1 =	sld [smem:$0x3F96];
	s0 =	simm.s32 @p0 $0x1  }
0x13: {  	[smem:$0x3FB1] =	sst s0;
	s0 =	simm.s32 @!p1 $0x0  }
0x14: {  	s2 =	sld [smem:$0x3F95];
	s0 =	simm.s32 @p1 $0x1  }
0x15: {  	[smem:$0x3FB2] =	sst s0;
	s0 =	simm.s32 @!p2 $0x0  }
0x16: {  	s3 =	sld [smem:$0x3FDB];
	s0 =	simm.s32 @p2 $0x1  }
0x17: {  	s4 =	simm.s32 $0x1BF5;
	[smem:$0x3FB4] =	sst s0  }
0x18: {  	s0 =	sld [smem:$0x3F97];
	_ =	swait.ge [sflag:s4], $0x0  }
0x19: {  	s7 =	sld [smem:$0x3F98]  }
0x1a: {  	s8 =	sadd.s32 $0xFFFFE003, lr  }
0x1b: {  	s9 =	sadd.s32 $0xFFFFFEF7, lr;
	s5 =	simm.s32 $0xFFFFFFFF;
	p2 =	slt.u32 s8, $0xFFFFF086  }
0x1c: {  	p1 =	slt.u32 s9, $0xF7A;
	s5 =	simm.s32 @!p2 $0x0  }
0x1d: {  	s5 =	simm.s32 @p1 $0x1;
	p0 =	seq.s32 s7, s2  }
0x1e: {  	s7 =	smul.u32 @!p0 $0xF7A, s2;
	p2 =	seq.s32 @!p0 s5, $0x0  }
0x1f: {  	s9 =	smul.u32 $0xF7A, s1;
	s8 =	simm.s32 @!p0 $0x1BF5;
	p2 =	por !p2, p0  }
0x20: {  	[sflag:s8] =	ssyncset.s32 @!p0 $0xFFFFF086;
	s6 =	sadd.s32 @!p0 s3, s7;
	s7 =	simm.s32 @!p0 $0x108  }
0x21: {  	s3 =	sadd.s32 s3, s9;
	s6 =	sadd.s32 @!p0 $0x88, s6;
	s7 =	simm.s32 @p2 $0x1082  }
0x22: {  	[simem:s7], [sflag:s8] =	dma.local @!p0 [hbm:s6], $0xF7A  }
0x23: {  	s9 =	sor.u32 $0xD0000000, s2;
	s6 =	simm.s32 $0x108;
	_ =	swait.ge @!p0 [sflag:s8], $0x0  }
0x24: {  	s3 =	sadd.s32 $0x88, s3;
	s6 =	simm.s32 @!p1 $0x1082;
	[sflag:s4] =	ssyncset.s32 $0xFFFFF086  }
0x25: {  	[simem:s6], [sflag:s4] =	dma.local [hbm:s3], $0xF7A  }
0x26: {  	[smem:$0x3F98] =	sst s1;
	(tag) =	ssettag s2;
	_ =	strace s9  }
0x27: {  	s1 =	sld [smem:$0x3FA8]  }
0x28: {  	s2 =	sld [smem:$0x3FA9]  }
0x29: {  	s4 =	sld [smem:$0x3FAB]  }
0x2a: {  	p0 =	seq.s32 s5, $0x0;
	s5 =	sld [smem:$0x3FAC]  }
0x2b: {  	s6 =	sld [smem:$0x3FAD]  }
0x2c: {  	s7 =	sld [smem:$0x3FAE]  }
0x2d: {  	s3 =	simm.s32 $0x108;
	s8 =	sld [smem:$0x3FAF]  }
0x2e: {  	s3 =	simm.s32 @!p0 $0x1082;
	s9 =	sld [smem:$0x3FB0]  }
0x2f: {  	lr =	sadd.s32 s0, s3;
	s0 =	sld [smem:$0x3FA7]  }
0x30: {  	s3 =	sld [smem:$0x3FAA]  }
0x31: {  	[smem:$0x3FB3] =	sst s10  }
0x32: {  	s10 =	sld [smem:$0x3FB1];
	_ =	sdelay $0x3  }
0x33: {  	p0 =	seq.s32 s10, $0x1;
	s10 =	sld [smem:$0x3FB3];
	_ =	sdelay $0x3  }
0x34: {  	[smem:$0x3FB3] =	sst s10  }
0x35: {  	s10 =	sld [smem:$0x3FB2];
	_ =	sdelay $0x3  }
0x36: {  	p1 =	seq.s32 s10, $0x1;
	s10 =	sld [smem:$0x3FB3];
	_ =	sdelay $0x3  }
0x37: {  	[smem:$0x3FB3] =	sst s10  }
0x38: {  	s10 =	sld [smem:$0x3FB4]  }
0x39: {  	_ = 	snop;
	(pc) =	sbr.ind lr, $3  }
0x3a: {  	_ = 	snop  }
0x3b: {  	_ = 	snop  }
0x3c: {  	p2 =	seq.s32 s10, $0x1;
	s10 =	sld [smem:$0x3FB3]  }
0x3d: {  	_ =	shalt  }
0x3e: {  	_ =	shalt  }
0x3f: {  	_ =	shalt  }
0x40: {  	_ =	shalt  }
0x41: {  	_ =	shalt  }
0x42: {  	_ =	shalt  }
0x43: {  	_ =	shalt  }
0x44: {  	_ =	shalt  }
0x45: {  	_ =	shalt  }
0x46: {  	_ =	shalt  }
0x47: {  	_ =	shalt  }
0x48: {  	_ =	shalt  }
0x49: {  	_ =	shalt  }
0x4a: {  	_ =	shalt  }
0x4b: {  	_ =	shalt  }
0x4c: {  	_ =	shalt  }
0x4d: {  	_ =	shalt  }
0x4e: {  	_ =	shalt  }
0x4f: {  	_ =	shalt  }
0x50: {  	_ =	shalt  }
0x51: {  	_ =	shalt  }
0x52: {  	_ =	shalt  }
0x53: {  	_ =	shalt  }
0x54: {  	_ =	shalt  }
0x55: {  	_ =	shalt  }
0x56: {  	_ =	shalt  }
0x57: {  	_ =	shalt  }
0x58: {  	_ =	shalt  }
0x59: {  	_ =	shalt  }
0x5a: {  	_ =	shalt  }
0x5b: {  	_ =	shalt  }
0x5c: {  	_ =	shalt  }
0x5d: {  	_ =	shalt  }
0x5e: {  	_ =	shalt  }
0x5f: {  	_ =	shalt  }
0x60: {  	_ =	shalt  }
0x61: {  	_ =	shalt  }
0x62: {  	_ =	shalt  }
0x63: {  	_ =	shalt  }
0x64: {  	_ =	shalt  }
0x65: {  	_ =	shalt  }
0x66: {  	_ =	shalt  }
0x67: {  	_ =	shalt  }
0x68: {  	_ =	shalt  }
0x69: {  	_ =	shalt  }
0x6a: {  	_ =	shalt  }
0x6b: {  	_ =	shalt  }
0x6c: {  	_ =	shalt  }
0x6d: {  	_ =	shalt  }
0x6e: {  	_ =	shalt  }
0x6f: {  	_ =	shalt  }
0x70: {  	_ =	shalt  }
0x71: {  	_ =	shalt  }
0x72: {  	_ =	shalt  }
0x73: {  	_ =	shalt  }
0x74: {  	_ =	shalt  }
0x75: {  	_ =	shalt  }
0x76: {  	_ =	shalt  }
0x77: {  	_ =	shalt  }
0x78: {  	_ =	shalt  }
0x79: {  	_ =	shalt  }
0x7a: {  	_ =	shalt  }
0x7b: {  	_ =	shalt  }
0x7c: {  	_ =	shalt  }
0x7d: {  	_ =	shalt  }
0x7e: {  	_ =	shalt  }
0x7f: {  	_ =	shalt  }
0x80: {  	_ =	shalt  }
0x81: {  	_ =	shalt  }
0x82: {  	_ =	shalt  }
0x83: {  	_ =	shalt  }
0x84: {  	_ =	shalt  }
0x85: {  	_ =	shalt  }
0x86: {  	_ =	shalt  }
0x87: {  	_ =	shalt  }
.Lfunc_end0:
.L_simem_size_0:
called_computation.1_lowered:
.L_overlay_start_0:
0x88: {  	s2 =	sld [smem:$0x3FD9]  }
0x89: {  	s3 =	sld [smem:$0x3FFE];
	_ =	sdelay $0x1  }
0x8a: {  	s1 =	srdreg.scid  }
0x8b: {  	s0 =	sand.u32 $0x1, s1  }
0x8c: {  	s16 =	sshll.u32 s0, $0xA;
	s2 =	sadd.s32 s3, s2  }
0x8d: {  	s2 =	sadd.s32 s2, s16  }
0x8e: {  	[smem:$0x3FBF] =	sst s2  }
0x8f: {  	_ = 	snop  }
0x90: {  	(tm) =	ssettm $0x1  }
0x91: {  	s17 =	sld [smem:$0x3FFB];
	_ =	sdelay $0x3  }
0x92: {  	_ =	strace s17  }
0x93: {  	s2 =	sld [smem:$0x3FFC];
	_ =	sdelay $0x3  }
0x94: {  	_ =	strace s2  }
0x95: {  	s2 =	sld [smem:$0x3FFD];
	_ =	sdelay $0x3  }
0x96: {  	_ =	strace s2  }
0x97: {  	_ =	strace $0x8FFFFFFF  }
0x98: {  	s18 =	sld [smem:$0x3FDB];
	_ =	sdelay $0x1  }
0x99: {  	s19 =	simm.s32 $_scs_section_size  }
0x9a: {  	s4 =	simm.s32 $_size__tile_overlayer_lowered;
	s5 =	simm.s32 $_tile_overlayer_lowered  }
0x9b: {  	s22 =	simm.s32 $0x1BFF;
	s21 =	sshll.u32 s5, $0x1;
	s2 =	sadd.s32 s19, s18  }
0x9c: {  	s6 =	simm.s32 $0x0;
	s20 =	sshll.u32 s4, $0x1;
	s4 =	sadd.s32 s21, s2  }
0x9d: {  	[timem:s6], [sflag:s22] =	dma.local [hbm:s4], s20  }
0x9e: {  	_ =	swait.ge [sflag:s22], s20  }
0x9f: {  	s3 =	ssub.s32 $0x0, s20;
	[sflag:s22] =	ssyncset.done $0x0  }
0xa0: {  	[sflag:s22] =	ssyncadd.s32 s3;
	_ =	sdelay $0x1  }
0xa1: {  	s23 =	simm.s32 $0x1B8B  }
0xa2: {  	_ =	swait.ge [sflag:s23], $0x1  }
0xa3: {  	[sflag:s23] =	ssyncset.done $0x0  }
0xa4: {  	s25 =	simm.s32 $0x1B8E;
	s24 =	sld [smem:$0x3FFE];
	[sflag:s23] =	ssyncadd.s32 $0xFFFFFFFF  }
0xa5: {  	s26 =	simm.s32 $execute0_lowered;
	[smem:$0x3FD2] =	sst s25  }
0xa6: {  	s4 =	sshll.u32 s26, $0x1;
	_ =	strace $0x80000049;
	[dreg:$0x1] =	wrdreg $0xFFFFFFFF  }
0xa7: {  	s28 =	simm.s32 $_size_execute0_lowered;
	s2 =	sadd.s32 s2, s4;
	[dreg:$0x0] =	wrdreg $0x0  }
0xa8: {  	s4 =	sshll.u32 s28, $0x1;
	[dreg:$0x2] =	wrdreg s2  }
0xa9: {  	[dreg:$0x3] =	wrdreg s4  }
0xaa: {  	[dreg:$0x4] =	wrdreg $0xC0  }
0xab: {  	_ =	task [dreg:s6], $0x5FFFF  }
0xac: {  	[dreg:$0x1] =	wrdreg $0xFFFFFFFF  }
0xad: {  	[dreg:$0x0] =	wrdreg $0x60  }
0xae: {  	[dreg:$0x2] =	wrdreg s24  }
0xaf: {  	[dreg:$0x3] =	wrdreg $0x9  }
0xb0: {  	_ =	task.clear_ibuf [dreg:s6], $0x4FFFF;
	_ =	strace $0x90000049  }
0xb1: {  	s29 =	simm.s32 $0x9;
	_ =	strace $0x8000004B  }
0xb2: {  	_ =	swait.ge [sflag:s29], $0x1  }
0xb3: {  	[sflag:s29] =	ssyncadd.s32 $0xFFFFFFFF  }
0xb4: {  	_ =	strace $0x9000004B  }
0xb5: {  	_ =	sfence  }
0xb6: {  	s30 =	sld [smem:$0x0];
	_ =	sdelay $0x2  }
0xb7: {  	s31 =	sshll.u32 s1, $0xD;
	s1 =	sshrl.u32 s1, $0x2  }
0xb8: {  	s3 =	sand.u32 $0x4000, s31;
	s1 =	sadd.s32 s1, s30  }
0xb9: {  	s0 =	sor.u32 s3, s0;
	s1 =	sshll.u32 s1, $0x11  }
0xba: {  	s0 =	sor.u32 s1, s0  }
0xbb: {  	s0 =	sadd.s32 $0x8F2B, s0  }
0xbc: {  	[sflag:s0] =	ssyncadd.remote.s32 $0x1  }
0xbd: {  	_ =	sfence.sel $0xFFFF  }
0xbe: {  	[dreg:$0x0] =	wrdreg $0xFFFFFFFF;
	(pc) =	sbr.abs _section_cstart, $3  }
0xbf: {  	[dreg:$0x1] =	wrdreg $0xFFFFFFFF  }
0xc0: {  	_ =	task.clear_ibuf [dreg:s6], $0x2FFFF;
	_ =	strace $0x9FFFFFFF  }
0xc1: {  	(tm) =	ssettm $0x7FFFFFFF  }
tec
execute0_lowered:
.L_overlay_start_1:
0x0: {  	(tag) =	ssettag $0x1  }
0x1: {  	s7 =	rddreg [dreg:$0x0]  }
0x2: {  	s0 =	rddreg [dreg:$0x1];
	s1 =	simm.s32 $0x0;
	s3 =	srdreg.scid  }
0x3: {  	s12 =	simm.s32 $0x80;
	s13 =	simm.s32 $0x100;
	s14 =	simm.s32 $0x1  }
0x4: {  	s15 =	simm.s32 $0x900;
	s16 =	simm.s32 $0x0;
	[smem:$0x7FF] =	sst s1  }
0x5: {  	s2 =	sadd.s32 $0x7600, s7;
	s4 =	sadd.s32 $0x11400, s7;
	s5 =	sadd.s32 $0x2EE00, s7  }
0x6: {  	s6 =	sand.u32 $0x1, s3;
	s3 =	stileid.u32;
	_ =	strace $0x8000004A  }
0x7: {  	s8 =	ssub.s32 $0x2, s6;
	s9 =	sshll.u32 s6, $0x4;
	s6 =	sadd.s32 $0x1B200, s7  }
0x8: {  	s7 =	sadd.s32 $0x33E00, s7;
	s10 =	sshrl.u32 s8, $0x1;
	s9 =	sor.u32 s3, s9  }
0x9: {  	s10 =	ssub.s32 s8, s10;
	s11 =	ssub.s32 $0x9E3, s9;
	s8 =	sshll.u32 s9, $0x7  }
0xa: {  	s9 =	sshrl.u32 s11, $0x5;
	s10 =	smax.u32 s10, $0x1;
	s11 =	simm.s32 $0x2  }
.LBB2_1:
0xb: {  	s17 =	simm.s32 $0x0  }
.LBB2_2:
0xc: {  	s18 =	sshll.u32 s17, $0xC  }
0xd: {  	s18 =	sor.u32 s8, s18  }
0xe: {  	s19 =	sshrl.u32 s18, $0x3  }
0xf: {  	s21 =	simm.s32 $0x0;
	s20 =	sadd.s32 s2, s19  }
0x10: {  	[tilespmem:s21], [sflag:$0x2] =	stream.linear.gather [hbm4b:s20+s21], $0x80, $0x38;
	[tilespmem:$0x1100] =	vst v63  }
0x11: {  	_ =	swait.ge [sflag:s11], $0x80  }
0x12: {  	[sflag:s11] =	ssyncset.done $0x0  }
0x13: {  	s19 =	sadd.s32 s4, s19;
	[sflag:s11] =	ssyncadd.s32 $0xFFFFFF80  }
0x14: {  	[tilespmem:s12], [sflag:$0x2] =	stream.linear.gather [hbm4b:s19+s21], $0x80, $0x38;
	[tilespmem:$0x1100] =	vst v63  }
0x15: {  	_ =	swait.ge [sflag:s11], $0x80  }
0x16: {  	[sflag:s11] =	ssyncset.done $0x0  }
0x17: {  	[sflag:s11] =	ssyncadd.s32 $0xFFFFFF80  }
0x18: {  	[tilespmem:s13], [sflag:$0x1] =	stream.indirect.gather [hbm4b:s5+s12], $0x10, s21, s12, $0xb8;
	[tilespmem:$0x1100] =	vst v63  }
0x19: {  	_ =	swait.ge [sflag:s14], $0x800  }
0x1a: {  	[sflag:s14] =	ssyncset.done $0x0  }
0x1b: {  	[sflag:s14] =	ssyncadd.s32 $0xFFFFF800  }
0x1c: {  	[tilespmem:s15], [sflag:$0x1] =	stream.indirect.gather [hbm4b:s6+s12], $0x10, s12, s12, $0xb8;
	[tilespmem:$0x1100] =	vst v63  }
0x1d: {  	_ =	swait.ge [sflag:s14], $0x800  }
0x1e: {  	[sflag:s14] =	ssyncset.done $0x0  }
0x1f: {  	s19 =	simm.s32 $0x0;
	[sflag:s14] =	ssyncadd.s32 $0xFFFFF800  }
0x20: {  	s20 =	simm.s32 $0x40;
	v0 =	vld [tilespmem:s19+$0x900]  }
.LBB2_3:
0x21: {  	p0 =	sne.s32 s20, $0x1FC0;
	v1 =	vld [tilespmem:s19+$0x100];
	_ =	sdelay $0x4  }
0x22: {  	v0 =	vadd.f32 v0, v1;
	_ =	sdelay $0x1  }
0x23: {  	v0 =	vmax.f32 v0, $-1.500000000e+01  }
0x24: {  	v0 =	vmin.f32 v0, $1.500000000e+01  }
0x25: {  	v0 =	vadd.f32 v0, v0;
	_ =	sdelay $0x1  }
0x26: {  	v0 =	vmul.f32 $1.442695020e+00, v0;
	_ =	sdelay $0x1  }
0x27: {  	(erf) = vpow2.f32 v0;
	_ =	sdelay $0x8  }
0x28: {  	v0 =	vpop (erf)  }
0x29: {  	v1 =	vadd.f32 $1.000000000e+00, v0;
	_ =	sdelay $0x1  }
0x2a: {  	(erf) = vrcp.f32 v1;
	_ =	sdelay $0x7  }
.Ltmp0:
0x2b: {  	v0 =	vadd.f32 $-1.000000000e+00, v0;
	(pc) =	sbr.rel @p0 .LBB2_3-.Ltmp0, $4  }
0x2c: {  	v1 =	vpop (erf)  }
0x2d: {  	v1 =	vmul.f32 v1, v0  }
0x2e: {  	s21 =	sshra.s32 s20, $0x2  }
0x2f: {  	s20 =	sadd.s32 $0x40, s20;
	v0 =	vld [tilespmem:s21+$0x900];
	[tilespmem:s19+$0x100] =	vst v1;
	s19 =	smov.u32 s21  }
0x30: {  	v1 =	vld [tilespmem:s19+$0x100];
	_ =	sdelay $0x4  }
0x31: {  	v0 =	vadd.f32 v0, v1;
	_ =	sdelay $0x1  }
0x32: {  	v0 =	vmax.f32 v0, $-1.500000000e+01  }
0x33: {  	v0 =	vmin.f32 v0, $1.500000000e+01  }
0x34: {  	v0 =	vadd.f32 v0, v0;
	_ =	sdelay $0x1  }
0x35: {  	v0 =	vmul.f32 $1.442695020e+00, v0;
	_ =	sdelay $0x1  }
0x36: {  	(erf) = vpow2.f32 v0;
	_ =	sdelay $0x8  }
0x37: {  	v0 =	vpop (erf)  }
0x38: {  	v63 =	vadd.f32 $1.000000000e+00, v0;
	_ =	sdelay $0x1  }
0x39: {  	(erf) = vrcp.f32 v63;
	_ =	sdelay $0x7  }
0x3a: {  	v0 =	vadd.f32 $-1.000000000e+00, v0  }
0x3b: {  	v1 =	vpop (erf)  }
0x3c: {  	s18 =	sshll.u32 s18, $0x1;
	s17 =	sadd.s32 $0x1, s17;
	v0 =	vmul.f32 v1, v0  }
0x3d: {  	s18 =	sand.u32 $0x1FFFFF00, s18;
	p0 =	sne.s32 s17, s9  }
.Ltmp1:
0x3e: {  	s18 =	sadd.s32 s7, s18;
	[tilespmem:s19+$0x100] =	vst v0;
	(pc) =	sbr.rel @p0 .LBB2_2-.Ltmp1, $4  }
0x3f: {  	[hbm4b:s18+s1] =	stream.linear.scatter [tilespmem:s13], [sflag:$0x2], $0x800, $0x38;
	[tilespmem:$0x1100] =	vst v63  }
0x40: {  	_ =	swait.ge [sflag:s11], $0x800  }
0x41: {  	[sflag:s11] =	ssyncset.done $0x0  }
0x42: {  	[sflag:s11] =	ssyncadd.s32 $0xFFFFF800  }
0x43: {  	s16 =	sadd.s32 $0x1, s16  }
0x44: {  	p0 =	sne.s32 s16, s10  }
.Ltmp2:
0x45: {  	_ = 	snop;
	(pc) =	sbr.rel @p0 .LBB2_1-.Ltmp2, $1  }
0x46: {  	_ =	sdelay $0x3  }
0x47: {  	_ =	sfence.sel $0x180000  }
0x48: {  	[bflag:$0x0] =	sbarrier.arrive $0xFFFF  }
0x49: {  	p0 =	sne.s32 s3, $0x0;
	_ =	strace $0x9000004A  }
0x4a: {  	s0 =	sadd.s32 @!p0 $0x100000, s0;
	[bflag:$0x2] =	sbarrier.arrive $0xFFFF  }
0x4b: {  	[sflag:s0] =	ssyncadd.tile.s32 @!p0 $0x1;
	_ =	shalt  }
.Lfunc_end2:
_tile_overlayer_lowered:
.L_overlay_start_2:
0x4c: {  	(tag) =	ssettag $0x2  }
0x4d: {  	s0 =	rddreg [dreg:$0x0];
	s2 =	stileid.u32  }
0x4e: {  	s1 =	rddreg [dreg:$0x1];
	p0 =	sne.s32 s2, $0x0  }
0x4f: {  	s3 =	rddreg [dreg:$0x2];
	[bflag:$0x3] =	sbarrier.arrive $0xFFFF;
	s2 =	simm.s32 @!p0 $0x1C02  }
0x50: {  	[timem:s3], [sflag:s2] =	dma.local @!p0 [hbm:s0], s1  }
0x51: {  	s0 =	simm.s32 @!p0 $0x2  }
0x52: {  	_ =	swait.ge @!p0 [sflag:s0], s1  }
0x53: {  	s1 =	ssub.s32 @!p0 $0x0, s1;
	[sflag:s0] =	ssyncset.done @!p0 $0x0  }
0x54: {  	[sflag:s0] =	ssyncadd.s32 @!p0 s1  }
0x55: {  	[bflag:$0x3] =	sbarrier.arrive $0xFFFF  }
0x56: {  	_ =	shalt  }

// kernel: kernel.16.cloned.1.call-start
scs
__scs_entry_jumppad:
0x0: {  	(pc) =	sbr.rel $0x88, $3  }
0x1: {  	(tag) =	ssettag $0x0;
	lr =	simm.s32 $0x1  }
0x2: {  	[smem:$0x3F98] =	sst lr;
	_ =	strace $0xD0000000  }
0x3: {  	_ = 	snop  }
0x4: {  	_ = 	snop  }
0x5: {  	_ = 	snop  }
0x6: {  	_ = 	snop  }
0x7: {  	_ = 	snop  }
__scs_overlays_trampoline_lowered:
0x8: {  	[smem:$0x3FA7] =	sst s0  }
0x9: {  	[smem:$0x3FA8] =	sst s1  }
0xa: {  	[smem:$0x3FA9] =	sst s2  }
0xb: {  	[smem:$0x3FAA] =	sst s3  }
0xc: {  	[smem:$0x3FAB] =	sst s4  }
0xd: {  	[smem:$0x3FAC] =	sst s5  }
0xe: {  	[smem:$0x3FAD] =	sst s6  }
0xf: {  	[smem:$0x3FAE] =	sst s7  }
0x10: {  	[smem:$0x3FAF] =	sst s8  }
0x11: {  	[smem:$0x3FB0] =	sst s9;
	s0 =	simm.s32 @!p0 $0x0  }
0x12: {  	s1 =	sld [smem:$0x3F96];
	s0 =	simm.s32 @p0 $0x1  }
0x13: {  	[smem:$0x3FB1] =	sst s0;
	s0 =	simm.s32 @!p1 $0x0  }
0x14: {  	s2 =	sld [smem:$0x3F95];
	s0 =	simm.s32 @p1 $0x1  }
0x15: {  	[smem:$0x3FB2] =	sst s0;
	s0 =	simm.s32 @!p2 $0x0  }
0x16: {  	s3 =	sld [smem:$0x3FDB];
	s0 =	simm.s32 @p2 $0x1  }
0x17: {  	s4 =	simm.s32 $0x1BF5;
	[smem:$0x3FB4] =	sst s0  }
0x18: {  	s0 =	sld [smem:$0x3F97];
	_ =	swait.ge [sflag:s4], $0x0  }
0x19: {  	s7 =	sld [smem:$0x3F98]  }
0x1a: {  	s8 =	sadd.s32 $0xFFFFE003, lr  }
0x1b: {  	s9 =	sadd.s32 $0xFFFFFEF7, lr;
	s5 =	simm.s32 $0xFFFFFFFF;
	p2 =	slt.u32 s8, $0xFFFFF086  }
0x1c: {  	p1 =	slt.u32 s9, $0xF7A;
	s5 =	simm.s32 @!p2 $0x0  }
0x1d: {  	s5 =	simm.s32 @p1 $0x1;
	p0 =	seq.s32 s7, s2  }
0x1e: {  	s7 =	smul.u32 @!p0 $0xF7A, s2;
	p2 =	seq.s32 @!p0 s5, $0x0  }
0x1f: {  	s9 =	smul.u32 $0xF7A, s1;
	s8 =	simm.s32 @!p0 $0x1BF5;
	p2 =	por !p2, p0  }
0x20: {  	[sflag:s8] =	ssyncset.s32 @!p0 $0xFFFFF086;
	s6 =	sadd.s32 @!p0 s3, s7;
	s7 =	simm.s32 @!p0 $0x108  }
0x21: {  	s3 =	sadd.s32 s3, s9;
	s6 =	sadd.s32 @!p0 $0x88, s6;
	s7 =	simm.s32 @p2 $0x1082  }
0x22: {  	[simem:s7], [sflag:s8] =	dma.local @!p0 [hbm:s6], $0xF7A  }
0x23: {  	s9 =	sor.u32 $0xD0000000, s2;
	s6 =	simm.s32 $0x108;
	_ =	swait.ge @!p0 [sflag:s8], $0x0  }
0x24: {  	s3 =	sadd.s32 $0x88, s3;
	s6 =	simm.s32 @!p1 $0x1082;
	[sflag:s4] =	ssyncset.s32 $0xFFFFF086  }
0x25: {  	[simem:s6], [sflag:s4] =	dma.local [hbm:s3], $0xF7A  }
0x26: {  	[smem:$0x3F98] =	sst s1;
	(tag) =	ssettag s2;
	_ =	strace s9  }
0x27: {  	s1 =	sld [smem:$0x3FA8]  }
0x28: {  	s2 =	sld [smem:$0x3FA9]  }
0x29: {  	s4 =	sld [smem:$0x3FAB]  }
0x2a: {  	p0 =	seq.s32 s5, $0x0;
	s5 =	sld [smem:$0x3FAC]  }
0x2b: {  	s6 =	sld [smem:$0x3FAD]  }
0x2c: {  	s7 =	sld [smem:$0x3FAE]  }
0x2d: {  	s3 =	simm.s32 $0x108;
	s8 =	sld [smem:$0x3FAF]  }
0x2e: {  	s3 =	simm.s32 @!p0 $0x1082;
	s9 =	sld [smem:$0x3FB0]  }
0x2f: {  	lr =	sadd.s32 s0, s3;
	s0 =	sld [smem:$0x3FA7]  }
0x30: {  	s3 =	sld [smem:$0x3FAA]  }
0x31: {  	[smem:$0x3FB3] =	sst s10  }
0x32: {  	s10 =	sld [smem:$0x3FB1];
	_ =	sdelay $0x3  }
0x33: {  	p0 =	seq.s32 s10, $0x1;
	s10 =	sld [smem:$0x3FB3];
	_ =	sdelay $0x3  }
0x34: {  	[smem:$0x3FB3] =	sst s10  }
0x35: {  	s10 =	sld [smem:$0x3FB2];
	_ =	sdelay $0x3  }
0x36: {  	p1 =	seq.s32 s10, $0x1;
	s10 =	sld [smem:$0x3FB3];
	_ =	sdelay $0x3  }
0x37: {  	[smem:$0x3FB3] =	sst s10  }
0x38: {  	s10 =	sld [smem:$0x3FB4]  }
0x39: {  	_ = 	snop;
	(pc) =	sbr.ind lr, $3  }
0x3a: {  	_ = 	snop  }
0x3b: {  	_ = 	snop  }
0x3c: {  	p2 =	seq.s32 s10, $0x1;
	s10 =	sld [smem:$0x3FB3]  }
0x3d: {  	_ =	shalt  }
0x3e: {  	_ =	shalt  }
0x3f: {  	_ =	shalt  }
0x40: {  	_ =	shalt  }
0x41: {  	_ =	shalt  }
0x42: {  	_ =	shalt  }
0x43: {  	_ =	shalt  }
0x44: {  	_ =	shalt  }
0x45: {  	_ =	shalt  }
0x46: {  	_ =	shalt  }
0x47: {  	_ =	shalt  }
0x48: {  	_ =	shalt  }
0x49: {  	_ =	shalt  }
0x4a: {  	_ =	shalt  }
0x4b: {  	_ =	shalt  }
0x4c: {  	_ =	shalt  }
0x4d: {  	_ =	shalt  }
0x4e: {  	_ =	shalt  }
0x4f: {  	_ =	shalt  }
0x50: {  	_ =	shalt  }
0x51: {  	_ =	shalt  }
0x52: {  	_ =	shalt  }
0x53: {  	_ =	shalt  }
0x54: {  	_ =	shalt  }
0x55: {  	_ =	shalt  }
0x56: {  	_ =	shalt  }
0x57: {  	_ =	shalt  }
0x58: {  	_ =	shalt  }
0x59: {  	_ =	shalt  }
0x5a: {  	_ =	shalt  }
0x5b: {  	_ =	shalt  }
0x5c: {  	_ =	shalt  }
0x5d: {  	_ =	shalt  }
0x5e: {  	_ =	shalt  }
0x5f: {  	_ =	shalt  }
0x60: {  	_ =	shalt  }
0x61: {  	_ =	shalt  }
0x62: {  	_ =	shalt  }
0x63: {  	_ =	shalt  }
0x64: {  	_ =	shalt  }
0x65: {  	_ =	shalt  }
0x66: {  	_ =	shalt  }
0x67: {  	_ =	shalt  }
0x68: {  	_ =	shalt  }
0x69: {  	_ =	shalt  }
0x6a: {  	_ =	shalt  }
0x6b: {  	_ =	shalt  }
0x6c: {  	_ =	shalt  }
0x6d: {  	_ =	shalt  }
0x6e: {  	_ =	shalt  }
0x6f: {  	_ =	shalt  }
0x70: {  	_ =	shalt  }
0x71: {  	_ =	shalt  }
0x72: {  	_ =	shalt  }
0x73: {  	_ =	shalt  }
0x74: {  	_ =	shalt  }
0x75: {  	_ =	shalt  }
0x76: {  	_ =	shalt  }
0x77: {  	_ =	shalt  }
0x78: {  	_ =	shalt  }
0x79: {  	_ =	shalt  }
0x7a: {  	_ =	shalt  }
0x7b: {  	_ =	shalt  }
0x7c: {  	_ =	shalt  }
0x7d: {  	_ =	shalt  }
0x7e: {  	_ =	shalt  }
0x7f: {  	_ =	shalt  }
0x80: {  	_ =	shalt  }
0x81: {  	_ =	shalt  }
0x82: {  	_ =	shalt  }
0x83: {  	_ =	shalt  }
0x84: {  	_ =	shalt  }
0x85: {  	_ =	shalt  }
0x86: {  	_ =	shalt  }
0x87: {  	_ =	shalt  }
.Lfunc_end0:
.L_simem_size_0:
called_computation.2_lowered:
.L_overlay_start_0:
0x88: {  	s2 =	sld [smem:$0x3FD9]  }
0x89: {  	s3 =	sld [smem:$0x3FFE];
	_ =	sdelay $0x1  }
0x8a: {  	s1 =	srdreg.scid  }
0x8b: {  	s0 =	sand.u32 $0x1, s1  }
0x8c: {  	s17 =	sshll.u32 s0, $0xA;
	s2 =	sadd.s32 s3, s2  }
0x8d: {  	s2 =	sadd.s32 s2, s17  }
0x8e: {  	[smem:$0x3FBF] =	sst s2  }
0x8f: {  	_ = 	snop  }
0x90: {  	s2 =	sld [smem:$0x3FD0];
	(tm) =	ssettm $0x1  }
0x91: {  	s18 =	sld [smem:$0x3FFB];
	_ =	sdelay $0x3  }
0x92: {  	_ =	strace s18  }
0x93: {  	s3 =	sld [smem:$0x3FFC];
	_ =	sdelay $0x3  }
0x94: {  	_ =	strace s3  }
0x95: {  	s3 =	sld [smem:$0x3FFD];
	_ =	sdelay $0x3  }
0x96: {  	_ =	strace s3  }
0x97: {  	_ =	strace $0x8FFFFFFF  }
0x98: {  	s19 =	sld [smem:$0x3FDB];
	_ =	sdelay $0x1  }
0x99: {  	s4 =	simm.s32 $_scs_section_size  }
0x9a: {  	s5 =	simm.s32 $_size__tile_overlayer_lowered;
	s6 =	simm.s32 $_tile_overlayer_lowered  }
0x9b: {  	s22 =	simm.s32 $0x1BFF;
	s21 =	sshll.u32 s6, $0x1;
	s3 =	sadd.s32 s4, s19  }
0x9c: {  	s7 =	simm.s32 $0x0;
	s20 =	sshll.u32 s5, $0x1;
	s5 =	sadd.s32 s21, s3  }
0x9d: {  	[timem:s7], [sflag:s22] =	dma.local [hbm:s5], s20  }
0x9e: {  	_ =	swait.ge [sflag:s22], s20  }
0x9f: {  	s4 =	ssub.s32 $0x0, s20;
	[sflag:s22] =	ssyncset.done $0x0  }
0xa0: {  	[sflag:s22] =	ssyncadd.s32 s4;
	_ =	sdelay $0x1  }
0xa1: {  	s23 =	simm.s32 $0x1B8B  }
0xa2: {  	_ =	swait.ge [sflag:s23], $0x1  }
0xa3: {  	[sflag:s23] =	ssyncset.done $0x0  }
0xa4: {  	s25 =	simm.s32 $0x1B8E;
	s24 =	sld [smem:$0x3FFE];
	[sflag:s23] =	ssyncadd.s32 $0xFFFFFFFF  }
0xa5: {  	s26 =	simm.s32 $execute0_lowered;
	[smem:$0x3FD2] =	sst s25  }
0xa6: {  	s5 =	sshll.u32 s26, $0x1;
	_ =	strace $0x8000004C;
	[dreg:$0x1] =	wrdreg $0xFFFFFFFF  }
0xa7: {  	s28 =	simm.s32 $_size_execute0_lowered;
	s3 =	sadd.s32 s3, s5;
	[dreg:$0x0] =	wrdreg $0x0  }
0xa8: {  	s5 =	sshll.u32 s28, $0x1;
	[dreg:$0x2] =	wrdreg s3  }
0xa9: {  	[dreg:$0x3] =	wrdreg s5  }
0xaa: {  	[dreg:$0x4] =	wrdreg $0xC0  }
0xab: {  	_ =	task [dreg:s7], $0x5FFFF  }
0xac: {  	[dreg:$0x1] =	wrdreg $0xFFFFFFFF  }
0xad: {  	[dreg:$0x0] =	wrdreg $0x60  }
0xae: {  	[dreg:$0x2] =	wrdreg s24  }
0xaf: {  	[dreg:$0x3] =	wrdreg s2  }
0xb0: {  	[dreg:$0x4] =	wrdreg $0x49000  }
0xb1: {  	[dreg:$0x5] =	wrdreg $0x9  }
0xb2: {  	_ =	task.clear_ibuf [dreg:s7], $0x6FFFF;
	_ =	strace $0x9000004C  }
0xb3: {  	s29 =	simm.s32 $0x9;
	_ =	strace $0x8000004E  }
0xb4: {  	_ =	swait.ge [sflag:s29], $0x1  }
0xb5: {  	[sflag:s29] =	ssyncadd.s32 $0xFFFFFFFF  }
0xb6: {  	_ =	strace $0x9000004E  }
0xb7: {  	_ =	sfence  }
0xb8: {  	s30 =	sld [smem:$0x0];
	_ =	sdelay $0x2  }
0xb9: {  	s31 =	sshll.u32 s1, $0xD;
	s1 =	sshrl.u32 s1, $0x2  }
0xba: {  	s3 =	sand.u32 $0x4000, s31;
	s1 =	sadd.s32 s1, s30  }
0xbb: {  	s0 =	sor.u32 s3, s0;
	s1 =	sshll.u32 s1, $0x11  }
0xbc: {  	s0 =	sor.u32 s1, s0  }
0xbd: {  	s0 =	sadd.s32 $0x8F2B, s0  }
0xbe: {  	[sflag:s0] =	ssyncadd.remote.s32 $0x1  }
0xbf: {  	_ =	sfence.sel $0xFFFF  }
0xc0: {  	[dreg:$0x0] =	wrdreg $0xFFFFFFFF;
	(pc) =	sbr.abs _section_cstart, $3  }
0xc1: {  	[dreg:$0x1] =	wrdreg $0xFFFFFFFF  }
0xc2: {  	_ =	task.clear_ibuf [dreg:s7], $0x2FFFF;
	_ =	strace $0x9FFFFFFF  }
0xc3: {  	(tm) =	ssettm $0x7FFFFFFF  }
tec
execute0_lowered:
.L_overlay_start_1:
0x0: {  	(tag) =	ssettag $0x1  }
0x1: {  	s8 =	rddreg [dreg:$0x0]  }
0x2: {  	s2 =	rddreg [dreg:$0x1];
	s1 =	srdreg.scid  }
0x3: {  	s0 =	stileid.u32;
	s3 =	rddreg [dreg:$0x2]  }
0x4: {  	s4 =	simm.s32 $0x0;
	s17 =	simm.s32 $0x100;
	s18 =	simm.s32 $0x2  }
0x5: {  	s19 =	simm.s32 $0x80;
	s20 =	simm.s32 $0x1;
	s21 =	simm.s32 $0x4100  }
0x6: {  	s9 =	sand.u32 $0x1, s1;
	s10 =	smul.u32 $0x13C00, s0;
	s1 =	rddreg [dreg:$0x3]  }
0x7: {  	[smem:$0x7FF] =	sst s4;
	s5 =	sadd.s32 $0x7600, s8;
	s12 =	smul.u32 $0x4F000, s0  }
0x8: {  	s6 =	smul.u32 $0x13C000, s9;
	_ =	strace $0x8000004D;
	s30 =	ssub.s32 $0x2, s9  }
0x9: {  	s9 =	sshll.u32 s9, $0x4;
	s31 =	sshrl.u32 s30, $0x1;
	s12 =	sshrl.u32 s12, $0x2  }
0xa: {  	s13 =	sor.u32 s0, s9;
	s7 =	sadd.s32 s10, s6;
	s6 =	sadd.s32 $0x11400, s8  }
0xb: {  	s16 =	ssub.s32 s30, s31;
	s12 =	sadd.s32 s12, s3;
	s15 =	ssub.s32 $0x9E3, s13  }
0xc: {  	s13 =	sshll.u32 s13, $0x7;
	s11 =	sshrl.u32 s7, $0x3;
	s7 =	sadd.s32 $0x33E00, s8  }
0xd: {  	s9 =	sadd.s32 $0x4000, s12;
	s15 =	sshrl.u32 s15, $0x5;
	s16 =	smax.u32 s16, $0x1  }
0xe: {  	s14 =	sadd.s32 s11, s8;
	s8 =	sadd.s32 s10, s3;
	s10 =	sadd.s32 $0x8000, s12  }
0xf: {  	v0 =	vimm.f32 $0.0e+00;
	s11 =	sadd.s32 $0xC000, s12;
	s12 =	sadd.s32 $0x10000, s12;
	s14 =	sadd.s32 $0xD0200, s14  }
.LBB2_1:
0x10: {  	s22 =	simm.s32 $0x0;
	s23 =	simm.s32 $0x200  }
.LBB2_2:
0x11: {  	p0 =	sne.s32 s23, $0xFE00;
	[tilespmem:s22+$0x170] =	vst v0  }
0x12: {  	[tilespmem:s22+$0x100] =	vst v0  }
0x13: {  	[tilespmem:s22+$0x110] =	vst v0  }
.Ltmp0:
0x14: {  	[tilespmem:s22+$0x120] =	vst v0;
	(pc) =	sbr.rel @p0 .LBB2_2-.Ltmp0, $4  }
0x15: {  	[tilespmem:s22+$0x130] =	vst v0  }
0x16: {  	[tilespmem:s22+$0x140] =	vst v0  }
0x17: {  	[tilespmem:s22+$0x150] =	vst v0  }
0x18: {  	[tilespmem:s22+$0x160] =	vst v0;
	s22 =	sshra.s32 s23, $0x2;
	s23 =	sadd.s32 $0x200, s23  }
0x19: {  	[tilespmem:s22+$0x170] =	vst v0  }
0x1a: {  	[tilespmem:s22+$0x100] =	vst v0  }
0x1b: {  	[tilespmem:s22+$0x110] =	vst v0  }
0x1c: {  	[tilespmem:s22+$0x120] =	vst v0  }
0x1d: {  	[tilespmem:s22+$0x130] =	vst v0  }
0x1e: {  	[tilespmem:s22+$0x140] =	vst v0  }
0x1f: {  	[tilespmem:s22+$0x150] =	vst v0  }
0x20: {  	[tilespmem:s22+$0x160] =	vst v0  }
0x21: {  	[spmem:s8] =	stream.linear.scatter [tilespmem:s17], [sflag:$0x2], $0x4000, $0x38;
	[tilespmem:$0x18500] =	vst v63  }
0x22: {  	_ =	swait.ge [sflag:s18], $0x4000  }
0x23: {  	[sflag:s18] =	ssyncset.done $0x0  }
0x24: {  	[sflag:s18] =	ssyncadd.s32 $0xFFFFC000  }
0x25: {  	[spmem:s9] =	stream.linear.scatter [tilespmem:s17], [sflag:$0x2], $0x4000, $0x38;
	[tilespmem:$0x18500] =	vst v63  }
0x26: {  	_ =	swait.ge [sflag:s18], $0x4000  }
0x27: {  	[sflag:s18] =	ssyncset.done $0x0  }
0x28: {  	[sflag:s18] =	ssyncadd.s32 $0xFFFFC000  }
0x29: {  	[spmem:s10] =	stream.linear.scatter [tilespmem:s17], [sflag:$0x2], $0x4000, $0x38;
	[tilespmem:$0x18500] =	vst v63  }
0x2a: {  	_ =	swait.ge [sflag:s18], $0x4000  }
0x2b: {  	[sflag:s18] =	ssyncset.done $0x0  }
0x2c: {  	[sflag:s18] =	ssyncadd.s32 $0xFFFFC000  }
0x2d: {  	[spmem:s11] =	stream.linear.scatter [tilespmem:s17], [sflag:$0x2], $0x4000, $0x38;
	[tilespmem:$0x18500] =	vst v63  }
0x2e: {  	_ =	swait.ge [sflag:s18], $0x4000  }
0x2f: {  	[sflag:s18] =	ssyncset.done $0x0  }
0x30: {  	[sflag:s18] =	ssyncadd.s32 $0xFFFFC000  }
0x31: {  	[spmem:s12] =	stream.linear.scatter [tilespmem:s17], [sflag:$0x2], $0x3C00, $0x38;
	[tilespmem:$0x18500] =	vst v63  }
0x32: {  	_ =	swait.ge [sflag:s18], $0x3C00  }
0x33: {  	[sflag:s18] =	ssyncset.done $0x0  }
0x34: {  	[sflag:s18] =	ssyncadd.s32 $0xFFFFC400  }
0x35: {  	s22 =	simm.s32 $0x0;
	s23 =	simm.s32 $0x0;
	[bflag:$0x0] =	sbarrier.arrive $0xFFFF  }
.LBB2_4:
0x36: {  	s24 =	sshll.u32 s23, $0xC  }
0x37: {  	s24 =	sor.u32 s13, s24  }
0x38: {  	s25 =	sshrl.u32 s24, $0x3  }
0x39: {  	s26 =	sadd.s32 s5, s25  }
0x3a: {  	[tilespmem:s22], [sflag:$0x2] =	stream.linear.gather [hbm4b:s26+s22], $0x80, $0x38;
	[tilespmem:$0x18500] =	vst v63  }
0x3b: {  	_ =	swait.ge [sflag:s18], $0x80  }
0x3c: {  	[sflag:s18] =	ssyncset.done $0x0  }
0x3d: {  	s25 =	sadd.s32 s6, s25;
	[sflag:s18] =	ssyncadd.s32 $0xFFFFFF80  }
0x3e: {  	[tilespmem:s19], [sflag:$0x2] =	stream.linear.gather [hbm4b:s25+s22], $0x80, $0x38;
	[tilespmem:$0x18500] =	vst v63  }
0x3f: {  	_ =	swait.ge [sflag:s18], $0x80  }
0x40: {  	[sflag:s18] =	ssyncset.done $0x0  }
0x41: {  	[sflag:s18] =	ssyncadd.s32 $0xFFFFFF80  }
0x42: {  	[tilespmem:s17], [sflag:$0x1] =	stream.indirect.gather [hbm4b:s2+s19], $0x80, s22, s19, $0xb8;
	[tilespmem:$0x18500] =	vst v63  }
0x43: {  	s24 =	sshll.u32 s24, $0x1;
	_ =	swait.ge [sflag:s20], $0x4000  }
0x44: {  	s24 =	sand.u32 $0x1FFFFF00, s24;
	[sflag:s20] =	ssyncset.done $0x0  }
0x45: {  	s24 =	sadd.s32 s7, s24;
	[sflag:s20] =	ssyncadd.s32 $0xFFFFC000  }
0x46: {  	[tilespmem:s21], [sflag:$0x2] =	stream.linear.gather [hbm4b:s24+s22], $0x800, $0x38;
	[tilespmem:$0x18500] =	vst v63  }
0x47: {  	_ =	swait.ge [sflag:s18], $0x800  }
0x48: {  	[sflag:s18] =	ssyncset.done $0x0  }
0x49: {  	s24 =	simm.s32 $0x140;
	[sflag:s18] =	ssyncadd.s32 $0xFFFFF800  }
0x4a: {  	s31 =	simm.s32 $0x0;
	v8 =	vld [tilespmem:s24+$0xFFFFFFD0]  }
0x4b: {  	v3 =	vld [tilespmem:s31+$0x4100]  }
0x4c: {  	v6 =	vld [tilespmem:s24+$0x20]  }
0x4d: {  	v9 =	vld [tilespmem:s24+$0xFFFFFFC0]  }
0x4e: {  	v12 =	vld [tilespmem:s24+$0xFFFFFFE0]  }
0x4f: {  	v1 =	vld [tilespmem:s24+$0xFFFFFFF0]  }
0x50: {  	v2 =	vld [tilespmem:s24+$0x30];
	v10 =	vbroadcast v3, $0x0;
	v7 =	vbroadcast v3, $0x3  }
0x51: {  	v4 =	vld [tilespmem:s24+$0x0];
	v5 =	vbroadcast v3, $0x1  }
0x52: {  	v11 =	vmul.f32 v10, v9;
	v9 =	vmul.f32 v6, v7;
	v6 =	vld [tilespmem:s24+$0x10]  }
0x53: {  	v3 =	vbroadcast v3, $0x2  }
0x54: {  	s26 =	simm.s32 $0x140;
	s25 =	simm.s32 $0x40;
	v10 =	vmul.f32 v8, v10;
	v8 =	vmul.f32 v12, v5  }
.LBB2_5:
0x55: {  	p0 =	sne.s32 s25, $0x1FC0  }
0x56: {  	[tilespmem:s24+$0xFFFFFFC0] =	vst v11;
	v4 =	vmul.f32 v4, v3;
	v2 =	vmul.f32 v2, v7;
	s26 =	sadd.s32 $0x80, s26;
	s28 =	smov.u32 s25;
	s25 =	sadd.s32 $0x40, s25  }
0x57: {  	v5 =	vmul.f32 v1, v5;
	v3 =	vmul.f32 v6, v3;
	[tilespmem:s24+$0x20] =	vst v9  }
0x58: {  	[tilespmem:s24+$0xFFFFFFD0] =	vst v10  }
0x59: {  	[tilespmem:s24+$0xFFFFFFE0] =	vst v8  }
0x5a: {  	[tilespmem:s24+$0x30] =	vst v2  }
0x5b: {  	v1 =	vld [tilespmem:s26+$0xFFFFFFF0];
	[tilespmem:s24+$0x10] =	vst v3  }
0x5c: {  	v8 =	vld [tilespmem:s26+$0xFFFFFFD0];
	[tilespmem:s24+$0xFFFFFFF0] =	vst v5  }
0x5d: {  	s28 =	sshra.s32 s28, $0x2;
	v9 =	vld [tilespmem:s26+$0x20];
	[tilespmem:s24+$0x0] =	vst v4;
	s24 =	smov.u32 s26  }
0x5e: {  	v3 =	vld [tilespmem:s28+$0x4100]  }
0x5f: {  	v2 =	vld [tilespmem:s26+$0x30]  }
0x60: {  	v10 =	vld [tilespmem:s26+$0xFFFFFFC0]  }
0x61: {  	v12 =	vld [tilespmem:s26+$0xFFFFFFE0]  }
.Ltmp1:
0x62: {  	v4 =	vld [tilespmem:s26+$0x0];
	(pc) =	sbr.rel @p0 .LBB2_5-.Ltmp1, $4  }
0x63: {  	v13 =	vbroadcast v3, $0x0;
	v6 =	vld [tilespmem:s26+$0x10];
	v7 =	vbroadcast v3, $0x3  }
0x64: {  	v5 =	vbroadcast v3, $0x1;
	v3 =	vbroadcast v3, $0x2  }
0x65: {  	v11 =	vmul.f32 v13, v10;
	v9 =	vmul.f32 v9, v7  }
0x66: {  	v10 =	vmul.f32 v8, v13;
	v8 =	vmul.f32 v12, v5  }
0x67: {  	[tilespmem:s24+$0xFFFFFFC0] =	vst v11  }
0x68: {  	[tilespmem:s24+$0x20] =	vst v9  }
0x69: {  	v2 =	vmul.f32 v2, v7;
	[tilespmem:s24+$0xFFFFFFD0] =	vst v10  }
0x6a: {  	v1 =	vmul.f32 v1, v5;
	[tilespmem:s24+$0xFFFFFFE0] =	vst v8  }
0x6b: {  	v6 =	vmul.f32 v6, v3;
	[tilespmem:s24+$0x30] =	vst v2  }
0x6c: {  	s23 =	sadd.s32 $0x1, s23;
	v2 =	vmul.f32 v4, v3;
	[tilespmem:s24+$0xFFFFFFF0] =	vst v1  }
0x6d: {  	p0 =	sne.s32 s23, s15;
	[tilespmem:s24+$0x10] =	vst v6  }
.Ltmp2:
0x6e: {  	[tilespmem:s24+$0x0] =	vst v2;
	(pc) =	sbr.rel @p0 .LBB2_4-.Ltmp2, $4  }
0x6f: {  	[spmem:s3] =	stream.indirect.scatter.add.f32 [tilespmem:s17], [sflag:$0x2], $0x80, s19, s19, $0xb8;
	[tilespmem:$0x18500] =	vst v63  }
0x70: {  	_ =	swait.ge [sflag:s18], $0x4000  }
0x71: {  	[sflag:s18] =	ssyncset.done $0x0  }
0x72: {  	[sflag:s18] =	ssyncadd.s32 $0xFFFFC000  }
0x73: {  	s4 =	sadd.s32 $0x1, s4  }
0x74: {  	s22 =	sshll.u32 s0, $0x6;
	[bflag:$0x0] =	sbarrier.arrive $0xFFFF;
	p0 =	sne.s32 s4, s16  }
.Ltmp3:
0x75: {  	s23 =	sshrl.u32 s8, $0x3;
	s22 =	sor.u32 $0x1C02, s22;
	(pc) =	sbr.rel @p0 .LBB2_1-.Ltmp3, $4  }
0x76: {  	[hbm:s14], [sflag:s22] =	dma.local [spmem:s23], $0x2780  }
0x77: {  	_ =	swait.ge [sflag:s18], $0x2780  }
0x78: {  	[sflag:s18] =	ssyncset.done $0x0  }
0x79: {  	[sflag:s18] =	ssyncadd.s32 $0xFFFFD880  }
0x7a: {  	_ =	sfence.sel $0x180000  }
0x7b: {  	[bflag:$0x0] =	sbarrier.arrive $0xFFFF  }
0x7c: {  	p0 =	sne.s32 s0, $0x0;
	_ =	strace $0x9000004D  }
0x7d: {  	s0 =	sadd.s32 @!p0 $0x100000, s1;
	[bflag:$0x2] =	sbarrier.arrive $0xFFFF  }
0x7e: {  	[sflag:s0] =	ssyncadd.tile.s32 @!p0 $0x1;
	_ =	shalt  }
.Lfunc_end2:
_tile_overlayer_lowered:
.L_overlay_start_2:
0x7f: {  	(tag) =	ssettag $0x2  }
0x80: {  	s0 =	rddreg [dreg:$0x0];
	s2 =	stileid.u32  }
0x81: {  	s1 =	rddreg [dreg:$0x1];
	p0 =	sne.s32 s2, $0x0  }
0x82: {  	s3 =	rddreg [dreg:$0x2];
	[bflag:$0x3] =	sbarrier.arrive $0xFFFF;
	s2 =	simm.s32 @!p0 $0x1C02  }
0x83: {  	[timem:s3], [sflag:s2] =	dma.local @!p0 [hbm:s0], s1  }
0x84: {  	s0 =	simm.s32 @!p0 $0x2  }
0x85: {  	_ =	swait.ge @!p0 [sflag:s0], s1  }
0x86: {  	s1 =	ssub.s32 @!p0 $0x0, s1;
	[sflag:s0] =	ssyncset.done @!p0 $0x0  }
0x87: {  	[sflag:s0] =	ssyncadd.s32 @!p0 s1  }
0x88: {  	[bflag:$0x3] =	sbarrier.arrive $0xFFFF  }
0x89: {  	_ =	shalt  }

// kernel: kernel.19.cloned.1.call-start
scs
__scs_entry_jumppad:
0x0: {  	(pc) =	sbr.rel $0x88, $3  }
0x1: {  	(tag) =	ssettag $0x0;
	lr =	simm.s32 $0x1  }
0x2: {  	[smem:$0x3F98] =	sst lr;
	_ =	strace $0xD0000000  }
0x3: {  	_ = 	snop  }
0x4: {  	_ = 	snop  }
0x5: {  	_ = 	snop  }
0x6: {  	_ = 	snop  }
0x7: {  	_ = 	snop  }
__scs_overlays_trampoline_lowered:
0x8: {  	[smem:$0x3FA7] =	sst s0  }
0x9: {  	[smem:$0x3FA8] =	sst s1  }
0xa: {  	[smem:$0x3FA9] =	sst s2  }
0xb: {  	[smem:$0x3FAA] =	sst s3  }
0xc: {  	[smem:$0x3FAB] =	sst s4  }
0xd: {  	[smem:$0x3FAC] =	sst s5  }
0xe: {  	[smem:$0x3FAD] =	sst s6  }
0xf: {  	[smem:$0x3FAE] =	sst s7  }
0x10: {  	[smem:$0x3FAF] =	sst s8  }
0x11: {  	[smem:$0x3FB0] =	sst s9;
	s0 =	simm.s32 @!p0 $0x0  }
0x12: {  	s1 =	sld [smem:$0x3F96];
	s0 =	simm.s32 @p0 $0x1  }
0x13: {  	[smem:$0x3FB1] =	sst s0;
	s0 =	simm.s32 @!p1 $0x0  }
0x14: {  	s2 =	sld [smem:$0x3F95];
	s0 =	simm.s32 @p1 $0x1  }
0x15: {  	[smem:$0x3FB2] =	sst s0;
	s0 =	simm.s32 @!p2 $0x0  }
0x16: {  	s3 =	sld [smem:$0x3FDB];
	s0 =	simm.s32 @p2 $0x1  }
0x17: {  	s4 =	simm.s32 $0x1BF5;
	[smem:$0x3FB4] =	sst s0  }
0x18: {  	s0 =	sld [smem:$0x3F97];
	_ =	swait.ge [sflag:s4], $0x0  }
0x19: {  	s7 =	sld [smem:$0x3F98]  }
0x1a: {  	s8 =	sadd.s32 $0xFFFFE003, lr  }
0x1b: {  	s9 =	sadd.s32 $0xFFFFFEF7, lr;
	s5 =	simm.s32 $0xFFFFFFFF;
	p2 =	slt.u32 s8, $0xFFFFF086  }
0x1c: {  	p1 =	slt.u32 s9, $0xF7A;
	s5 =	simm.s32 @!p2 $0x0  }
0x1d: {  	s5 =	simm.s32 @p1 $0x1;
	p0 =	seq.s32 s7, s2  }
0x1e: {  	s7 =	smul.u32 @!p0 $0xF7A, s2;
	p2 =	seq.s32 @!p0 s5, $0x0  }
0x1f: {  	s9 =	smul.u32 $0xF7A, s1;
	s8 =	simm.s32 @!p0 $0x1BF5;
	p2 =	por !p2, p0  }
0x20: {  	[sflag:s8] =	ssyncset.s32 @!p0 $0xFFFFF086;
	s6 =	sadd.s32 @!p0 s3, s7;
	s7 =	simm.s32 @!p0 $0x108  }
0x21: {  	s3 =	sadd.s32 s3, s9;
	s6 =	sadd.s32 @!p0 $0x88, s6;
	s7 =	simm.s32 @p2 $0x1082  }
0x22: {  	[simem:s7], [sflag:s8] =	dma.local @!p0 [hbm:s6], $0xF7A  }
0x23: {  	s9 =	sor.u32 $0xD0000000, s2;
	s6 =	simm.s32 $0x108;
	_ =	swait.ge @!p0 [sflag:s8], $0x0  }
0x24: {  	s3 =	sadd.s32 $0x88, s3;
	s6 =	simm.s32 @!p1 $0x1082;
	[sflag:s4] =	ssyncset.s32 $0xFFFFF086  }
0x25: {  	[simem:s6], [sflag:s4] =	dma.local [hbm:s3], $0xF7A  }
0x26: {  	[smem:$0x3F98] =	sst s1;
	(tag) =	ssettag s2;
	_ =	strace s9  }
0x27: {  	s1 =	sld [smem:$0x3FA8]  }
0x28: {  	s2 =	sld [smem:$0x3FA9]  }
0x29: {  	s4 =	sld [smem:$0x3FAB]  }
0x2a: {  	p0 =	seq.s32 s5, $0x0;
	s5 =	sld [smem:$0x3FAC]  }
0x2b: {  	s6 =	sld [smem:$0x3FAD]  }
0x2c: {  	s7 =	sld [smem:$0x3FAE]  }
0x2d: {  	s3 =	simm.s32 $0x108;
	s8 =	sld [smem:$0x3FAF]  }
0x2e: {  	s3 =	simm.s32 @!p0 $0x1082;
	s9 =	sld [smem:$0x3FB0]  }
0x2f: {  	lr =	sadd.s32 s0, s3;
	s0 =	sld [smem:$0x3FA7]  }
0x30: {  	s3 =	sld [smem:$0x3FAA]  }
0x31: {  	[smem:$0x3FB3] =	sst s10  }
0x32: {  	s10 =	sld [smem:$0x3FB1];
	_ =	sdelay $0x3  }
0x33: {  	p0 =	seq.s32 s10, $0x1;
	s10 =	sld [smem:$0x3FB3];
	_ =	sdelay $0x3  }
0x34: {  	[smem:$0x3FB3] =	sst s10  }
0x35: {  	s10 =	sld [smem:$0x3FB2];
	_ =	sdelay $0x3  }
0x36: {  	p1 =	seq.s32 s10, $0x1;
	s10 =	sld [smem:$0x3FB3];
	_ =	sdelay $0x3  }
0x37: {  	[smem:$0x3FB3] =	sst s10  }
0x38: {  	s10 =	sld [smem:$0x3FB4]  }
0x39: {  	_ = 	snop;
	(pc) =	sbr.ind lr, $3  }
0x3a: {  	_ = 	snop  }
0x3b: {  	_ = 	snop  }
0x3c: {  	p2 =	seq.s32 s10, $0x1;
	s10 =	sld [smem:$0x3FB3]  }
0x3d: {  	_ =	shalt  }
0x3e: {  	_ =	shalt  }
0x3f: {  	_ =	shalt  }
0x40: {  	_ =	shalt  }
0x41: {  	_ =	shalt  }
0x42: {  	_ =	shalt  }
0x43: {  	_ =	shalt  }
0x44: {  	_ =	shalt  }
0x45: {  	_ =	shalt  }
0x46: {  	_ =	shalt  }
0x47: {  	_ =	shalt  }
0x48: {  	_ =	shalt  }
0x49: {  	_ =	shalt  }
0x4a: {  	_ =	shalt  }
0x4b: {  	_ =	shalt  }
0x4c: {  	_ =	shalt  }
0x4d: {  	_ =	shalt  }
0x4e: {  	_ =	shalt  }
0x4f: {  	_ =	shalt  }
0x50: {  	_ =	shalt  }
0x51: {  	_ =	shalt  }
0x52: {  	_ =	shalt  }
0x53: {  	_ =	shalt  }
0x54: {  	_ =	shalt  }
0x55: {  	_ =	shalt  }
0x56: {  	_ =	shalt  }
0x57: {  	_ =	shalt  }
0x58: {  	_ =	shalt  }
0x59: {  	_ =	shalt  }
0x5a: {  	_ =	shalt  }
0x5b: {  	_ =	shalt  }
0x5c: {  	_ =	shalt  }
0x5d: {  	_ =	shalt  }
0x5e: {  	_ =	shalt  }
0x5f: {  	_ =	shalt  }
0x60: {  	_ =	shalt  }
0x61: {  	_ =	shalt  }
0x62: {  	_ =	shalt  }
0x63: {  	_ =	shalt  }
0x64: {  	_ =	shalt  }
0x65: {  	_ =	shalt  }
0x66: {  	_ =	shalt  }
0x67: {  	_ =	shalt  }
0x68: {  	_ =	shalt  }
0x69: {  	_ =	shalt  }
0x6a: {  	_ =	shalt  }
0x6b: {  	_ =	shalt  }
0x6c: {  	_ =	shalt  }
0x6d: {  	_ =	shalt  }
0x6e: {  	_ =	shalt  }
0x6f: {  	_ =	shalt  }
0x70: {  	_ =	shalt  }
0x71: {  	_ =	shalt  }
0x72: {  	_ =	shalt  }
0x73: {  	_ =	shalt  }
0x74: {  	_ =	shalt  }
0x75: {  	_ =	shalt  }
0x76: {  	_ =	shalt  }
0x77: {  	_ =	shalt  }
0x78: {  	_ =	shalt  }
0x79: {  	_ =	shalt  }
0x7a: {  	_ =	shalt  }
0x7b: {  	_ =	shalt  }
0x7c: {  	_ =	shalt  }
0x7d: {  	_ =	shalt  }
0x7e: {  	_ =	shalt  }
0x7f: {  	_ =	shalt  }
0x80: {  	_ =	shalt  }
0x81: {  	_ =	shalt  }
0x82: {  	_ =	shalt  }
0x83: {  	_ =	shalt  }
0x84: {  	_ =	shalt  }
0x85: {  	_ =	shalt  }
0x86: {  	_ =	shalt  }
0x87: {  	_ =	shalt  }
.Lfunc_end0:
.L_simem_size_0:
called_computation.3_lowered:
.L_overlay_start_0:
0x88: {  	s2 =	sld [smem:$0x3FD9]  }
0x89: {  	s3 =	sld [smem:$0x3FFE];
	_ =	sdelay $0x1  }
0x8a: {  	s1 =	srdreg.scid  }
0x8b: {  	s0 =	sand.u32 $0x1, s1  }
0x8c: {  	s16 =	sshll.u32 s0, $0xA;
	s2 =	sadd.s32 s3, s2  }
0x8d: {  	s2 =	sadd.s32 s2, s16  }
0x8e: {  	[smem:$0x3FBF] =	sst s2  }
0x8f: {  	_ = 	snop  }
0x90: {  	(tm) =	ssettm $0x1  }
0x91: {  	s17 =	sld [smem:$0x3FFB];
	_ =	sdelay $0x3  }
0x92: {  	_ =	strace s17  }
0x93: {  	s2 =	sld [smem:$0x3FFC];
	_ =	sdelay $0x3  }
0x94: {  	_ =	strace s2  }
0x95: {  	s2 =	sld [smem:$0x3FFD];
	_ =	sdelay $0x3  }
0x96: {  	_ =	strace s2  }
0x97: {  	_ =	strace $0x8FFFFFFF  }
0x98: {  	s18 =	sld [smem:$0x3FDB];
	_ =	sdelay $0x1  }
0x99: {  	s19 =	simm.s32 $_scs_section_size  }
0x9a: {  	s4 =	simm.s32 $_size__tile_overlayer_lowered;
	s5 =	simm.s32 $_tile_overlayer_lowered  }
0x9b: {  	s22 =	simm.s32 $0x1BFF;
	s21 =	sshll.u32 s5, $0x1;
	s2 =	sadd.s32 s19, s18  }
0x9c: {  	s6 =	simm.s32 $0x0;
	s20 =	sshll.u32 s4, $0x1;
	s4 =	sadd.s32 s21, s2  }
0x9d: {  	[timem:s6], [sflag:s22] =	dma.local [hbm:s4], s20  }
0x9e: {  	_ =	swait.ge [sflag:s22], s20  }
0x9f: {  	s3 =	ssub.s32 $0x0, s20;
	[sflag:s22] =	ssyncset.done $0x0  }
0xa0: {  	[sflag:s22] =	ssyncadd.s32 s3;
	_ =	sdelay $0x1  }
0xa1: {  	s23 =	simm.s32 $0x1B8B  }
0xa2: {  	_ =	swait.ge [sflag:s23], $0x1  }
0xa3: {  	[sflag:s23] =	ssyncset.done $0x0  }
0xa4: {  	s25 =	simm.s32 $0x1B8E;
	s24 =	sld [smem:$0x3FFE];
	[sflag:s23] =	ssyncadd.s32 $0xFFFFFFFF  }
0xa5: {  	s26 =	simm.s32 $execute0_lowered;
	[smem:$0x3FD2] =	sst s25  }
0xa6: {  	s4 =	sshll.u32 s26, $0x1;
	_ =	strace $0x8000004F;
	[dreg:$0x1] =	wrdreg $0xFFFFFFFF  }
0xa7: {  	s28 =	simm.s32 $_size_execute0_lowered;
	s2 =	sadd.s32 s2, s4;
	[dreg:$0x0] =	wrdreg $0x0  }
0xa8: {  	s4 =	sshll.u32 s28, $0x1;
	[dreg:$0x2] =	wrdreg s2  }
0xa9: {  	[dreg:$0x3] =	wrdreg s4  }
0xaa: {  	[dreg:$0x4] =	wrdreg $0xC0  }
0xab: {  	_ =	task [dreg:s6], $0x5FFFF  }
0xac: {  	[dreg:$0x1] =	wrdreg $0xFFFFFFFF  }
0xad: {  	[dreg:$0x0] =	wrdreg $0x60  }
0xae: {  	[dreg:$0x2] =	wrdreg s24  }
0xaf: {  	[dreg:$0x3] =	wrdreg $0x49000  }
0xb0: {  	[dreg:$0x4] =	wrdreg $0x9  }
0xb1: {  	_ =	task.clear_ibuf [dreg:s6], $0x5FFFF;
	_ =	strace $0x9000004F  }
0xb2: {  	s29 =	simm.s32 $0x9;
	_ =	strace $0x80000051  }
0xb3: {  	_ =	swait.ge [sflag:s29], $0x1  }
0xb4: {  	[sflag:s29] =	ssyncadd.s32 $0xFFFFFFFF  }
0xb5: {  	_ =	strace $0x90000051  }
0xb6: {  	_ =	sfence  }
0xb7: {  	s30 =	sld [smem:$0x0];
	_ =	sdelay $0x2  }
0xb8: {  	s31 =	sshll.u32 s1, $0xD;
	s1 =	sshrl.u32 s1, $0x2  }
0xb9: {  	s3 =	sand.u32 $0x4000, s31;
	s1 =	sadd.s32 s1, s30  }
0xba: {  	s0 =	sor.u32 s3, s0;
	s1 =	sshll.u32 s1, $0x11  }
0xbb: {  	s0 =	sor.u32 s1, s0  }
0xbc: {  	s0 =	sadd.s32 $0x8F2B, s0  }
0xbd: {  	[sflag:s0] =	ssyncadd.remote.s32 $0x1  }
0xbe: {  	_ =	sfence.sel $0xFFFF  }
0xbf: {  	[dreg:$0x0] =	wrdreg $0xFFFFFFFF;
	(pc) =	sbr.abs _section_cstart, $3  }
0xc0: {  	[dreg:$0x1] =	wrdreg $0xFFFFFFFF  }
0xc1: {  	_ =	task.clear_ibuf [dreg:s6], $0x2FFFF;
	_ =	strace $0x9FFFFFFF  }
0xc2: {  	(tm) =	ssettm $0x7FFFFFFF  }
0xc3: {  	_ =	shalt  }
tec
execute0_lowered:
.L_overlay_start_1:
0x0: {  	(tag) =	ssettag $0x1  }
0x1: {  	s8 =	rddreg [dreg:$0x0]  }
0x2: {  	s2 =	rddreg [dreg:$0x1]  }
0x3: {  	s0 =	rddreg [dreg:$0x2]  }
0x4: {  	s4 =	srdreg.scid;
	s1 =	stileid.u32  }
0x5: {  	s3 =	simm.s32 $0x0;
	s17 =	simm.s32 $0x100;
	s18 =	simm.s32 $0x2  }
0x6: {  	s19 =	simm.s32 $0x80;
	s20 =	simm.s32 $0x1;
	s21 =	simm.s32 $0x4100  }
0x7: {  	s9 =	sand.u32 $0x1, s4;
	s10 =	smul.u32 $0x13C00, s1;
	[smem:$0x7FF] =	sst s3  }
0x8: {  	s4 =	sadd.s32 $0x11400, s8;
	s5 =	sadd.s32 $0x7600, s8;
	s12 =	smul.u32 $0x4F000, s1  }
0x9: {  	s6 =	smul.u32 $0x13C000, s9;
	_ =	strace $0x80000050;
	s30 =	ssub.s32 $0x2, s9  }
0xa: {  	s9 =	sshll.u32 s9, $0x4;
	s31 =	sshrl.u32 s30, $0x1;
	s12 =	sshrl.u32 s12, $0x2  }
0xb: {  	s13 =	sor.u32 s1, s9;
	s7 =	sadd.s32 s10, s6;
	s6 =	sadd.s32 $0x33E00, s8  }
0xc: {  	s16 =	ssub.s32 s30, s31;
	s12 =	sadd.s32 s12, s2;
	s15 =	ssub.s32 $0x9E3, s13  }
0xd: {  	s13 =	sshll.u32 s13, $0x7;
	s11 =	sshrl.u32 s7, $0x3;
	s7 =	sadd.s32 $0xD0200, s8  }
0xe: {  	s9 =	sadd.s32 $0x4000, s12;
	s15 =	sshrl.u32 s15, $0x5;
	s16 =	smax.u32 s16, $0x1  }
0xf: {  	s14 =	sadd.s32 s11, s8;
	s8 =	sadd.s32 s10, s2;
	s10 =	sadd.s32 $0x8000, s12  }
0x10: {  	v0 =	vimm.f32 $0.0e+00;
	s11 =	sadd.s32 $0xC000, s12;
	s12 =	sadd.s32 $0x10000, s12;
	s14 =	sadd.s32 $0xF7A00, s14  }
.LBB2_1:
0x11: {  	s22 =	simm.s32 $0x0;
	s23 =	simm.s32 $0x200  }
.LBB2_2:
0x12: {  	p0 =	sne.s32 s23, $0xFE00;
	[tilespmem:s22+$0x170] =	vst v0  }
0x13: {  	[tilespmem:s22+$0x100] =	vst v0  }
0x14: {  	[tilespmem:s22+$0x110] =	vst v0  }
.Ltmp0:
0x15: {  	[tilespmem:s22+$0x120] =	vst v0;
	(pc) =	sbr.rel @p0 .LBB2_2-.Ltmp0, $4  }
0x16: {  	[tilespmem:s22+$0x130] =	vst v0  }
0x17: {  	[tilespmem:s22+$0x140] =	vst v0  }
0x18: {  	[tilespmem:s22+$0x150] =	vst v0  }
0x19: {  	[tilespmem:s22+$0x160] =	vst v0;
	s22 =	sshra.s32 s23, $0x2;
	s23 =	sadd.s32 $0x200, s23  }
0x1a: {  	[tilespmem:s22+$0x170] =	vst v0  }
0x1b: {  	[tilespmem:s22+$0x100] =	vst v0  }
0x1c: {  	[tilespmem:s22+$0x110] =	vst v0  }
0x1d: {  	[tilespmem:s22+$0x120] =	vst v0  }
0x1e: {  	[tilespmem:s22+$0x130] =	vst v0  }
0x1f: {  	[tilespmem:s22+$0x140] =	vst v0  }
0x20: {  	[tilespmem:s22+$0x150] =	vst v0  }
0x21: {  	[tilespmem:s22+$0x160] =	vst v0  }
0x22: {  	[spmem:s8] =	stream.linear.scatter [tilespmem:s17], [sflag:$0x2], $0x4000, $0x38;
	[tilespmem:$0x18500] =	vst v63  }
0x23: {  	_ =	swait.ge [sflag:s18], $0x4000  }
0x24: {  	[sflag:s18] =	ssyncset.done $0x0  }
0x25: {  	[sflag:s18] =	ssyncadd.s32 $0xFFFFC000  }
0x26: {  	[spmem:s9] =	stream.linear.scatter [tilespmem:s17], [sflag:$0x2], $0x4000, $0x38;
	[tilespmem:$0x18500] =	vst v63  }
0x27: {  	_ =	swait.ge [sflag:s18], $0x4000  }
0x28: {  	[sflag:s18] =	ssyncset.done $0x0  }
0x29: {  	[sflag:s18] =	ssyncadd.s32 $0xFFFFC000  }
0x2a: {  	[spmem:s10] =	stream.linear.scatter [tilespmem:s17], [sflag:$0x2], $0x4000, $0x38;
	[tilespmem:$0x18500] =	vst v63  }
0x2b: {  	_ =	swait.ge [sflag:s18], $0x4000  }
0x2c: {  	[sflag:s18] =	ssyncset.done $0x0  }
0x2d: {  	[sflag:s18] =	ssyncadd.s32 $0xFFFFC000  }
0x2e: {  	[spmem:s11] =	stream.linear.scatter [tilespmem:s17], [sflag:$0x2], $0x4000, $0x38;
	[tilespmem:$0x18500] =	vst v63  }
0x2f: {  	_ =	swait.ge [sflag:s18], $0x4000  }
0x30: {  	[sflag:s18] =	ssyncset.done $0x0  }
0x31: {  	[sflag:s18] =	ssyncadd.s32 $0xFFFFC000  }
0x32: {  	[spmem:s12] =	stream.linear.scatter [tilespmem:s17], [sflag:$0x2], $0x3C00, $0x38;
	[tilespmem:$0x18500] =	vst v63  }
0x33: {  	_ =	swait.ge [sflag:s18], $0x3C00  }
0x34: {  	[sflag:s18] =	ssyncset.done $0x0  }
0x35: {  	[sflag:s18] =	ssyncadd.s32 $0xFFFFC400  }
0x36: {  	s22 =	simm.s32 $0x0;
	s23 =	simm.s32 $0x0;
	[bflag:$0x0] =	sbarrier.arrive $0xFFFF  }
.LBB2_4:
0x37: {  	s24 =	sshll.u32 s23, $0xC  }
0x38: {  	s24 =	sor.u32 s13, s24  }
0x39: {  	s25 =	sshrl.u32 s24, $0x3  }
0x3a: {  	s26 =	sadd.s32 s4, s25  }
0x3b: {  	[tilespmem:s22], [sflag:$0x2] =	stream.linear.gather [hbm4b:s26+s22], $0x80, $0x38;
	[tilespmem:$0x18500] =	vst v63  }
0x3c: {  	_ =	swait.ge [sflag:s18], $0x80  }
0x3d: {  	[sflag:s18] =	ssyncset.done $0x0  }
0x3e: {  	s25 =	sadd.s32 s5, s25;
	[sflag:s18] =	ssyncadd.s32 $0xFFFFFF80  }
0x3f: {  	[tilespmem:s19], [sflag:$0x2] =	stream.linear.gather [hbm4b:s25+s22], $0x80, $0x38;
	[tilespmem:$0x18500] =	vst v63  }
0x40: {  	_ =	swait.ge [sflag:s18], $0x80  }
0x41: {  	[sflag:s18] =	ssyncset.done $0x0  }
0x42: {  	[sflag:s18] =	ssyncadd.s32 $0xFFFFFF80  }
0x43: {  	[tilespmem:s17], [sflag:$0x1] =	stream.indirect.gather [hbm4b:s7+s19], $0x80, s22, s19, $0xb8;
	[tilespmem:$0x18500] =	vst v63  }
0x44: {  	s24 =	sshll.u32 s24, $0x1;
	_ =	swait.ge [sflag:s20], $0x4000  }
0x45: {  	s24 =	sand.u32 $0x1FFFFF00, s24;
	[sflag:s20] =	ssyncset.done $0x0  }
0x46: {  	s24 =	sadd.s32 s6, s24;
	[sflag:s20] =	ssyncadd.s32 $0xFFFFC000  }
0x47: {  	[tilespmem:s21], [sflag:$0x2] =	stream.linear.gather [hbm4b:s24+s22], $0x800, $0x38;
	[tilespmem:$0x18500] =	vst v63  }
0x48: {  	_ =	swait.ge [sflag:s18], $0x800  }
0x49: {  	[sflag:s18] =	ssyncset.done $0x0  }
0x4a: {  	s24 =	simm.s32 $0x140;
	[sflag:s18] =	ssyncadd.s32 $0xFFFFF800  }
0x4b: {  	s31 =	simm.s32 $0x0;
	v8 =	vld [tilespmem:s24+$0xFFFFFFD0]  }
0x4c: {  	v3 =	vld [tilespmem:s31+$0x4100]  }
0x4d: {  	v6 =	vld [tilespmem:s24+$0x20]  }
0x4e: {  	v9 =	vld [tilespmem:s24+$0xFFFFFFC0]  }
0x4f: {  	v12 =	vld [tilespmem:s24+$0xFFFFFFE0]  }
0x50: {  	v1 =	vld [tilespmem:s24+$0xFFFFFFF0]  }
0x51: {  	v2 =	vld [tilespmem:s24+$0x30];
	v10 =	vbroadcast v3, $0x0;
	v7 =	vbroadcast v3, $0x3  }
0x52: {  	v4 =	vld [tilespmem:s24+$0x0];
	v5 =	vbroadcast v3, $0x1  }
0x53: {  	v11 =	vmul.f32 v10, v9;
	v9 =	vmul.f32 v6, v7;
	v6 =	vld [tilespmem:s24+$0x10]  }
0x54: {  	v3 =	vbroadcast v3, $0x2  }
0x55: {  	s26 =	simm.s32 $0x140;
	s25 =	simm.s32 $0x40;
	v10 =	vmul.f32 v8, v10;
	v8 =	vmul.f32 v12, v5  }
.LBB2_5:
0x56: {  	p0 =	sne.s32 s25, $0x1FC0  }
0x57: {  	[tilespmem:s24+$0xFFFFFFC0] =	vst v11;
	v4 =	vmul.f32 v4, v3;
	v2 =	vmul.f32 v2, v7;
	s26 =	sadd.s32 $0x80, s26;
	s28 =	smov.u32 s25;
	s25 =	sadd.s32 $0x40, s25  }
0x58: {  	v5 =	vmul.f32 v1, v5;
	v3 =	vmul.f32 v6, v3;
	[tilespmem:s24+$0x20] =	vst v9  }
0x59: {  	[tilespmem:s24+$0xFFFFFFD0] =	vst v10  }
0x5a: {  	[tilespmem:s24+$0xFFFFFFE0] =	vst v8  }
0x5b: {  	[tilespmem:s24+$0x30] =	vst v2  }
0x5c: {  	v1 =	vld [tilespmem:s26+$0xFFFFFFF0];
	[tilespmem:s24+$0x10] =	vst v3  }
0x5d: {  	v8 =	vld [tilespmem:s26+$0xFFFFFFD0];
	[tilespmem:s24+$0xFFFFFFF0] =	vst v5  }
0x5e: {  	s28 =	sshra.s32 s28, $0x2;
	v9 =	vld [tilespmem:s26+$0x20];
	[tilespmem:s24+$0x0] =	vst v4;
	s24 =	smov.u32 s26  }
0x5f: {  	v3 =	vld [tilespmem:s28+$0x4100]  }
0x60: {  	v2 =	vld [tilespmem:s26+$0x30]  }
0x61: {  	v10 =	vld [tilespmem:s26+$0xFFFFFFC0]  }
0x62: {  	v12 =	vld [tilespmem:s26+$0xFFFFFFE0]  }
.Ltmp1:
0x63: {  	v4 =	vld [tilespmem:s26+$0x0];
	(pc) =	sbr.rel @p0 .LBB2_5-.Ltmp1, $4  }
0x64: {  	v13 =	vbroadcast v3, $0x0;
	v6 =	vld [tilespmem:s26+$0x10];
	v7 =	vbroadcast v3, $0x3  }
0x65: {  	v5 =	vbroadcast v3, $0x1;
	v3 =	vbroadcast v3, $0x2  }
0x66: {  	v11 =	vmul.f32 v13, v10;
	v9 =	vmul.f32 v9, v7  }
0x67: {  	v10 =	vmul.f32 v8, v13;
	v8 =	vmul.f32 v12, v5  }
0x68: {  	[tilespmem:s24+$0xFFFFFFC0] =	vst v11  }
0x69: {  	[tilespmem:s24+$0x20] =	vst v9  }
0x6a: {  	v2 =	vmul.f32 v2, v7;
	[tilespmem:s24+$0xFFFFFFD0] =	vst v10  }
0x6b: {  	v1 =	vmul.f32 v1, v5;
	[tilespmem:s24+$0xFFFFFFE0] =	vst v8  }
0x6c: {  	v6 =	vmul.f32 v6, v3;
	[tilespmem:s24+$0x30] =	vst v2  }
0x6d: {  	s23 =	sadd.s32 $0x1, s23;
	v2 =	vmul.f32 v4, v3;
	[tilespmem:s24+$0xFFFFFFF0] =	vst v1  }
0x6e: {  	p0 =	sne.s32 s23, s15;
	[tilespmem:s24+$0x10] =	vst v6  }
.Ltmp2:
0x6f: {  	[tilespmem:s24+$0x0] =	vst v2;
	(pc) =	sbr.rel @p0 .LBB2_4-.Ltmp2, $4  }
0x70: {  	[spmem:s2] =	stream.indirect.scatter.add.f32 [tilespmem:s17], [sflag:$0x2], $0x80, s19, s19, $0xb8;
	[tilespmem:$0x18500] =	vst v63  }
0x71: {  	_ =	swait.ge [sflag:s18], $0x4000  }
0x72: {  	[sflag:s18] =	ssyncset.done $0x0  }
0x73: {  	[sflag:s18] =	ssyncadd.s32 $0xFFFFC000  }
0x74: {  	s3 =	sadd.s32 $0x1, s3  }
0x75: {  	s22 =	sshll.u32 s1, $0x6;
	[bflag:$0x0] =	sbarrier.arrive $0xFFFF;
	p0 =	sne.s32 s3, s16  }
.Ltmp3:
0x76: {  	s23 =	sshrl.u32 s8, $0x3;
	s22 =	sor.u32 $0x1C02, s22;
	(pc) =	sbr.rel @p0 .LBB2_1-.Ltmp3, $4  }
0x77: {  	[hbm:s14], [sflag:s22] =	dma.local [spmem:s23], $0x2780  }
0x78: {  	_ =	swait.ge [sflag:s18], $0x2780  }
0x79: {  	[sflag:s18] =	ssyncset.done $0x0  }
0x7a: {  	[sflag:s18] =	ssyncadd.s32 $0xFFFFD880  }
0x7b: {  	_ =	sfence.sel $0x180000  }
0x7c: {  	[bflag:$0x0] =	sbarrier.arrive $0xFFFF  }
0x7d: {  	p0 =	sne.s32 s1, $0x0;
	_ =	strace $0x90000050  }
0x7e: {  	s0 =	sadd.s32 @!p0 $0x100000, s0;
	[bflag:$0x2] =	sbarrier.arrive $0xFFFF  }
0x7f: {  	[sflag:s0] =	ssyncadd.tile.s32 @!p0 $0x1;
	_ =	shalt  }
.Lfunc_end2:
_tile_overlayer_lowered:
.L_overlay_start_2:
0x80: {  	(tag) =	ssettag $0x2  }
0x81: {  	s0 =	rddreg [dreg:$0x0];
	s2 =	stileid.u32  }
0x82: {  	s1 =	rddreg [dreg:$0x1];
	p0 =	sne.s32 s2, $0x0  }
0x83: {  	s3 =	rddreg [dreg:$0x2];
	[bflag:$0x3] =	sbarrier.arrive $0xFFFF;
	s2 =	simm.s32 @!p0 $0x1C02  }
0x84: {  	[timem:s3], [sflag:s2] =	dma.local @!p0 [hbm:s0], s1  }
0x85: {  	s0 =	simm.s32 @!p0 $0x2  }
0x86: {  	_ =	swait.ge @!p0 [sflag:s0], s1  }
0x87: {  	s1 =	ssub.s32 @!p0 $0x0, s1;
	[sflag:s0] =	ssyncset.done @!p0 $0x0  }
0x88: {  	[sflag:s0] =	ssyncadd.s32 @!p0 s1  }
0x89: {  	[bflag:$0x3] =	sbarrier.arrive $0xFFFF  }
0x8a: {  	_ =	shalt  }

</sc_bundles>
